<compile_context>
chip_gen: v7x
topology: tpu7x:2x2x1
jax: 0.10.2.dev20260603
libtpu: 0.0.44.dev20260713+nightly
codegen_flags: <defaults>
</compile_context>

<pallas_src>
import functools

import jax
import jax.numpy as jnp
from jax import lax
from jax.experimental import pallas as pl
from jax.experimental.pallas import tpu as pltpu
from jax.experimental.pallas import tpu_sc as plsc

NC = 2
NS = 16
L = 16
NW = NC * NS

CHUNK = 128

CORE0_SHARE = 0.75


def _sc_mesh():
    return plsc.VectorSubcoreMesh(
        core_axis_name="c", subcore_axis_name="s", num_cores=NC, num_subcores=NS
    )


def _sc_agg_body(k0, k1, ib, stripe, table_hbm, src_hbm, dst_hbm, zeros_hbm,
                 agg_out, src_v, dst_v, rows0_v, rows1_v, agg_sh,
                 gsem, ssem0, ssem1):
    c = lax.axis_index("c")
    s = lax.axis_index("s")
    w = c * NS + s
    row0 = s * stripe
    k_eff = jnp.where(c == 0, k0, k1)

    pltpu.sync_copy(zeros_hbm.at[pl.ds(row0, stripe)],
                    agg_sh.at[pl.ds(row0, stripe)])
    plsc.subcore_barrier()

    def block(b, carry):
        pltpu.sync_copy(src_hbm.at[w, pl.ds(b * ib, ib)], src_v)
        pltpu.sync_copy(dst_hbm.at[w, pl.ds(b * ib, ib)], dst_v)
        pairs = jnp.clip((k_eff - b * ib) // 2, 0, ib // 2)

        def pair(m, carry2):
            j0 = 2 * m
            j1 = 2 * m + 1
            g0 = 2 * m + b * ib
            g1 = g0 + 1
            pltpu.async_copy(table_hbm.at[src_v.at[j0]], rows0_v,
                             gsem).wait()

            @pl.when(m > 0)
            def _():
                pltpu.make_async_copy(
                    rows1_v, agg_sh.at[dst_v.at[j1 - 2]], ssem1).wait()

            pltpu.async_copy(rows0_v, agg_sh.at[dst_v.at[j0]], ssem0,
                             add=True)
            pltpu.async_copy(table_hbm.at[src_v.at[j1]], rows1_v,
                             gsem).wait()
            pltpu.make_async_copy(rows0_v, agg_sh.at[dst_v.at[j0]],
                                  ssem0).wait()
            pltpu.async_copy(rows1_v, agg_sh.at[dst_v.at[j1]], ssem1,
                             add=True)
            return carry2

        lax.fori_loop(0, pairs, pair, 0)

        @pl.when(pairs > 0)
        def _():
            last = 2 * pairs - 1
            pltpu.make_async_copy(rows1_v, agg_sh.at[dst_v.at[last]],
                                  ssem1).wait()
        return carry

    lax.fori_loop(0, (jnp.maximum(k_eff, 1) + ib - 1) // ib, block, 0)
    plsc.subcore_barrier()

    pltpu.sync_copy(agg_sh.at[pl.ds(row0, stripe)],
                    agg_out.at[c, pl.ds(row0, stripe)])


def _make_sc_agg(n_pad, k0, k1, ib, d):
    stripe = n_pad // NS
    return pl.kernel(
        functools.partial(_sc_agg_body, k0, k1, ib, stripe),
        out_type=jax.ShapeDtypeStruct((NC, n_pad, d), jnp.float32),
        mesh=_sc_mesh(),
        scratch_types=[
            pltpu.VMEM((ib, CHUNK), jnp.int32),
            pltpu.VMEM((ib, CHUNK), jnp.int32),
            pltpu.VMEM((CHUNK, d), jnp.float32),
            pltpu.VMEM((CHUNK, d), jnp.float32),
            pltpu.VMEM_SHARED((n_pad, d), jnp.float32),
            pltpu.SemaphoreType.DMA,
            pltpu.SemaphoreType.DMA,
            pltpu.SemaphoreType.DMA,
        ],
        name="sc_segment_sum",
    )


def _sc_cnt_body(k0, k1, stripe, d, dst_hbm, zeros_hbm, ones_hbm,
                 cnt_out, dst_v, ones_v, cnt_sh):
    c = lax.axis_index("c")
    s = lax.axis_index("s")
    w = c * NS + s
    row0 = s * stripe

    pltpu.sync_copy(dst_hbm.at[w], dst_v)
    pltpu.sync_copy(ones_hbm, ones_v)
    pltpu.sync_copy(zeros_hbm.at[pl.ds(row0, stripe)],
                    cnt_sh.at[pl.ds(row0, stripe)])
    plsc.subcore_barrier()

    def step(j, carry):
        pltpu.sync_copy(ones_v, cnt_sh.at[dst_v.at[j]], add=True)
        return carry

    lax.fori_loop(0, jnp.where(c == 0, k0, k1), step, 0)
    plsc.subcore_barrier()
    pltpu.sync_copy(cnt_sh.at[pl.ds(row0, stripe)],
                    cnt_out.at[c, pl.ds(row0, stripe)])


def _make_sc_cnt(n_pad, k0, k1, d):
    stripe = n_pad // NS
    return pl.kernel(
        functools.partial(_sc_cnt_body, k0, k1, stripe, d),
        out_type=jax.ShapeDtypeStruct((NC, n_pad, d), jnp.float32),
        mesh=_sc_mesh(),
        scratch_types=[
            pltpu.VMEM((max(k0, k1), CHUNK), jnp.int32),
            pltpu.VMEM((CHUNK, d), jnp.float32),
            pltpu.VMEM_SHARED((n_pad, d), jnp.float32),
        ],
        name="sc_degree_count",
    )


def _sc_pairs_body(pb, *refs):
    (u_hbm, v_hbm, p0_hbm, p1_hbm, out_hbm,
     u_v, v_v, p0_v, p1_v, out_v) = refs
    c = lax.axis_index("c")
    s = lax.axis_index("s")
    w = c * NS + s

    pltpu.sync_copy(u_hbm, u_v)
    pltpu.sync_copy(v_hbm, v_v)
    pltpu.sync_copy(p0_hbm.at[w], p0_v)
    pltpu.sync_copy(p1_hbm.at[w], p1_v)

    def step(i, carry):
        i0 = p0_v[pl.ds(i * L, L)]
        i1 = p1_v[pl.ds(i * L, L)]
        a = plsc.load_gather(u_v, [lax.shift_right_logical(i0, 7),
                                   lax.bitwise_and(i0, 127)])
        b = plsc.load_gather(v_v, [lax.shift_right_logical(i1, 7),
                                   lax.bitwise_and(i1, 127)])
        z = a + b
        out_v[pl.ds(i * L, L)] = 1.0 / (1.0 + jnp.exp(-z))
        return carry

    lax.fori_loop(0, pb // L, step, 0)
    pltpu.sync_copy(out_v, out_hbm.at[w])


def _make_sc_pairs(n_pad, pb):
    return pl.kernel(
        functools.partial(_sc_pairs_body, pb),
        out_type=jax.ShapeDtypeStruct((NW, pb), jnp.float32),
        mesh=_sc_mesh(),
        scratch_types=[
            pltpu.VMEM((n_pad // 128, 128), jnp.float32),
            pltpu.VMEM((n_pad // 128, 128), jnp.float32),
            pltpu.VMEM((pb,), jnp.int32),
            pltpu.VMEM((pb,), jnp.int32),
            pltpu.VMEM((pb,), jnp.float32),
        ],
        compiler_params=pltpu.CompilerParams(needs_layout_passes=False),
        name="sc_link_sigmoid",
    )


def _tc_dense1_body(n, x_ref, aggp_ref, cnt_ref, wl_ref, bl_ref, wr_ref,
                    o_ref):
    cnt = cnt_ref[0, :n, 0] + cnt_ref[1, :n, 0]
    agg = aggp_ref[0, :n, :] + aggp_ref[1, :n, :]
    mean = agg / jnp.maximum(cnt, 1.0)[:, None]
    h = (jnp.dot(mean, wl_ref[...], preferred_element_type=jnp.float32)
         + bl_ref[...][None, :]
         + jnp.dot(x_ref[...], wr_ref[...], preferred_element_type=jnp.float32))
    o_ref[...] = jnp.maximum(h, 0.0)


def _tc_dense2_body(n, h1_ref, aggp_ref, cnt_ref, wl_ref, bl_ref, wr_ref,
                    wps_ref, wpd_ref, bp_ref, u_ref, v_ref):
    cnt = cnt_ref[0, :n, 0] + cnt_ref[1, :n, 0]
    agg = aggp_ref[0, :n, :] + aggp_ref[1, :n, :]
    mean = agg / jnp.maximum(cnt, 1.0)[:, None]
    h2 = (jnp.dot(mean, wl_ref[...], preferred_element_type=jnp.float32)
          + bl_ref[...][None, :]
          + jnp.dot(h1_ref[...], wr_ref[...], preferred_element_type=jnp.float32))
    u_ref[...] = (jnp.dot(h2, wps_ref[...], preferred_element_type=jnp.float32)
                  + bp_ref[...][None, :])
    v_ref[...] = jnp.dot(h2, wpd_ref[...], preferred_element_type=jnp.float32)


def kernel(x, edge_index, pairs, W1_l, b1_l, W1_r, W2_l, b2_l, W2_r, Wp, bp):
    n, d = x.shape
    e = edge_index.shape[1]
    p = pairs.shape[0]

    n_pad = ((n + 1 + 8 * NS - 1) // (8 * NS)) * (8 * NS)
    per_pair = 2 * (((e + NW - 1) // NW + CHUNK - 1) // CHUNK)
    per_pair += per_pair % 2
    k0 = min(per_pair - 2, max(2, 2 * round(per_pair * CORE0_SHARE / 2)))
    k1 = per_pair - k0
    ib = 56
    k_arr = ((max(k0, k1) + ib - 1) // ib) * ib
    e_pad = NS * (k0 + k1) * CHUNK
    pb = ((p + NW - 1) // NW + L - 1) // L * L
    p_pad = pb * NW

    def _split(idx, fill):
        flat = jnp.pad(idx.astype(jnp.int32), (0, e_pad - e),
                       constant_values=fill)
        cut = NS * k0 * CHUNK
        p0_ = flat[:cut].reshape(NS, k0, CHUNK)
        p1_ = flat[cut:].reshape(NS, k1, CHUNK)
        p0_ = jnp.pad(p0_, ((0, 0), (0, k_arr - k0), (0, 0)),
                      constant_values=fill)
        p1_ = jnp.pad(p1_, ((0, 0), (0, k_arr - k1), (0, 0)),
                      constant_values=fill)
        return jnp.concatenate([p0_, p1_], axis=0)

    src = _split(edge_index[0], 0)
    dst = _split(edge_index[1], n)
    k_ev = per_pair // 2
    dst_even = jnp.pad(edge_index[1].astype(jnp.int32),
                       (0, NW * k_ev * CHUNK - e),
                       constant_values=n).reshape(NW, k_ev, CHUNK)
    p0 = jnp.pad(pairs[:, 0].astype(jnp.int32), (0, p_pad - p)).reshape(NW, pb)
    p1 = jnp.pad(pairs[:, 1].astype(jnp.int32), (0, p_pad - p)).reshape(NW, pb)

    zeros_big = jnp.zeros((n_pad, d), jnp.float32)
    ones_big = jnp.ones((CHUNK, d), jnp.float32)
    wp_s = Wp[:d, :]
    wp_d = Wp[d:, :]

    sc_agg = _make_sc_agg(n_pad, k0, k1, ib, d)
    sc_cnt = _make_sc_cnt(n_pad, k_ev, k_ev, d)
    sc_pairs = _make_sc_pairs(n_pad, pb)

    cnt16 = sc_cnt(dst_even, zeros_big, ones_big)
    aggp1 = sc_agg(x, src, dst, zeros_big)

    h1 = pl.pallas_call(
        functools.partial(_tc_dense1_body, n),
        out_shape=jax.ShapeDtypeStruct((n, d), jnp.float32),
    )(x, aggp1, cnt16, W1_l, b1_l, W1_r)

    aggp2 = sc_agg(h1, src, dst, zeros_big)

    u, v = pl.pallas_call(
        functools.partial(_tc_dense2_body, n),
        out_shape=(jax.ShapeDtypeStruct((n, 1), jnp.float32),
                   jax.ShapeDtypeStruct((n, 1), jnp.float32)),
    )(h1, aggp2, cnt16, W2_l, b2_l, W2_r, wp_s, wp_d, bp)

    u_pad = jnp.pad(u.reshape(n), (0, n_pad - n)).reshape(n_pad // 128, 128)
    v_pad = jnp.pad(v.reshape(n), (0, n_pad - n)).reshape(n_pad // 128, 128)
    probs = sc_pairs(u_pad, v_pad, p0, p1)
    return probs.reshape(p_pad)[:p]

# --- scband reference (transcript-rebuilt; emitter-appended) ---
"""Pipeline reference for scband-graph-sagerecommender-85031762526359 (READ-ONLY COPY).

The authoritative reference and input builder live on the scoring server;
editing this copy changes nothing except your own understanding.
"""

import jax, jax.numpy as jnp
import numpy as np

N = 10000
E = 320000
D_IN = 128
D_HID = 128
D_OUT = 128
P = 100000


def _lin_init(k, fan_in, fan_out):
    return jax.random.normal(k, (fan_in, fan_out), dtype=jnp.float32) * (1.0 / np.sqrt(fan_in))


def setup_inputs(seed: int = 0) -> dict:
    key = jax.random.key(seed)
    ks = jax.random.split(key, 10)
    x = jax.random.normal(ks[0], (N, D_IN), dtype=jnp.float32)
    edge_index = jax.random.randint(ks[1], (2, E), 0, N)
    pairs = jax.random.randint(ks[2], (P, 2), 0, N)
    W1_l = _lin_init(ks[3], D_IN, D_HID)
    b1_l = jnp.zeros((D_HID,), dtype=jnp.float32)
    W1_r = _lin_init(ks[4], D_IN, D_HID)
    W2_l = _lin_init(ks[5], D_HID, D_OUT)
    b2_l = jnp.zeros((D_OUT,), dtype=jnp.float32)
    W2_r = _lin_init(ks[6], D_HID, D_OUT)
    Wp = _lin_init(ks[7], 2 * D_OUT, 1)
    bp = jnp.zeros((1,), dtype=jnp.float32)
    return {"x": x, "edge_index": edge_index, "pairs": pairs,
            "W1_l": W1_l, "b1_l": b1_l, "W1_r": W1_r,
            "W2_l": W2_l, "b2_l": b2_l, "W2_r": W2_r,
            "Wp": Wp, "bp": bp}


def _sage_conv(x, edge_index, W_l, b_l, W_r):
    # PyG SAGEConv with mean aggregation: out = lin_l(mean_j x_j) + lin_r(x)
    src = edge_index[0]
    dst = edge_index[1]
    msgs = jnp.take(x, src, axis=0)                      # gather (SparseCore)
    agg = jax.ops.segment_sum(msgs, dst, num_segments=x.shape[0])  # scatter-add
    cnt = jax.ops.segment_sum(jnp.ones((src.shape[0], 1), dtype=x.dtype), dst, num_segments=x.shape[0])
    mean = agg / jnp.maximum(cnt, 1.0)
    return mean @ W_l + b_l + x @ W_r


def reference(x, edge_index, pairs, W1_l, b1_l, W1_r, W2_l, b2_l, W2_r, Wp, bp):
    h = _sage_conv(x, edge_index, W1_l, b1_l, W1_r)
    h = jax.nn.relu(h)
    h = _sage_conv(h, edge_index, W2_l, b2_l, W2_r)
    src_emb = jnp.take(h, pairs[:, 0], axis=0)
    dst_emb = jnp.take(h, pairs[:, 1], axis=0)
    edge_emb = jnp.concatenate([src_emb, dst_emb], axis=1)
    link_probs = jax.nn.sigmoid(edge_emb @ Wp + bp).squeeze(-1)
    return link_probs

if __name__ == "__main__":
    import jax
    _d = setup_inputs()
    print(jax.jit(kernel)(*tuple(_d.values())))

</pallas_src>

<mosaic_0001>
#map = affine_map<(d0, d1) -> (0, 0, 0)>
#map1 = affine_map<(d0, d1) -> (0, 0)>
module attributes {stable_mosaic.version = 14 : i64} {
  func.func @sc_degree_count(%arg0: i32, %arg1: i32, %arg2: memref<32x79x128xi32, #tpu.memory_space<hbm>>, %arg3: memref<10112x128xf32, #tpu.memory_space<hbm>>, %arg4: memref<128x128xf32, #tpu.memory_space<hbm>>, %arg5: memref<2x10112x128xf32, #tpu.memory_space<hbm>>, %arg6: memref<79x128xi32, #tpu.memory_space<vmem>>, %arg7: memref<128x128xf32, #tpu.memory_space<vmem>>, %arg8: memref<10112x128xf32, #tpu.memory_space<vmem_shared>>) attributes {dimension_semantics = [#tpu.dimension_semantics<core_parallel>, #tpu.dimension_semantics<subcore_parallel>], iteration_bounds = array<i64: 2, 16>, scalar_prefetch = 0 : i64, scratch_operands = 3 : i64, tpu.core_type = #tpu.core_type<sc_vector_subcore>, window_params = [{transform_indices = #map}, {transform_indices = #map1}, {transform_indices = #map1}, {transform_indices = #map}]} {
    %mul3A = arith.constant 16 : i32
    %mul3A_0 = arith.muli %arg0, %mul3A : i32
    %add3A = arith.addi %mul3A_0, %arg1 : i32
    %mul3A_1 = arith.constant 632 : i32
    %mul3A_2 = arith.muli %arg1, %mul3A_1 : i32
    "tpu.region"() ({
      %run_scoped3A = tpu.sem_alloc : memref<!tpu.dma_semaphore, #tpu.memory_space<semaphore_mem>>
      %dma_start3A = arith.constant 0 : i32
      %dma_start3A_15 = arith.constant 0 : i32
      %dma_start3A_16 = tpu.memref_slice %arg2[%add3A, %dma_start3A, %dma_start3A_15] : memref<32x79x128xi32, #tpu.memory_space<hbm>> -> memref<1x79x128xi32, #tpu.memory_space<hbm>>
      %dma_start3A_17 = tpu.memref_squeeze %dma_start3A_16 : memref<1x79x128xi32, #tpu.memory_space<hbm>> -> memref<79x128xi32, #tpu.memory_space<hbm>>
      %dma_start3A_18 = arith.constant 0 : i32
      %dma_start3A_19 = arith.constant 0 : i32
      %dma_start3A_20 = tpu.memref_slice %arg2[%add3A, %dma_start3A_18, %dma_start3A_19] : memref<32x79x128xi32, #tpu.memory_space<hbm>> -> memref<1x79x128xi32, #tpu.memory_space<hbm>>
      %dma_start3A_21 = tpu.memref_squeeze %dma_start3A_20 : memref<1x79x128xi32, #tpu.memory_space<hbm>> -> memref<79x128xi32, #tpu.memory_space<hbm>>
      tpu.enqueue_dma source(%dma_start3A_21 : memref<79x128xi32, #tpu.memory_space<hbm>>) target(%arg6 : memref<79x128xi32, #tpu.memory_space<vmem>>) target_semaphore(%run_scoped3A : memref<!tpu.dma_semaphore, #tpu.memory_space<semaphore_mem>>)
      %dma_wait3A = arith.constant 0 : i32
      %dma_wait3A_22 = arith.constant 0 : i32
      %dma_wait3A_23 = tpu.memref_slice %arg2[%add3A, %dma_wait3A, %dma_wait3A_22] : memref<32x79x128xi32, #tpu.memory_space<hbm>> -> memref<1x79x128xi32, #tpu.memory_space<hbm>>
      %dma_wait3A_24 = tpu.memref_squeeze %dma_wait3A_23 : memref<1x79x128xi32, #tpu.memory_space<hbm>> -> memref<79x128xi32, #tpu.memory_space<hbm>>
      %dma_wait3A_25 = arith.constant 0 : i32
      %dma_wait3A_26 = arith.constant 0 : i32
      %dma_wait3A_27 = tpu.memref_slice %arg2[%add3A, %dma_wait3A_25, %dma_wait3A_26] : memref<32x79x128xi32, #tpu.memory_space<hbm>> -> memref<1x79x128xi32, #tpu.memory_space<hbm>>
      %dma_wait3A_28 = tpu.memref_squeeze %dma_wait3A_27 : memref<1x79x128xi32, #tpu.memory_space<hbm>> -> memref<79x128xi32, #tpu.memory_space<hbm>>
      tpu.wait_dma2 semaphore(%run_scoped3A : memref<!tpu.dma_semaphore, #tpu.memory_space<semaphore_mem>>) src(%dma_wait3A_28 : memref<79x128xi32, #tpu.memory_space<hbm>>) dst(%arg6 : memref<79x128xi32, #tpu.memory_space<vmem>>)
      tpu.yield
    }) : () -> ()
    "tpu.region"() ({
      %run_scoped3A = tpu.sem_alloc : memref<!tpu.dma_semaphore, #tpu.memory_space<semaphore_mem>>
      tpu.enqueue_dma source(%arg4 : memref<128x128xf32, #tpu.memory_space<hbm>>) target(%arg7 : memref<128x128xf32, #tpu.memory_space<vmem>>) target_semaphore(%run_scoped3A : memref<!tpu.dma_semaphore, #tpu.memory_space<semaphore_mem>>)
      tpu.wait_dma2 semaphore(%run_scoped3A : memref<!tpu.dma_semaphore, #tpu.memory_space<semaphore_mem>>) src(%arg4 : memref<128x128xf32, #tpu.memory_space<hbm>>) dst(%arg7 : memref<128x128xf32, #tpu.memory_space<vmem>>)
      tpu.yield
    }) : () -> ()
    "tpu.region"() ({
      %run_scoped3A = tpu.sem_alloc : memref<!tpu.dma_semaphore, #tpu.memory_space<semaphore_mem>>
      %dma_start3A = arith.constant 0 : i32
      %dma_start3A_15 = tpu.memref_slice %arg8[%mul3A_2, %dma_start3A] : memref<10112x128xf32, #tpu.memory_space<vmem_shared>> -> memref<632x128xf32, #tpu.memory_space<vmem_shared>>
      %dma_start3A_16 = arith.constant 0 : i32
      %dma_start3A_17 = tpu.memref_slice %arg3[%mul3A_2, %dma_start3A_16] : memref<10112x128xf32, #tpu.memory_space<hbm>> -> memref<632x128xf32, #tpu.memory_space<hbm>>
      tpu.enqueue_dma source(%dma_start3A_17 : memref<632x128xf32, #tpu.memory_space<hbm>>) target(%dma_start3A_15 : memref<632x128xf32, #tpu.memory_space<vmem_shared>>) target_semaphore(%run_scoped3A : memref<!tpu.dma_semaphore, #tpu.memory_space<semaphore_mem>>)
      %dma_wait3A = arith.constant 0 : i32
      %dma_wait3A_18 = tpu.memref_slice %arg8[%mul3A_2, %dma_wait3A] : memref<10112x128xf32, #tpu.memory_space<vmem_shared>> -> memref<632x128xf32, #tpu.memory_space<vmem_shared>>
      %dma_wait3A_19 = arith.constant 0 : i32
      %dma_wait3A_20 = tpu.memref_slice %arg3[%mul3A_2, %dma_wait3A_19] : memref<10112x128xf32, #tpu.memory_space<hbm>> -> memref<632x128xf32, #tpu.memory_space<hbm>>
      tpu.wait_dma2 semaphore(%run_scoped3A : memref<!tpu.dma_semaphore, #tpu.memory_space<semaphore_mem>>) src(%dma_wait3A_20 : memref<632x128xf32, #tpu.memory_space<hbm>>) dst(%dma_wait3A_18 : memref<632x128xf32, #tpu.memory_space<vmem_shared>>)
      tpu.yield
    }) : () -> ()
    %barrier3A = arith.constant 0 : index
    tpu.barrier barrier_id(%barrier3A)
    %eq3A = arith.constant 0 : i32
    %eq3A_3 = arith.cmpi eq, %arg0, %eq3A : i32
    %jit3A = arith.constant 79 : i32
    %jit3A_4 = arith.constant 79 : i32
    %select_n3A = arith.select %eq3A_3, %jit3A, %jit3A_4 : i32
    %while3A = arith.constant 0 : i32
    %while3A_5 = arith.constant 0 : i32
    %while3A_6 = arith.subi %select_n3A, %while3A_5 : i32
    %while3A_7 = arith.addi %while3A_5, %while3A_6 : i32
    %while3A_8 = arith.constant 1 : i32
    %while3A_9 = arith.divsi %while3A_6, %while3A_8 : i32
    %while3A_10 = arith.muli %while3A_9, %while3A_8 : i32
    %while3A_11 = arith.addi %while3A_5, %while3A_10 : i32
    %while3A_12 = arith.constant 1 : i32
    scf.for %while3A_15 = %while3A_5 to %while3A_11 step %while3A_12  : i32 {
      "tpu.region"() ({
        %run_scoped3A = tpu.sem_alloc : memref<!tpu.dma_semaphore, #tpu.memory_space<semaphore_mem>>
        %dma_start3A = arith.constant 0 : i32
        %dma_start3A_16 = tpu.memref_slice %arg6[%while3A_15, %dma_start3A] : memref<79x128xi32, #tpu.memory_space<vmem>> -> memref<1x128xi32, #tpu.memory_space<vmem>>
        %dma_start3A_17 = tpu.memref_squeeze %dma_start3A_16 : memref<1x128xi32, #tpu.memory_space<vmem>> -> memref<128xi32, #tpu.memory_space<vmem>>
        %dma_start3A_18 = arith.constant 0 : i32
        %dma_start3A_19 = arith.constant 0 : i32
        %dma_start3A_20 = tpu.memref_slice %arg8[%dma_start3A_18, %dma_start3A_19] : memref<10112x128xf32, #tpu.memory_space<vmem_shared>> -> memref<10112x128xf32, #tpu.memory_space<vmem_shared>>
        tpu.enqueue_indirect_dma source(%arg7 : memref<128x128xf32, #tpu.memory_space<vmem>>) target(%dma_start3A_20 : memref<10112x128xf32, #tpu.memory_space<vmem_shared>>) offsets(%dma_start3A_17 : memref<128xi32, #tpu.memory_space<vmem>>) semaphore(%run_scoped3A : memref<!tpu.dma_semaphore, #tpu.memory_space<semaphore_mem>>) {add = true}
        %dma_wait3A = arith.constant 0 : i32
        %dma_wait3A_21 = tpu.memref_slice %arg6[%while3A_15, %dma_wait3A] : memref<79x128xi32, #tpu.memory_space<vmem>> -> memref<1x128xi32, #tpu.memory_space<vmem>>
        %dma_wait3A_22 = tpu.memref_squeeze %dma_wait3A_21 : memref<1x128xi32, #tpu.memory_space<vmem>> -> memref<128xi32, #tpu.memory_space<vmem>>
        %dma_wait3A_23 = arith.constant 0 : i32
        %dma_wait3A_24 = arith.constant 0 : i32
        %dma_wait3A_25 = tpu.memref_slice %arg8[%dma_wait3A_23, %dma_wait3A_24] : memref<10112x128xf32, #tpu.memory_space<vmem_shared>> -> memref<10112x128xf32, #tpu.memory_space<vmem_shared>>
        tpu.wait_indirect_dma semaphore(%run_scoped3A : memref<!tpu.dma_semaphore, #tpu.memory_space<semaphore_mem>>) src(%arg7 : memref<128x128xf32, #tpu.memory_space<vmem>>) dst(%dma_wait3A_25 : memref<10112x128xf32, #tpu.memory_space<vmem_shared>>)
        tpu.yield
      }) : () -> ()
    }
    %while3A_13 = arith.constant 1 : i32
    scf.for %while3A_15 = %while3A_11 to %while3A_7 step %while3A_13  : i32 {
      "tpu.region"() ({
        %run_scoped3A = tpu.sem_alloc : memref<!tpu.dma_semaphore, #tpu.memory_space<semaphore_mem>>
        %dma_start3A = arith.constant 0 : i32
        %dma_start3A_16 = tpu.memref_slice %arg6[%while3A_15, %dma_start3A] : memref<79x128xi32, #tpu.memory_space<vmem>> -> memref<1x128xi32, #tpu.memory_space<vmem>>
        %dma_start3A_17 = tpu.memref_squeeze %dma_start3A_16 : memref<1x128xi32, #tpu.memory_space<vmem>> -> memref<128xi32, #tpu.memory_space<vmem>>
        %dma_start3A_18 = arith.constant 0 : i32
        %dma_start3A_19 = arith.constant 0 : i32
        %dma_start3A_20 = tpu.memref_slice %arg8[%dma_start3A_18, %dma_start3A_19] : memref<10112x128xf32, #tpu.memory_space<vmem_shared>> -> memref<10112x128xf32, #tpu.memory_space<vmem_shared>>
        tpu.enqueue_indirect_dma source(%arg7 : memref<128x128xf32, #tpu.memory_space<vmem>>) target(%dma_start3A_20 : memref<10112x128xf32, #tpu.memory_space<vmem_shared>>) offsets(%dma_start3A_17 : memref<128xi32, #tpu.memory_space<vmem>>) semaphore(%run_scoped3A : memref<!tpu.dma_semaphore, #tpu.memory_space<semaphore_mem>>) {add = true}
        %dma_wait3A = arith.constant 0 : i32
        %dma_wait3A_21 = tpu.memref_slice %arg6[%while3A_15, %dma_wait3A] : memref<79x128xi32, #tpu.memory_space<vmem>> -> memref<1x128xi32, #tpu.memory_space<vmem>>
        %dma_wait3A_22 = tpu.memref_squeeze %dma_wait3A_21 : memref<1x128xi32, #tpu.memory_space<vmem>> -> memref<128xi32, #tpu.memory_space<vmem>>
        %dma_wait3A_23 = arith.constant 0 : i32
        %dma_wait3A_24 = arith.constant 0 : i32
        %dma_wait3A_25 = tpu.memref_slice %arg8[%dma_wait3A_23, %dma_wait3A_24] : memref<10112x128xf32, #tpu.memory_space<vmem_shared>> -> memref<10112x128xf32, #tpu.memory_space<vmem_shared>>
        tpu.wait_indirect_dma semaphore(%run_scoped3A : memref<!tpu.dma_semaphore, #tpu.memory_space<semaphore_mem>>) src(%arg7 : memref<128x128xf32, #tpu.memory_space<vmem>>) dst(%dma_wait3A_25 : memref<10112x128xf32, #tpu.memory_space<vmem_shared>>)
        tpu.yield
      }) : () -> ()
    }
    %barrier3A_14 = arith.constant 0 : index
    tpu.barrier barrier_id(%barrier3A_14)
    "tpu.region"() ({
      %run_scoped3A = tpu.sem_alloc : memref<!tpu.dma_semaphore, #tpu.memory_space<semaphore_mem>>
      %dma_start3A = arith.constant 0 : i32
      %dma_start3A_15 = tpu.memref_slice %arg5[%arg0, %mul3A_2, %dma_start3A] : memref<2x10112x128xf32, #tpu.memory_space<hbm>> -> memref<1x632x128xf32, #tpu.memory_space<hbm>>
      %dma_start3A_16 = tpu.memref_squeeze %dma_start3A_15 : memref<1x632x128xf32, #tpu.memory_space<hbm>> -> memref<632x128xf32, #tpu.memory_space<hbm>>
      %dma_start3A_17 = arith.constant 0 : i32
      %dma_start3A_18 = tpu.memref_slice %arg8[%mul3A_2, %dma_start3A_17] : memref<10112x128xf32, #tpu.memory_space<vmem_shared>> -> memref<632x128xf32, #tpu.memory_space<vmem_shared>>
      tpu.enqueue_dma source(%dma_start3A_18 : memref<632x128xf32, #tpu.memory_space<vmem_shared>>) target(%dma_start3A_16 : memref<632x128xf32, #tpu.memory_space<hbm>>) target_semaphore(%run_scoped3A : memref<!tpu.dma_semaphore, #tpu.memory_space<semaphore_mem>>)
      %dma_wait3A = arith.constant 0 : i32
      %dma_wait3A_19 = tpu.memref_slice %arg5[%arg0, %mul3A_2, %dma_wait3A] : memref<2x10112x128xf32, #tpu.memory_space<hbm>> -> memref<1x632x128xf32, #tpu.memory_space<hbm>>
      %dma_wait3A_20 = tpu.memref_squeeze %dma_wait3A_19 : memref<1x632x128xf32, #tpu.memory_space<hbm>> -> memref<632x128xf32, #tpu.memory_space<hbm>>
      %dma_wait3A_21 = arith.constant 0 : i32
      %dma_wait3A_22 = tpu.memref_slice %arg8[%mul3A_2, %dma_wait3A_21] : memref<10112x128xf32, #tpu.memory_space<vmem_shared>> -> memref<632x128xf32, #tpu.memory_space<vmem_shared>>
      tpu.wait_dma2 semaphore(%run_scoped3A : memref<!tpu.dma_semaphore, #tpu.memory_space<semaphore_mem>>) src(%dma_wait3A_22 : memref<632x128xf32, #tpu.memory_space<vmem_shared>>) dst(%dma_wait3A_20 : memref<632x128xf32, #tpu.memory_space<hbm>>)
      tpu.yield
    }) : () -> ()
    return
  }
}

#map = affine_map<(d0, d1) -> (0, 0)>
#map1 = affine_map<(d0, d1) -> (0, 0, 0)>
module attributes {stable_mosaic.version = 14 : i64} {
  func.func @sc_segment_sum(%arg0: i32, %arg1: i32, %arg2: memref<10000x128xf32, #tpu.memory_space<hbm>>, %arg3: memref<32x168x128xi32, #tpu.memory_space<hbm>>, %arg4: memref<32x168x128xi32, #tpu.memory_space<hbm>>, %arg5: memref<10112x128xf32, #tpu.memory_space<hbm>>, %arg6: memref<2x10112x128xf32, #tpu.memory_space<hbm>>, %arg7: memref<56x128xi32, #tpu.memory_space<vmem>>, %arg8: memref<56x128xi32, #tpu.memory_space<vmem>>, %arg9: memref<128x128xf32, #tpu.memory_space<vmem>>, %arg10: memref<128x128xf32, #tpu.memory_space<vmem>>, %arg11: memref<10112x128xf32, #tpu.memory_space<vmem_shared>>, %arg12: memref<!tpu.dma_semaphore, #tpu.memory_space<semaphore_mem>>, %arg13: memref<!tpu.dma_semaphore, #tpu.memory_space<semaphore_mem>>, %arg14: memref<!tpu.dma_semaphore, #tpu.memory_space<semaphore_mem>>) attributes {dimension_semantics = [#tpu.dimension_semantics<core_parallel>, #tpu.dimension_semantics<subcore_parallel>], iteration_bounds = array<i64: 2, 16>, scalar_prefetch = 0 : i64, scratch_operands = 8 : i64, tpu.core_type = #tpu.core_type<sc_vector_subcore>, window_params = [{transform_indices = #map}, {transform_indices = #map1}, {transform_indices = #map1}, {transform_indices = #map}, {transform_indices = #map1}]} {
    %mul3A = arith.constant 16 : i32
    %mul3A_0 = arith.muli %arg0, %mul3A : i32
    %add3A = arith.addi %mul3A_0, %arg1 : i32
    %mul3A_1 = arith.constant 632 : i32
    %mul3A_2 = arith.muli %arg1, %mul3A_1 : i32
    %eq3A = arith.constant 0 : i32
    %eq3A_3 = arith.cmpi eq, %arg0, %eq3A : i32
    %jit3A = arith.constant 118 : i32
    %jit3A_4 = arith.constant 40 : i32
    %select_n3A = arith.select %eq3A_3, %jit3A, %jit3A_4 : i32
    "tpu.region"() ({
      %run_scoped3A = tpu.sem_alloc : memref<!tpu.dma_semaphore, #tpu.memory_space<semaphore_mem>>
      %dma_start3A = arith.constant 0 : i32
      %dma_start3A_38 = tpu.memref_slice %arg11[%mul3A_2, %dma_start3A] : memref<10112x128xf32, #tpu.memory_space<vmem_shared>> -> memref<632x128xf32, #tpu.memory_space<vmem_shared>>
      %dma_start3A_39 = arith.constant 0 : i32
      %dma_start3A_40 = tpu.memref_slice %arg5[%mul3A_2, %dma_start3A_39] : memref<10112x128xf32, #tpu.memory_space<hbm>> -> memref<632x128xf32, #tpu.memory_space<hbm>>
      tpu.enqueue_dma source(%dma_start3A_40 : memref<632x128xf32, #tpu.memory_space<hbm>>) target(%dma_start3A_38 : memref<632x128xf32, #tpu.memory_space<vmem_shared>>) target_semaphore(%run_scoped3A : memref<!tpu.dma_semaphore, #tpu.memory_space<semaphore_mem>>)
      %dma_wait3A = arith.constant 0 : i32
      %dma_wait3A_41 = tpu.memref_slice %arg11[%mul3A_2, %dma_wait3A] : memref<10112x128xf32, #tpu.memory_space<vmem_shared>> -> memref<632x128xf32, #tpu.memory_space<vmem_shared>>
      %dma_wait3A_42 = arith.constant 0 : i32
      %dma_wait3A_43 = tpu.memref_slice %arg5[%mul3A_2, %dma_wait3A_42] : memref<10112x128xf32, #tpu.memory_space<hbm>> -> memref<632x128xf32, #tpu.memory_space<hbm>>
      tpu.wait_dma2 semaphore(%run_scoped3A : memref<!tpu.dma_semaphore, #tpu.memory_space<semaphore_mem>>) src(%dma_wait3A_43 : memref<632x128xf32, #tpu.memory_space<hbm>>) dst(%dma_wait3A_41 : memref<632x128xf32, #tpu.memory_space<vmem_shared>>)
      tpu.yield
    }) : () -> ()
    %barrier3A = arith.constant 0 : index
    tpu.barrier barrier_id(%barrier3A)
    %max3A = arith.constant 1 : i32
    %max3A_5 = arith.maxsi %select_n3A, %max3A : i32
    %add3A_6 = arith.constant 56 : i32
    %add3A_7 = arith.addi %max3A_5, %add3A_6 : i32
    %sub3A = arith.constant 1 : i32
    %sub3A_8 = arith.subi %add3A_7, %sub3A : i32
    %jit3A_9 = arith.constant 56 : i32
    %div3A = arith.divsi %sub3A_8, %jit3A_9 : i32
    %sign3A = arith.constant 0 : i32
    %sign3A_10 = arith.cmpi sgt, %sub3A_8, %sign3A : i32
    %sign3A_11 = arith.extui %sign3A_10 : i1 to i32
    %sign3A_12 = arith.constant 0 : i32
    %sign3A_13 = arith.cmpi slt, %sub3A_8, %sign3A_12 : i32
    %sign3A_14 = arith.extui %sign3A_13 : i1 to i32
    %sign3A_15 = arith.subi %sign3A_11, %sign3A_14 : i32
    %sign3A_16 = arith.constant 0 : i32
    %sign3A_17 = arith.cmpi sgt, %jit3A_9, %sign3A_16 : i32
    %sign3A_18 = arith.extui %sign3A_17 : i1 to i32
    %sign3A_19 = arith.constant 0 : i32
    %sign3A_20 = arith.cmpi slt, %jit3A_9, %sign3A_19 : i32
    %sign3A_21 = arith.extui %sign3A_20 : i1 to i32
    %sign3A_22 = arith.subi %sign3A_18, %sign3A_21 : i32
    %ne3A = arith.cmpi ne, %sign3A_15, %sign3A_22 : i32
    %rem3A = arith.remsi %sub3A_8, %jit3A_9 : i32
    %ne3A_23 = arith.constant 0 : i32
    %ne3A_24 = arith.cmpi ne, %rem3A, %ne3A_23 : i32
    %and3A = arith.andi %ne3A, %ne3A_24 : i1
    %sub3A_25 = arith.constant 1 : i32
    %sub3A_26 = arith.subi %div3A, %sub3A_25 : i32
    %select_n3A_27 = arith.select %and3A, %sub3A_26, %div3A : i32
    %while3A = arith.constant 0 : i32
    %while3A_28 = arith.constant 0 : i32
    %while3A_29 = arith.subi %select_n3A_27, %while3A_28 : i32
    %while3A_30 = arith.addi %while3A_28, %while3A_29 : i32
    %while3A_31 = arith.constant 1 : i32
    %while3A_32 = arith.divsi %while3A_29, %while3A_31 : i32
    %while3A_33 = arith.muli %while3A_32, %while3A_31 : i32
    %while3A_34 = arith.addi %while3A_28, %while3A_33 : i32
    %while3A_35 = arith.constant 1 : i32
    scf.for %while3A_38 = %while3A_28 to %while3A_34 step %while3A_35  : i32 {
      %mul3A_39 = arith.constant 56 : i32
      %mul3A_40 = arith.muli %while3A_38, %mul3A_39 : i32
      "tpu.region"() ({
        %run_scoped3A = tpu.sem_alloc : memref<!tpu.dma_semaphore, #tpu.memory_space<semaphore_mem>>
        %dma_start3A = arith.constant 0 : i32
        %dma_start3A_85 = tpu.memref_slice %arg3[%add3A, %mul3A_40, %dma_start3A] : memref<32x168x128xi32, #tpu.memory_space<hbm>> -> memref<1x56x128xi32, #tpu.memory_space<hbm>>
        %dma_start3A_86 = tpu.memref_squeeze %dma_start3A_85 : memref<1x56x128xi32, #tpu.memory_space<hbm>> -> memref<56x128xi32, #tpu.memory_space<hbm>>
        %dma_start3A_87 = arith.constant 0 : i32
        %dma_start3A_88 = tpu.memref_slice %arg3[%add3A, %mul3A_40, %dma_start3A_87] : memref<32x168x128xi32, #tpu.memory_space<hbm>> -> memref<1x56x128xi32, #tpu.memory_space<hbm>>
        %dma_start3A_89 = tpu.memref_squeeze %dma_start3A_88 : memref<1x56x128xi32, #tpu.memory_space<hbm>> -> memref<56x128xi32, #tpu.memory_space<hbm>>
        tpu.enqueue_dma source(%dma_start3A_89 : memref<56x128xi32, #tpu.memory_space<hbm>>) target(%arg7 : memref<56x128xi32, #tpu.memory_space<vmem>>) target_semaphore(%run_scoped3A : memref<!tpu.dma_semaphore, #tpu.memory_space<semaphore_mem>>)
        %dma_wait3A = arith.constant 0 : i32
        %dma_wait3A_90 = tpu.memref_slice %arg3[%add3A, %mul3A_40, %dma_wait3A] : memref<32x168x128xi32, #tpu.memory_space<hbm>> -> memref<1x56x128xi32, #tpu.memory_space<hbm>>
        %dma_wait3A_91 = tpu.memref_squeeze %dma_wait3A_90 : memref<1x56x128xi32, #tpu.memory_space<hbm>> -> memref<56x128xi32, #tpu.memory_space<hbm>>
        %dma_wait3A_92 = arith.constant 0 : i32
        %dma_wait3A_93 = tpu.memref_slice %arg3[%add3A, %mul3A_40, %dma_wait3A_92] : memref<32x168x128xi32, #tpu.memory_space<hbm>> -> memref<1x56x128xi32, #tpu.memory_space<hbm>>
        %dma_wait3A_94 = tpu.memref_squeeze %dma_wait3A_93 : memref<1x56x128xi32, #tpu.memory_space<hbm>> -> memref<56x128xi32, #tpu.memory_space<hbm>>
        tpu.wait_dma2 semaphore(%run_scoped3A : memref<!tpu.dma_semaphore, #tpu.memory_space<semaphore_mem>>) src(%dma_wait3A_94 : memref<56x128xi32, #tpu.memory_space<hbm>>) dst(%arg7 : memref<56x128xi32, #tpu.memory_space<vmem>>)
        tpu.yield
      }) : () -> ()
      %mul3A_41 = arith.constant 56 : i32
      %mul3A_42 = arith.muli %while3A_38, %mul3A_41 : i32
      "tpu.region"() ({
        %run_scoped3A = tpu.sem_alloc : memref<!tpu.dma_semaphore, #tpu.memory_space<semaphore_mem>>
        %dma_start3A = arith.constant 0 : i32
        %dma_start3A_85 = tpu.memref_slice %arg4[%add3A, %mul3A_42, %dma_start3A] : memref<32x168x128xi32, #tpu.memory_space<hbm>> -> memref<1x56x128xi32, #tpu.memory_space<hbm>>
        %dma_start3A_86 = tpu.memref_squeeze %dma_start3A_85 : memref<1x56x128xi32, #tpu.memory_space<hbm>> -> memref<56x128xi32, #tpu.memory_space<hbm>>
        %dma_start3A_87 = arith.constant 0 : i32
        %dma_start3A_88 = tpu.memref_slice %arg4[%add3A, %mul3A_42, %dma_start3A_87] : memref<32x168x128xi32, #tpu.memory_space<hbm>> -> memref<1x56x128xi32, #tpu.memory_space<hbm>>
        %dma_start3A_89 = tpu.memref_squeeze %dma_start3A_88 : memref<1x56x128xi32, #tpu.memory_space<hbm>> -> memref<56x128xi32, #tpu.memory_space<hbm>>
        tpu.enqueue_dma source(%dma_start3A_89 : memref<56x128xi32, #tpu.memory_space<hbm>>) target(%arg8 : memref<56x128xi32, #tpu.memory_space<vmem>>) target_semaphore(%run_scoped3A : memref<!tpu.dma_semaphore, #tpu.memory_space<semaphore_mem>>)
        %dma_wait3A = arith.constant 0 : i32
        %dma_wait3A_90 = tpu.memref_slice %arg4[%add3A, %mul3A_42, %dma_wait3A] : memref<32x168x128xi32, #tpu.memory_space<hbm>> -> memref<1x56x128xi32, #tpu.memory_space<hbm>>
        %dma_wait3A_91 = tpu.memref_squeeze %dma_wait3A_90 : memref<1x56x128xi32, #tpu.memory_space<hbm>> -> memref<56x128xi32, #tpu.memory_space<hbm>>
        %dma_wait3A_92 = arith.constant 0 : i32
        %dma_wait3A_93 = tpu.memref_slice %arg4[%add3A, %mul3A_42, %dma_wait3A_92] : memref<32x168x128xi32, #tpu.memory_space<hbm>> -> memref<1x56x128xi32, #tpu.memory_space<hbm>>
        %dma_wait3A_94 = tpu.memref_squeeze %dma_wait3A_93 : memref<1x56x128xi32, #tpu.memory_space<hbm>> -> memref<56x128xi32, #tpu.memory_space<hbm>>
        tpu.wait_dma2 semaphore(%run_scoped3A : memref<!tpu.dma_semaphore, #tpu.memory_space<semaphore_mem>>) src(%dma_wait3A_94 : memref<56x128xi32, #tpu.memory_space<hbm>>) dst(%arg8 : memref<56x128xi32, #tpu.memory_space<vmem>>)
        tpu.yield
      }) : () -> ()
      %mul3A_43 = arith.constant 56 : i32
      %mul3A_44 = arith.muli %while3A_38, %mul3A_43 : i32
      %sub3A_45 = arith.subi %select_n3A, %mul3A_44 : i32
      %jit3A_46 = arith.constant 2 : i32
      %div3A_47 = arith.divsi %sub3A_45, %jit3A_46 : i32
      %sign3A_48 = arith.constant 0 : i32
      %sign3A_49 = arith.cmpi sgt, %sub3A_45, %sign3A_48 : i32
      %sign3A_50 = arith.extui %sign3A_49 : i1 to i32
      %sign3A_51 = arith.constant 0 : i32
      %sign3A_52 = arith.cmpi slt, %sub3A_45, %sign3A_51 : i32
      %sign3A_53 = arith.extui %sign3A_52 : i1 to i32
      %sign3A_54 = arith.subi %sign3A_50, %sign3A_53 : i32
      %sign3A_55 = arith.constant 0 : i32
      %sign3A_56 = arith.cmpi sgt, %jit3A_46, %sign3A_55 : i32
      %sign3A_57 = arith.extui %sign3A_56 : i1 to i32
      %sign3A_58 = arith.constant 0 : i32
      %sign3A_59 = arith.cmpi slt, %jit3A_46, %sign3A_58 : i32
      %sign3A_60 = arith.extui %sign3A_59 : i1 to i32
      %sign3A_61 = arith.subi %sign3A_57, %sign3A_60 : i32
      %ne3A_62 = arith.cmpi ne, %sign3A_54, %sign3A_61 : i32
      %rem3A_63 = arith.remsi %sub3A_45, %jit3A_46 : i32
      %ne3A_64 = arith.constant 0 : i32
      %ne3A_65 = arith.cmpi ne, %rem3A_63, %ne3A_64 : i32
      %and3A_66 = arith.andi %ne3A_62, %ne3A_65 : i1
      %sub3A_67 = arith.constant 1 : i32
      %sub3A_68 = arith.subi %div3A_47, %sub3A_67 : i32
      %select_n3A_69 = arith.select %and3A_66, %sub3A_68, %div3A_47 : i32
      %jit3A_70 = arith.constant 0 : i32
      %jit3A_71 = arith.constant 28 : i32
      %max3A_72 = arith.maxsi %jit3A_70, %select_n3A_69 : i32
      %min3A = arith.minsi %jit3A_71, %max3A_72 : i32
      %while3A_73 = arith.constant 0 : i32
      %while3A_74 = arith.constant 0 : i32
      %while3A_75 = arith.subi %min3A, %while3A_74 : i32
      %while3A_76 = arith.addi %while3A_74, %while3A_75 : i32
      %while3A_77 = arith.constant 1 : i32
      %while3A_78 = arith.divsi %while3A_75, %while3A_77 : i32
      %while3A_79 = arith.muli %while3A_78, %while3A_77 : i32
      %while3A_80 = arith.addi %while3A_74, %while3A_79 : i32
      %while3A_81 = arith.constant 1 : i32
      scf.for %while3A_85 = %while3A_74 to %while3A_80 step %while3A_81  : i32 {
        %mul3A_86 = arith.constant 2 : i32
        %mul3A_87 = arith.muli %mul3A_86, %while3A_85 : i32
        %mul3A_88 = arith.constant 2 : i32
        %mul3A_89 = arith.muli %mul3A_88, %while3A_85 : i32
        %add3A_90 = arith.constant 1 : i32
        %add3A_91 = arith.addi %mul3A_89, %add3A_90 : i32
        %mul3A_92 = arith.constant 2 : i32
        %mul3A_93 = arith.muli %mul3A_92, %while3A_85 : i32
        %mul3A_94 = arith.constant 56 : i32
        %mul3A_95 = arith.muli %while3A_38, %mul3A_94 : i32
        %add3A_96 = arith.addi %mul3A_93, %mul3A_95 : i32
        %add3A_97 = arith.constant 1 : i32
        %add3A_98 = arith.addi %add3A_96, %add3A_97 : i32
        %dma_start3A = arith.constant 0 : i32
        %dma_start3A_99 = tpu.memref_slice %arg7[%mul3A_87, %dma_start3A] : memref<56x128xi32, #tpu.memory_space<vmem>> -> memref<1x128xi32, #tpu.memory_space<vmem>>
        %dma_start3A_100 = tpu.memref_squeeze %dma_start3A_99 : memref<1x128xi32, #tpu.memory_space<vmem>> -> memref<128xi32, #tpu.memory_space<vmem>>
        %dma_start3A_101 = arith.constant 0 : i32
        %dma_start3A_102 = arith.constant 0 : i32
        %dma_start3A_103 = tpu.memref_slice %arg2[%dma_start3A_101, %dma_start3A_102] : memref<10000x128xf32, #tpu.memory_space<hbm>> -> memref<10000x128xf32, #tpu.memory_space<hbm>>
        tpu.enqueue_indirect_dma source(%dma_start3A_103 : memref<10000x128xf32, #tpu.memory_space<hbm>>) target(%arg9 : memref<128x128xf32, #tpu.memory_space<vmem>>) offsets(%dma_start3A_100 : memref<128xi32, #tpu.memory_space<vmem>>) semaphore(%arg12 : memref<!tpu.dma_semaphore, #tpu.memory_space<semaphore_mem>>)
        %dma_wait3A = arith.constant 0 : i32
        %dma_wait3A_104 = tpu.memref_slice %arg7[%mul3A_87, %dma_wait3A] : memref<56x128xi32, #tpu.memory_space<vmem>> -> memref<1x128xi32, #tpu.memory_space<vmem>>
        %dma_wait3A_105 = tpu.memref_squeeze %dma_wait3A_104 : memref<1x128xi32, #tpu.memory_space<vmem>> -> memref<128xi32, #tpu.memory_space<vmem>>
        %dma_wait3A_106 = arith.constant 0 : i32
        %dma_wait3A_107 = arith.constant 0 : i32
        %dma_wait3A_108 = tpu.memref_slice %arg2[%dma_wait3A_106, %dma_wait3A_107] : memref<10000x128xf32, #tpu.memory_space<hbm>> -> memref<10000x128xf32, #tpu.memory_space<hbm>>
        tpu.wait_indirect_dma semaphore(%arg12 : memref<!tpu.dma_semaphore, #tpu.memory_space<semaphore_mem>>) src(%dma_wait3A_108 : memref<10000x128xf32, #tpu.memory_space<hbm>>) dst(%arg9 : memref<128x128xf32, #tpu.memory_space<vmem>>)
        %gt3A_109 = arith.constant 0 : i32
        %gt3A_110 = arith.cmpi sgt, %while3A_85, %gt3A_109 : i32
        %convert_element_type3A_111 = arith.extui %gt3A_110 : i1 to i32
        %cond3A_112 = arith.constant 0 : i32
        %cond3A_113 = arith.cmpi ne, %convert_element_type3A_111, %cond3A_112 : i32
        scf.if %cond3A_113 {
          %sub3A_144 = arith.constant 2 : i32
          %sub3A_145 = arith.subi %add3A_91, %sub3A_144 : i32
          %dma_wait3A_146 = arith.constant 0 : i32
          %dma_wait3A_147 = tpu.memref_slice %arg8[%sub3A_145, %dma_wait3A_146] : memref<56x128xi32, #tpu.memory_space<vmem>> -> memref<1x128xi32, #tpu.memory_space<vmem>>
          %dma_wait3A_148 = tpu.memref_squeeze %dma_wait3A_147 : memref<1x128xi32, #tpu.memory_space<vmem>> -> memref<128xi32, #tpu.memory_space<vmem>>
          %dma_wait3A_149 = arith.constant 0 : i32
          %dma_wait3A_150 = arith.constant 0 : i32
          %dma_wait3A_151 = tpu.memref_slice %arg11[%dma_wait3A_149, %dma_wait3A_150] : memref<10112x128xf32, #tpu.memory_space<vmem_shared>> -> memref<10112x128xf32, #tpu.memory_space<vmem_shared>>
          tpu.wait_indirect_dma semaphore(%arg14 : memref<!tpu.dma_semaphore, #tpu.memory_space<semaphore_mem>>) src(%arg10 : memref<128x128xf32, #tpu.memory_space<vmem>>) dst(%dma_wait3A_151 : memref<10112x128xf32, #tpu.memory_space<vmem_shared>>)
        } else {
        }
        %dma_start3A_114 = arith.constant 0 : i32
        %dma_start3A_115 = tpu.memref_slice %arg8[%mul3A_87, %dma_start3A_114] : memref<56x128xi32, #tpu.memory_space<vmem>> -> memref<1x128xi32, #tpu.memory_space<vmem>>
        %dma_start3A_116 = tpu.memref_squeeze %dma_start3A_115 : memref<1x128xi32, #tpu.memory_space<vmem>> -> memref<128xi32, #tpu.memory_space<vmem>>
        %dma_start3A_117 = arith.constant 0 : i32
        %dma_start3A_118 = arith.constant 0 : i32
        %dma_start3A_119 = tpu.memref_slice %arg11[%dma_start3A_117, %dma_start3A_118] : memref<10112x128xf32, #tpu.memory_space<vmem_shared>> -> memref<10112x128xf32, #tpu.memory_space<vmem_shared>>
        tpu.enqueue_indirect_dma source(%arg9 : memref<128x128xf32, #tpu.memory_space<vmem>>) target(%dma_start3A_119 : memref<10112x128xf32, #tpu.memory_space<vmem_shared>>) offsets(%dma_start3A_116 : memref<128xi32, #tpu.memory_space<vmem>>) semaphore(%arg13 : memref<!tpu.dma_semaphore, #tpu.memory_space<semaphore_mem>>) {add = true}
        %dma_start3A_120 = arith.constant 0 : i32
        %dma_start3A_121 = tpu.memref_slice %arg7[%add3A_91, %dma_start3A_120] : memref<56x128xi32, #tpu.memory_space<vmem>> -> memref<1x128xi32, #tpu.memory_space<vmem>>
        %dma_start3A_122 = tpu.memref_squeeze %dma_start3A_121 : memref<1x128xi32, #tpu.memory_space<vmem>> -> memref<128xi32, #tpu.memory_space<vmem>>
        %dma_start3A_123 = arith.constant 0 : i32
        %dma_start3A_124 = arith.constant 0 : i32
        %dma_start3A_125 = tpu.memref_slice %arg2[%dma_start3A_123, %dma_start3A_124] : memref<10000x128xf32, #tpu.memory_space<hbm>> -> memref<10000x128xf32, #tpu.memory_space<hbm>>
        tpu.enqueue_indirect_dma source(%dma_start3A_125 : memref<10000x128xf32, #tpu.memory_space<hbm>>) target(%arg10 : memref<128x128xf32, #tpu.memory_space<vmem>>) offsets(%dma_start3A_122 : memref<128xi32, #tpu.memory_space<vmem>>) semaphore(%arg12 : memref<!tpu.dma_semaphore, #tpu.memory_space<semaphore_mem>>)
        %dma_wait3A_126 = arith.constant 0 : i32
        %dma_wait3A_127 = tpu.memref_slice %arg7[%add3A_91, %dma_wait3A_126] : memref<56x128xi32, #tpu.memory_space<vmem>> -> memref<1x128xi32, #tpu.memory_space<vmem>>
        %dma_wait3A_128 = tpu.memref_squeeze %dma_wait3A_127 : memref<1x128xi32, #tpu.memory_space<vmem>> -> memref<128xi32, #tpu.memory_space<vmem>>
        %dma_wait3A_129 = arith.constant 0 : i32
        %dma_wait3A_130 = arith.constant 0 : i32
        %dma_wait3A_131 = tpu.memref_slice %arg2[%dma_wait3A_129, %dma_wait3A_130] : memref<10000x128xf32, #tpu.memory_space<hbm>> -> memref<10000x128xf32, #tpu.memory_space<hbm>>
        tpu.wait_indirect_dma semaphore(%arg12 : memref<!tpu.dma_semaphore, #tpu.memory_space<semaphore_mem>>) src(%dma_wait3A_131 : memref<10000x128xf32, #tpu.memory_space<hbm>>) dst(%arg10 : memref<128x128xf32, #tpu.memory_space<vmem>>)
        %dma_wait3A_132 = arith.constant 0 : i32
        %dma_wait3A_133 = tpu.memref_slice %arg8[%mul3A_87, %dma_wait3A_132] : memref<56x128xi32, #tpu.memory_space<vmem>> -> memref<1x128xi32, #tpu.memory_space<vmem>>
        %dma_wait3A_134 = tpu.memref_squeeze %dma_wait3A_133 : memref<1x128xi32, #tpu.memory_space<vmem>> -> memref<128xi32, #tpu.memory_space<vmem>>
        %dma_wait3A_135 = arith.constant 0 : i32
        %dma_wait3A_136 = arith.constant 0 : i32
        %dma_wait3A_137 = tpu.memref_slice %arg11[%dma_wait3A_135, %dma_wait3A_136] : memref<10112x128xf32, #tpu.memory_space<vmem_shared>> -> memref<10112x128xf32, #tpu.memory_space<vmem_shared>>
        tpu.wait_indirect_dma semaphore(%arg13 : memref<!tpu.dma_semaphore, #tpu.memory_space<semaphore_mem>>) src(%arg9 : memref<128x128xf32, #tpu.memory_space<vmem>>) dst(%dma_wait3A_137 : memref<10112x128xf32, #tpu.memory_space<vmem_shared>>)
        %dma_start3A_138 = arith.constant 0 : i32
        %dma_start3A_139 = tpu.memref_slice %arg8[%add3A_91, %dma_start3A_138] : memref<56x128xi32, #tpu.memory_space<vmem>> -> memref<1x128xi32, #tpu.memory_space<vmem>>
        %dma_start3A_140 = tpu.memref_squeeze %dma_start3A_139 : memref<1x128xi32, #tpu.memory_space<vmem>> -> memref<128xi32, #tpu.memory_space<vmem>>
        %dma_start3A_141 = arith.constant 0 : i32
        %dma_start3A_142 = arith.constant 0 : i32
        %dma_start3A_143 = tpu.memref_slice %arg11[%dma_start3A_141, %dma_start3A_142] : memref<10112x128xf32, #tpu.memory_space<vmem_shared>> -> memref<10112x128xf32, #tpu.memory_space<vmem_shared>>
        tpu.enqueue_indirect_dma source(%arg10 : memref<128x128xf32, #tpu.memory_space<vmem>>) target(%dma_start3A_143 : memref<10112x128xf32, #tpu.memory_space<vmem_shared>>) offsets(%dma_start3A_140 : memref<128xi32, #tpu.memory_space<vmem>>) semaphore(%arg14 : memref<!tpu.dma_semaphore, #tpu.memory_space<semaphore_mem>>) {add = true}
      }
      %while3A_82 = arith.constant 1 : i32
      scf.for %while3A_85 = %while3A_80 to %while3A_76 step %while3A_82  : i32 {
        %mul3A_86 = arith.constant 2 : i32
        %mul3A_87 = arith.muli %mul3A_86, %while3A_85 : i32
        %mul3A_88 = arith.constant 2 : i32
        %mul3A_89 = arith.muli %mul3A_88, %while3A_85 : i32
        %add3A_90 = arith.constant 1 : i32
        %add3A_91 = arith.addi %mul3A_89, %add3A_90 : i32
        %mul3A_92 = arith.constant 2 : i32
        %mul3A_93 = arith.muli %mul3A_92, %while3A_85 : i32
        %mul3A_94 = arith.constant 56 : i32
        %mul3A_95 = arith.muli %while3A_38, %mul3A_94 : i32
        %add3A_96 = arith.addi %mul3A_93, %mul3A_95 : i32
        %add3A_97 = arith.constant 1 : i32
        %add3A_98 = arith.addi %add3A_96, %add3A_97 : i32
        %dma_start3A = arith.constant 0 : i32
        %dma_start3A_99 = tpu.memref_slice %arg7[%mul3A_87, %dma_start3A] : memref<56x128xi32, #tpu.memory_space<vmem>> -> memref<1x128xi32, #tpu.memory_space<vmem>>
        %dma_start3A_100 = tpu.memref_squeeze %dma_start3A_99 : memref<1x128xi32, #tpu.memory_space<vmem>> -> memref<128xi32, #tpu.memory_space<vmem>>
        %dma_start3A_101 = arith.constant 0 : i32
        %dma_start3A_102 = arith.constant 0 : i32
        %dma_start3A_103 = tpu.memref_slice %arg2[%dma_start3A_101, %dma_start3A_102] : memref<10000x128xf32, #tpu.memory_space<hbm>> -> memref<10000x128xf32, #tpu.memory_space<hbm>>
        tpu.enqueue_indirect_dma source(%dma_start3A_103 : memref<10000x128xf32, #tpu.memory_space<hbm>>) target(%arg9 : memref<128x128xf32, #tpu.memory_space<vmem>>) offsets(%dma_start3A_100 : memref<128xi32, #tpu.memory_space<vmem>>) semaphore(%arg12 : memref<!tpu.dma_semaphore, #tpu.memory_space<semaphore_mem>>)
        %dma_wait3A = arith.constant 0 : i32
        %dma_wait3A_104 = tpu.memref_slice %arg7[%mul3A_87, %dma_wait3A] : memref<56x128xi32, #tpu.memory_space<vmem>> -> memref<1x128xi32, #tpu.memory_space<vmem>>
        %dma_wait3A_105 = tpu.memref_squeeze %dma_wait3A_104 : memref<1x128xi32, #tpu.memory_space<vmem>> -> memref<128xi32, #tpu.memory_space<vmem>>
        %dma_wait3A_106 = arith.constant 0 : i32
        %dma_wait3A_107 = arith.constant 0 : i32
        %dma_wait3A_108 = tpu.memref_slice %arg2[%dma_wait3A_106, %dma_wait3A_107] : memref<10000x128xf32, #tpu.memory_space<hbm>> -> memref<10000x128xf32, #tpu.memory_space<hbm>>
        tpu.wait_indirect_dma semaphore(%arg12 : memref<!tpu.dma_semaphore, #tpu.memory_space<semaphore_mem>>) src(%dma_wait3A_108 : memref<10000x128xf32, #tpu.memory_space<hbm>>) dst(%arg9 : memref<128x128xf32, #tpu.memory_space<vmem>>)
        %gt3A_109 = arith.constant 0 : i32
        %gt3A_110 = arith.cmpi sgt, %while3A_85, %gt3A_109 : i32
        %convert_element_type3A_111 = arith.extui %gt3A_110 : i1 to i32
        %cond3A_112 = arith.constant 0 : i32
        %cond3A_113 = arith.cmpi ne, %convert_element_type3A_111, %cond3A_112 : i32
        scf.if %cond3A_113 {
          %sub3A_144 = arith.constant 2 : i32
          %sub3A_145 = arith.subi %add3A_91, %sub3A_144 : i32
          %dma_wait3A_146 = arith.constant 0 : i32
          %dma_wait3A_147 = tpu.memref_slice %arg8[%sub3A_145, %dma_wait3A_146] : memref<56x128xi32, #tpu.memory_space<vmem>> -> memref<1x128xi32, #tpu.memory_space<vmem>>
          %dma_wait3A_148 = tpu.memref_squeeze %dma_wait3A_147 : memref<1x128xi32, #tpu.memory_space<vmem>> -> memref<128xi32, #tpu.memory_space<vmem>>
          %dma_wait3A_149 = arith.constant 0 : i32
          %dma_wait3A_150 = arith.constant 0 : i32
          %dma_wait3A_151 = tpu.memref_slice %arg11[%dma_wait3A_149, %dma_wait3A_150] : memref<10112x128xf32, #tpu.memory_space<vmem_shared>> -> memref<10112x128xf32, #tpu.memory_space<vmem_shared>>
          tpu.wait_indirect_dma semaphore(%arg14 : memref<!tpu.dma_semaphore, #tpu.memory_space<semaphore_mem>>) src(%arg10 : memref<128x128xf32, #tpu.memory_space<vmem>>) dst(%dma_wait3A_151 : memref<10112x128xf32, #tpu.memory_space<vmem_shared>>)
        } else {
        }
        %dma_start3A_114 = arith.constant 0 : i32
        %dma_start3A_115 = tpu.memref_slice %arg8[%mul3A_87, %dma_start3A_114] : memref<56x128xi32, #tpu.memory_space<vmem>> -> memref<1x128xi32, #tpu.memory_space<vmem>>
        %dma_start3A_116 = tpu.memref_squeeze %dma_start3A_115 : memref<1x128xi32, #tpu.memory_space<vmem>> -> memref<128xi32, #tpu.memory_space<vmem>>
        %dma_start3A_117 = arith.constant 0 : i32
        %dma_start3A_118 = arith.constant 0 : i32
        %dma_start3A_119 = tpu.memref_slice %arg11[%dma_start3A_117, %dma_start3A_118] : memref<10112x128xf32, #tpu.memory_space<vmem_shared>> -> memref<10112x128xf32, #tpu.memory_space<vmem_shared>>
        tpu.enqueue_indirect_dma source(%arg9 : memref<128x128xf32, #tpu.memory_space<vmem>>) target(%dma_start3A_119 : memref<10112x128xf32, #tpu.memory_space<vmem_shared>>) offsets(%dma_start3A_116 : memref<128xi32, #tpu.memory_space<vmem>>) semaphore(%arg13 : memref<!tpu.dma_semaphore, #tpu.memory_space<semaphore_mem>>) {add = true}
        %dma_start3A_120 = arith.constant 0 : i32
        %dma_start3A_121 = tpu.memref_slice %arg7[%add3A_91, %dma_start3A_120] : memref<56x128xi32, #tpu.memory_space<vmem>> -> memref<1x128xi32, #tpu.memory_space<vmem>>
        %dma_start3A_122 = tpu.memref_squeeze %dma_start3A_121 : memref<1x128xi32, #tpu.memory_space<vmem>> -> memref<128xi32, #tpu.memory_space<vmem>>
        %dma_start3A_123 = arith.constant 0 : i32
        %dma_start3A_124 = arith.constant 0 : i32
        %dma_start3A_125 = tpu.memref_slice %arg2[%dma_start3A_123, %dma_start3A_124] : memref<10000x128xf32, #tpu.memory_space<hbm>> -> memref<10000x128xf32, #tpu.memory_space<hbm>>
        tpu.enqueue_indirect_dma source(%dma_start3A_125 : memref<10000x128xf32, #tpu.memory_space<hbm>>) target(%arg10 : memref<128x128xf32, #tpu.memory_space<vmem>>) offsets(%dma_start3A_122 : memref<128xi32, #tpu.memory_space<vmem>>) semaphore(%arg12 : memref<!tpu.dma_semaphore, #tpu.memory_space<semaphore_mem>>)
        %dma_wait3A_126 = arith.constant 0 : i32
        %dma_wait3A_127 = tpu.memref_slice %arg7[%add3A_91, %dma_wait3A_126] : memref<56x128xi32, #tpu.memory_space<vmem>> -> memref<1x128xi32, #tpu.memory_space<vmem>>
        %dma_wait3A_128 = tpu.memref_squeeze %dma_wait3A_127 : memref<1x128xi32, #tpu.memory_space<vmem>> -> memref<128xi32, #tpu.memory_space<vmem>>
        %dma_wait3A_129 = arith.constant 0 : i32
        %dma_wait3A_130 = arith.constant 0 : i32
        %dma_wait3A_131 = tpu.memref_slice %arg2[%dma_wait3A_129, %dma_wait3A_130] : memref<10000x128xf32, #tpu.memory_space<hbm>> -> memref<10000x128xf32, #tpu.memory_space<hbm>>
        tpu.wait_indirect_dma semaphore(%arg12 : memref<!tpu.dma_semaphore, #tpu.memory_space<semaphore_mem>>) src(%dma_wait3A_131 : memref<10000x128xf32, #tpu.memory_space<hbm>>) dst(%arg10 : memref<128x128xf32, #tpu.memory_space<vmem>>)
        %dma_wait3A_132 = arith.constant 0 : i32
        %dma_wait3A_133 = tpu.memref_slice %arg8[%mul3A_87, %dma_wait3A_132] : memref<56x128xi32, #tpu.memory_space<vmem>> -> memref<1x128xi32, #tpu.memory_space<vmem>>
        %dma_wait3A_134 = tpu.memref_squeeze %dma_wait3A_133 : memref<1x128xi32, #tpu.memory_space<vmem>> -> memref<128xi32, #tpu.memory_space<vmem>>
        %dma_wait3A_135 = arith.constant 0 : i32
        %dma_wait3A_136 = arith.constant 0 : i32
        %dma_wait3A_137 = tpu.memref_slice %arg11[%dma_wait3A_135, %dma_wait3A_136] : memref<10112x128xf32, #tpu.memory_space<vmem_shared>> -> memref<10112x128xf32, #tpu.memory_space<vmem_shared>>
        tpu.wait_indirect_dma semaphore(%arg13 : memref<!tpu.dma_semaphore, #tpu.memory_space<semaphore_mem>>) src(%arg9 : memref<128x128xf32, #tpu.memory_space<vmem>>) dst(%dma_wait3A_137 : memref<10112x128xf32, #tpu.memory_space<vmem_shared>>)
        %dma_start3A_138 = arith.constant 0 : i32
        %dma_start3A_139 = tpu.memref_slice %arg8[%add3A_91, %dma_start3A_138] : memref<56x128xi32, #tpu.memory_space<vmem>> -> memref<1x128xi32, #tpu.memory_space<vmem>>
        %dma_start3A_140 = tpu.memref_squeeze %dma_start3A_139 : memref<1x128xi32, #tpu.memory_space<vmem>> -> memref<128xi32, #tpu.memory_space<vmem>>
        %dma_start3A_141 = arith.constant 0 : i32
        %dma_start3A_142 = arith.constant 0 : i32
        %dma_start3A_143 = tpu.memref_slice %arg11[%dma_start3A_141, %dma_start3A_142] : memref<10112x128xf32, #tpu.memory_space<vmem_shared>> -> memref<10112x128xf32, #tpu.memory_space<vmem_shared>>
        tpu.enqueue_indirect_dma source(%arg10 : memref<128x128xf32, #tpu.memory_space<vmem>>) target(%dma_start3A_143 : memref<10112x128xf32, #tpu.memory_space<vmem_shared>>) offsets(%dma_start3A_140 : memref<128xi32, #tpu.memory_space<vmem>>) semaphore(%arg14 : memref<!tpu.dma_semaphore, #tpu.memory_space<semaphore_mem>>) {add = true}
      }
      %gt3A = arith.constant 0 : i32
      %gt3A_83 = arith.cmpi sgt, %min3A, %gt3A : i32
      %convert_element_type3A = arith.extui %gt3A_83 : i1 to i32
      %cond3A = arith.constant 0 : i32
      %cond3A_84 = arith.cmpi ne, %convert_element_type3A, %cond3A : i32
      scf.if %cond3A_84 {
        %mul3A_85 = arith.constant 2 : i32
        %mul3A_86 = arith.muli %mul3A_85, %min3A : i32
        %sub3A_87 = arith.constant 1 : i32
        %sub3A_88 = arith.subi %mul3A_86, %sub3A_87 : i32
        %dma_wait3A = arith.constant 0 : i32
        %dma_wait3A_89 = tpu.memref_slice %arg8[%sub3A_88, %dma_wait3A] : memref<56x128xi32, #tpu.memory_space<vmem>> -> memref<1x128xi32, #tpu.memory_space<vmem>>
        %dma_wait3A_90 = tpu.memref_squeeze %dma_wait3A_89 : memref<1x128xi32, #tpu.memory_space<vmem>> -> memref<128xi32, #tpu.memory_space<vmem>>
        %dma_wait3A_91 = arith.constant 0 : i32
        %dma_wait3A_92 = arith.constant 0 : i32
        %dma_wait3A_93 = tpu.memref_slice %arg11[%dma_wait3A_91, %dma_wait3A_92] : memref<10112x128xf32, #tpu.memory_space<vmem_shared>> -> memref<10112x128xf32, #tpu.memory_space<vmem_shared>>
        tpu.wait_indirect_dma semaphore(%arg14 : memref<!tpu.dma_semaphore, #tpu.memory_space<semaphore_mem>>) src(%arg10 : memref<128x128xf32, #tpu.memory_space<vmem>>) dst(%dma_wait3A_93 : memref<10112x128xf32, #tpu.memory_space<vmem_shared>>)
      } else {
      }
    }
    %while3A_36 = arith.constant 1 : i32
    scf.for %while3A_38 = %while3A_34 to %while3A_30 step %while3A_36  : i32 {
      %mul3A_39 = arith.constant 56 : i32
      %mul3A_40 = arith.muli %while3A_38, %mul3A_39 : i32
      "tpu.region"() ({
        %run_scoped3A = tpu.sem_alloc : memref<!tpu.dma_semaphore, #tpu.memory_space<semaphore_mem>>
        %dma_start3A = arith.constant 0 : i32
        %dma_start3A_85 = tpu.memref_slice %arg3[%add3A, %mul3A_40, %dma_start3A] : memref<32x168x128xi32, #tpu.memory_space<hbm>> -> memref<1x56x128xi32, #tpu.memory_space<hbm>>
        %dma_start3A_86 = tpu.memref_squeeze %dma_start3A_85 : memref<1x56x128xi32, #tpu.memory_space<hbm>> -> memref<56x128xi32, #tpu.memory_space<hbm>>
        %dma_start3A_87 = arith.constant 0 : i32
        %dma_start3A_88 = tpu.memref_slice %arg3[%add3A, %mul3A_40, %dma_start3A_87] : memref<32x168x128xi32, #tpu.memory_space<hbm>> -> memref<1x56x128xi32, #tpu.memory_space<hbm>>
        %dma_start3A_89 = tpu.memref_squeeze %dma_start3A_88 : memref<1x56x128xi32, #tpu.memory_space<hbm>> -> memref<56x128xi32, #tpu.memory_space<hbm>>
        tpu.enqueue_dma source(%dma_start3A_89 : memref<56x128xi32, #tpu.memory_space<hbm>>) target(%arg7 : memref<56x128xi32, #tpu.memory_space<vmem>>) target_semaphore(%run_scoped3A : memref<!tpu.dma_semaphore, #tpu.memory_space<semaphore_mem>>)
        %dma_wait3A = arith.constant 0 : i32
        %dma_wait3A_90 = tpu.memref_slice %arg3[%add3A, %mul3A_40, %dma_wait3A] : memref<32x168x128xi32, #tpu.memory_space<hbm>> -> memref<1x56x128xi32, #tpu.memory_space<hbm>>
        %dma_wait3A_91 = tpu.memref_squeeze %dma_wait3A_90 : memref<1x56x128xi32, #tpu.memory_space<hbm>> -> memref<56x128xi32, #tpu.memory_space<hbm>>
        %dma_wait3A_92 = arith.constant 0 : i32
        %dma_wait3A_93 = tpu.memref_slice %arg3[%add3A, %mul3A_40, %dma_wait3A_92] : memref<32x168x128xi32, #tpu.memory_space<hbm>> -> memref<1x56x128xi32, #tpu.memory_space<hbm>>
        %dma_wait3A_94 = tpu.memref_squeeze %dma_wait3A_93 : memref<1x56x128xi32, #tpu.memory_space<hbm>> -> memref<56x128xi32, #tpu.memory_space<hbm>>
        tpu.wait_dma2 semaphore(%run_scoped3A : memref<!tpu.dma_semaphore, #tpu.memory_space<semaphore_mem>>) src(%dma_wait3A_94 : memref<56x128xi32, #tpu.memory_space<hbm>>) dst(%arg7 : memref<56x128xi32, #tpu.memory_space<vmem>>)
        tpu.yield
      }) : () -> ()
      %mul3A_41 = arith.constant 56 : i32
      %mul3A_42 = arith.muli %while3A_38, %mul3A_41 : i32
      "tpu.region"() ({
        %run_scoped3A = tpu.sem_alloc : memref<!tpu.dma_semaphore, #tpu.memory_space<semaphore_mem>>
        %dma_start3A = arith.constant 0 : i32
        %dma_start3A_85 = tpu.memref_slice %arg4[%add3A, %mul3A_42, %dma_start3A] : memref<32x168x128xi32, #tpu.memory_space<hbm>> -> memref<1x56x128xi32, #tpu.memory_space<hbm>>
        %dma_start3A_86 = tpu.memref_squeeze %dma_start3A_85 : memref<1x56x128xi32, #tpu.memory_space<hbm>> -> memref<56x128xi32, #tpu.memory_space<hbm>>
        %dma_start3A_87 = arith.constant 0 : i32
        %dma_start3A_88 = tpu.memref_slice %arg4[%add3A, %mul3A_42, %dma_start3A_87] : memref<32x168x128xi32, #tpu.memory_space<hbm>> -> memref<1x56x128xi32, #tpu.memory_space<hbm>>
        %dma_start3A_89 = tpu.memref_squeeze %dma_start3A_88 : memref<1x56x128xi32, #tpu.memory_space<hbm>> -> memref<56x128xi32, #tpu.memory_space<hbm>>
        tpu.enqueue_dma source(%dma_start3A_89 : memref<56x128xi32, #tpu.memory_space<hbm>>) target(%arg8 : memref<56x128xi32, #tpu.memory_space<vmem>>) target_semaphore(%run_scoped3A : memref<!tpu.dma_semaphore, #tpu.memory_space<semaphore_mem>>)
        %dma_wait3A = arith.constant 0 : i32
        %dma_wait3A_90 = tpu.memref_slice %arg4[%add3A, %mul3A_42, %dma_wait3A] : memref<32x168x128xi32, #tpu.memory_space<hbm>> -> memref<1x56x128xi32, #tpu.memory_space<hbm>>
        %dma_wait3A_91 = tpu.memref_squeeze %dma_wait3A_90 : memref<1x56x128xi32, #tpu.memory_space<hbm>> -> memref<56x128xi32, #tpu.memory_space<hbm>>
        %dma_wait3A_92 = arith.constant 0 : i32
        %dma_wait3A_93 = tpu.memref_slice %arg4[%add3A, %mul3A_42, %dma_wait3A_92] : memref<32x168x128xi32, #tpu.memory_space<hbm>> -> memref<1x56x128xi32, #tpu.memory_space<hbm>>
        %dma_wait3A_94 = tpu.memref_squeeze %dma_wait3A_93 : memref<1x56x128xi32, #tpu.memory_space<hbm>> -> memref<56x128xi32, #tpu.memory_space<hbm>>
        tpu.wait_dma2 semaphore(%run_scoped3A : memref<!tpu.dma_semaphore, #tpu.memory_space<semaphore_mem>>) src(%dma_wait3A_94 : memref<56x128xi32, #tpu.memory_space<hbm>>) dst(%arg8 : memref<56x128xi32, #tpu.memory_space<vmem>>)
        tpu.yield
      }) : () -> ()
      %mul3A_43 = arith.constant 56 : i32
      %mul3A_44 = arith.muli %while3A_38, %mul3A_43 : i32
      %sub3A_45 = arith.subi %select_n3A, %mul3A_44 : i32
      %jit3A_46 = arith.constant 2 : i32
      %div3A_47 = arith.divsi %sub3A_45, %jit3A_46 : i32
      %sign3A_48 = arith.constant 0 : i32
      %sign3A_49 = arith.cmpi sgt, %sub3A_45, %sign3A_48 : i32
      %sign3A_50 = arith.extui %sign3A_49 : i1 to i32
      %sign3A_51 = arith.constant 0 : i32
      %sign3A_52 = arith.cmpi slt, %sub3A_45, %sign3A_51 : i32
      %sign3A_53 = arith.extui %sign3A_52 : i1 to i32
      %sign3A_54 = arith.subi %sign3A_50, %sign3A_53 : i32
      %sign3A_55 = arith.constant 0 : i32
      %sign3A_56 = arith.cmpi sgt, %jit3A_46, %sign3A_55 : i32
      %sign3A_57 = arith.extui %sign3A_56 : i1 to i32
      %sign3A_58 = arith.constant 0 : i32
      %sign3A_59 = arith.cmpi slt, %jit3A_46, %sign3A_58 : i32
      %sign3A_60 = arith.extui %sign3A_59 : i1 to i32
      %sign3A_61 = arith.subi %sign3A_57, %sign3A_60 : i32
      %ne3A_62 = arith.cmpi ne, %sign3A_54, %sign3A_61 : i32
      %rem3A_63 = arith.remsi %sub3A_45, %jit3A_46 : i32
      %ne3A_64 = arith.constant 0 : i32
      %ne3A_65 = arith.cmpi ne, %rem3A_63, %ne3A_64 : i32
      %and3A_66 = arith.andi %ne3A_62, %ne3A_65 : i1
      %sub3A_67 = arith.constant 1 : i32
      %sub3A_68 = arith.subi %div3A_47, %sub3A_67 : i32
      %select_n3A_69 = arith.select %and3A_66, %sub3A_68, %div3A_47 : i32
      %jit3A_70 = arith.constant 0 : i32
      %jit3A_71 = arith.constant 28 : i32
      %max3A_72 = arith.maxsi %jit3A_70, %select_n3A_69 : i32
      %min3A = arith.minsi %jit3A_71, %max3A_72 : i32
      %while3A_73 = arith.constant 0 : i32
      %while3A_74 = arith.constant 0 : i32
      %while3A_75 = arith.subi %min3A, %while3A_74 : i32
      %while3A_76 = arith.addi %while3A_74, %while3A_75 : i32
      %while3A_77 = arith.constant 1 : i32
      %while3A_78 = arith.divsi %while3A_75, %while3A_77 : i32
      %while3A_79 = arith.muli %while3A_78, %while3A_77 : i32
      %while3A_80 = arith.addi %while3A_74, %while3A_79 : i32
      %while3A_81 = arith.constant 1 : i32
      scf.for %while3A_85 = %while3A_74 to %while3A_80 step %while3A_81  : i32 {
        %mul3A_86 = arith.constant 2 : i32
        %mul3A_87 = arith.muli %mul3A_86, %while3A_85 : i32
        %mul3A_88 = arith.constant 2 : i32
        %mul3A_89 = arith.muli %mul3A_88, %while3A_85 : i32
        %add3A_90 = arith.constant 1 : i32
        %add3A_91 = arith.addi %mul3A_89, %add3A_90 : i32
        %mul3A_92 = arith.constant 2 : i32
        %mul3A_93 = arith.muli %mul3A_92, %while3A_85 : i32
        %mul3A_94 = arith.constant 56 : i32
        %mul3A_95 = arith.muli %while3A_38, %mul3A_94 : i32
        %add3A_96 = arith.addi %mul3A_93, %mul3A_95 : i32
        %add3A_97 = arith.constant 1 : i32
        %add3A_98 = arith.addi %add3A_96, %add3A_97 : i32
        %dma_start3A = arith.constant 0 : i32
        %dma_start3A_99 = tpu.memref_slice %arg7[%mul3A_87, %dma_start3A] : memref<56x128xi32, #tpu.memory_space<vmem>> -> memref<1x128xi32, #tpu.memory_space<vmem>>
        %dma_start3A_100 = tpu.memref_squeeze %dma_start3A_99 : memref<1x128xi32, #tpu.memory_space<vmem>> -> memref<128xi32, #tpu.memory_space<vmem>>
        %dma_start3A_101 = arith.constant 0 : i32
        %dma_start3A_102 = arith.constant 0 : i32
        %dma_start3A_103 = tpu.memref_slice %arg2[%dma_start3A_101, %dma_start3A_102] : memref<10000x128xf32, #tpu.memory_space<hbm>> -> memref<10000x128xf32, #tpu.memory_space<hbm>>
        tpu.enqueue_indirect_dma source(%dma_start3A_103 : memref<10000x128xf32, #tpu.memory_space<hbm>>) target(%arg9 : memref<128x128xf32, #tpu.memory_space<vmem>>) offsets(%dma_start3A_100 : memref<128xi32, #tpu.memory_space<vmem>>) semaphore(%arg12 : memref<!tpu.dma_semaphore, #tpu.memory_space<semaphore_mem>>)
        %dma_wait3A = arith.constant 0 : i32
        %dma_wait3A_104 = tpu.memref_slice %arg7[%mul3A_87, %dma_wait3A] : memref<56x128xi32, #tpu.memory_space<vmem>> -> memref<1x128xi32, #tpu.memory_space<vmem>>
        %dma_wait3A_105 = tpu.memref_squeeze %dma_wait3A_104 : memref<1x128xi32, #tpu.memory_space<vmem>> -> memref<128xi32, #tpu.memory_space<vmem>>
        %dma_wait3A_106 = arith.constant 0 : i32
        %dma_wait3A_107 = arith.constant 0 : i32
        %dma_wait3A_108 = tpu.memref_slice %arg2[%dma_wait3A_106, %dma_wait3A_107] : memref<10000x128xf32, #tpu.memory_space<hbm>> -> memref<10000x128xf32, #tpu.memory_space<hbm>>
        tpu.wait_indirect_dma semaphore(%arg12 : memref<!tpu.dma_semaphore, #tpu.memory_space<semaphore_mem>>) src(%dma_wait3A_108 : memref<10000x128xf32, #tpu.memory_space<hbm>>) dst(%arg9 : memref<128x128xf32, #tpu.memory_space<vmem>>)
        %gt3A_109 = arith.constant 0 : i32
        %gt3A_110 = arith.cmpi sgt, %while3A_85, %gt3A_109 : i32
        %convert_element_type3A_111 = arith.extui %gt3A_110 : i1 to i32
        %cond3A_112 = arith.constant 0 : i32
        %cond3A_113 = arith.cmpi ne, %convert_element_type3A_111, %cond3A_112 : i32
        scf.if %cond3A_113 {
          %sub3A_144 = arith.constant 2 : i32
          %sub3A_145 = arith.subi %add3A_91, %sub3A_144 : i32
          %dma_wait3A_146 = arith.constant 0 : i32
          %dma_wait3A_147 = tpu.memref_slice %arg8[%sub3A_145, %dma_wait3A_146] : memref<56x128xi32, #tpu.memory_space<vmem>> -> memref<1x128xi32, #tpu.memory_space<vmem>>
          %dma_wait3A_148 = tpu.memref_squeeze %dma_wait3A_147 : memref<1x128xi32, #tpu.memory_space<vmem>> -> memref<128xi32, #tpu.memory_space<vmem>>
          %dma_wait3A_149 = arith.constant 0 : i32
          %dma_wait3A_150 = arith.constant 0 : i32
          %dma_wait3A_151 = tpu.memref_slice %arg11[%dma_wait3A_149, %dma_wait3A_150] : memref<10112x128xf32, #tpu.memory_space<vmem_shared>> -> memref<10112x128xf32, #tpu.memory_space<vmem_shared>>
          tpu.wait_indirect_dma semaphore(%arg14 : memref<!tpu.dma_semaphore, #tpu.memory_space<semaphore_mem>>) src(%arg10 : memref<128x128xf32, #tpu.memory_space<vmem>>) dst(%dma_wait3A_151 : memref<10112x128xf32, #tpu.memory_space<vmem_shared>>)
        } else {
        }
        %dma_start3A_114 = arith.constant 0 : i32
        %dma_start3A_115 = tpu.memref_slice %arg8[%mul3A_87, %dma_start3A_114] : memref<56x128xi32, #tpu.memory_space<vmem>> -> memref<1x128xi32, #tpu.memory_space<vmem>>
        %dma_start3A_116 = tpu.memref_squeeze %dma_start3A_115 : memref<1x128xi32, #tpu.memory_space<vmem>> -> memref<128xi32, #tpu.memory_space<vmem>>
        %dma_start3A_117 = arith.constant 0 : i32
        %dma_start3A_118 = arith.constant 0 : i32
        %dma_start3A_119 = tpu.memref_slice %arg11[%dma_start3A_117, %dma_start3A_118] : memref<10112x128xf32, #tpu.memory_space<vmem_shared>> -> memref<10112x128xf32, #tpu.memory_space<vmem_shared>>
        tpu.enqueue_indirect_dma source(%arg9 : memref<128x128xf32, #tpu.memory_space<vmem>>) target(%dma_start3A_119 : memref<10112x128xf32, #tpu.memory_space<vmem_shared>>) offsets(%dma_start3A_116 : memref<128xi32, #tpu.memory_space<vmem>>) semaphore(%arg13 : memref<!tpu.dma_semaphore, #tpu.memory_space<semaphore_mem>>) {add = true}
        %dma_start3A_120 = arith.constant 0 : i32
        %dma_start3A_121 = tpu.memref_slice %arg7[%add3A_91, %dma_start3A_120] : memref<56x128xi32, #tpu.memory_space<vmem>> -> memref<1x128xi32, #tpu.memory_space<vmem>>
        %dma_start3A_122 = tpu.memref_squeeze %dma_start3A_121 : memref<1x128xi32, #tpu.memory_space<vmem>> -> memref<128xi32, #tpu.memory_space<vmem>>
        %dma_start3A_123 = arith.constant 0 : i32
        %dma_start3A_124 = arith.constant 0 : i32
        %dma_start3A_125 = tpu.memref_slice %arg2[%dma_start3A_123, %dma_start3A_124] : memref<10000x128xf32, #tpu.memory_space<hbm>> -> memref<10000x128xf32, #tpu.memory_space<hbm>>
        tpu.enqueue_indirect_dma source(%dma_start3A_125 : memref<10000x128xf32, #tpu.memory_space<hbm>>) target(%arg10 : memref<128x128xf32, #tpu.memory_space<vmem>>) offsets(%dma_start3A_122 : memref<128xi32, #tpu.memory_space<vmem>>) semaphore(%arg12 : memref<!tpu.dma_semaphore, #tpu.memory_space<semaphore_mem>>)
        %dma_wait3A_126 = arith.constant 0 : i32
        %dma_wait3A_127 = tpu.memref_slice %arg7[%add3A_91, %dma_wait3A_126] : memref<56x128xi32, #tpu.memory_space<vmem>> -> memref<1x128xi32, #tpu.memory_space<vmem>>
        %dma_wait3A_128 = tpu.memref_squeeze %dma_wait3A_127 : memref<1x128xi32, #tpu.memory_space<vmem>> -> memref<128xi32, #tpu.memory_space<vmem>>
        %dma_wait3A_129 = arith.constant 0 : i32
        %dma_wait3A_130 = arith.constant 0 : i32
        %dma_wait3A_131 = tpu.memref_slice %arg2[%dma_wait3A_129, %dma_wait3A_130] : memref<10000x128xf32, #tpu.memory_space<hbm>> -> memref<10000x128xf32, #tpu.memory_space<hbm>>
        tpu.wait_indirect_dma semaphore(%arg12 : memref<!tpu.dma_semaphore, #tpu.memory_space<semaphore_mem>>) src(%dma_wait3A_131 : memref<10000x128xf32, #tpu.memory_space<hbm>>) dst(%arg10 : memref<128x128xf32, #tpu.memory_space<vmem>>)
        %dma_wait3A_132 = arith.constant 0 : i32
        %dma_wait3A_133 = tpu.memref_slice %arg8[%mul3A_87, %dma_wait3A_132] : memref<56x128xi32, #tpu.memory_space<vmem>> -> memref<1x128xi32, #tpu.memory_space<vmem>>
        %dma_wait3A_134 = tpu.memref_squeeze %dma_wait3A_133 : memref<1x128xi32, #tpu.memory_space<vmem>> -> memref<128xi32, #tpu.memory_space<vmem>>
        %dma_wait3A_135 = arith.constant 0 : i32
        %dma_wait3A_136 = arith.constant 0 : i32
        %dma_wait3A_137 = tpu.memref_slice %arg11[%dma_wait3A_135, %dma_wait3A_136] : memref<10112x128xf32, #tpu.memory_space<vmem_shared>> -> memref<10112x128xf32, #tpu.memory_space<vmem_shared>>
        tpu.wait_indirect_dma semaphore(%arg13 : memref<!tpu.dma_semaphore, #tpu.memory_space<semaphore_mem>>) src(%arg9 : memref<128x128xf32, #tpu.memory_space<vmem>>) dst(%dma_wait3A_137 : memref<10112x128xf32, #tpu.memory_space<vmem_shared>>)
        %dma_start3A_138 = arith.constant 0 : i32
        %dma_start3A_139 = tpu.memref_slice %arg8[%add3A_91, %dma_start3A_138] : memref<56x128xi32, #tpu.memory_space<vmem>> -> memref<1x128xi32, #tpu.memory_space<vmem>>
        %dma_start3A_140 = tpu.memref_squeeze %dma_start3A_139 : memref<1x128xi32, #tpu.memory_space<vmem>> -> memref<128xi32, #tpu.memory_space<vmem>>
        %dma_start3A_141 = arith.constant 0 : i32
        %dma_start3A_142 = arith.constant 0 : i32
        %dma_start3A_143 = tpu.memref_slice %arg11[%dma_start3A_141, %dma_start3A_142] : memref<10112x128xf32, #tpu.memory_space<vmem_shared>> -> memref<10112x128xf32, #tpu.memory_space<vmem_shared>>
        tpu.enqueue_indirect_dma source(%arg10 : memref<128x128xf32, #tpu.memory_space<vmem>>) target(%dma_start3A_143 : memref<10112x128xf32, #tpu.memory_space<vmem_shared>>) offsets(%dma_start3A_140 : memref<128xi32, #tpu.memory_space<vmem>>) semaphore(%arg14 : memref<!tpu.dma_semaphore, #tpu.memory_space<semaphore_mem>>) {add = true}
      }
      %while3A_82 = arith.constant 1 : i32
      scf.for %while3A_85 = %while3A_80 to %while3A_76 step %while3A_82  : i32 {
        %mul3A_86 = arith.constant 2 : i32
        %mul3A_87 = arith.muli %mul3A_86, %while3A_85 : i32
        %mul3A_88 = arith.constant 2 : i32
        %mul3A_89 = arith.muli %mul3A_88, %while3A_85 : i32
        %add3A_90 = arith.constant 1 : i32
        %add3A_91 = arith.addi %mul3A_89, %add3A_90 : i32
        %mul3A_92 = arith.constant 2 : i32
        %mul3A_93 = arith.muli %mul3A_92, %while3A_85 : i32
        %mul3A_94 = arith.constant 56 : i32
        %mul3A_95 = arith.muli %while3A_38, %mul3A_94 : i32
        %add3A_96 = arith.addi %mul3A_93, %mul3A_95 : i32
        %add3A_97 = arith.constant 1 : i32
        %add3A_98 = arith.addi %add3A_96, %add3A_97 : i32
        %dma_start3A = arith.constant 0 : i32
        %dma_start3A_99 = tpu.memref_slice %arg7[%mul3A_87, %dma_start3A] : memref<56x128xi32, #tpu.memory_space<vmem>> -> memref<1x128xi32, #tpu.memory_space<vmem>>
        %dma_start3A_100 = tpu.memref_squeeze %dma_start3A_99 : memref<1x128xi32, #tpu.memory_space<vmem>> -> memref<128xi32, #tpu.memory_space<vmem>>
        %dma_start3A_101 = arith.constant 0 : i32
        %dma_start3A_102 = arith.constant 0 : i32
        %dma_start3A_103 = tpu.memref_slice %arg2[%dma_start3A_101, %dma_start3A_102] : memref<10000x128xf32, #tpu.memory_space<hbm>> -> memref<10000x128xf32, #tpu.memory_space<hbm>>
        tpu.enqueue_indirect_dma source(%dma_start3A_103 : memref<10000x128xf32, #tpu.memory_space<hbm>>) target(%arg9 : memref<128x128xf32, #tpu.memory_space<vmem>>) offsets(%dma_start3A_100 : memref<128xi32, #tpu.memory_space<vmem>>) semaphore(%arg12 : memref<!tpu.dma_semaphore, #tpu.memory_space<semaphore_mem>>)
        %dma_wait3A = arith.constant 0 : i32
        %dma_wait3A_104 = tpu.memref_slice %arg7[%mul3A_87, %dma_wait3A] : memref<56x128xi32, #tpu.memory_space<vmem>> -> memref<1x128xi32, #tpu.memory_space<vmem>>
        %dma_wait3A_105 = tpu.memref_squeeze %dma_wait3A_104 : memref<1x128xi32, #tpu.memory_space<vmem>> -> memref<128xi32, #tpu.memory_space<vmem>>
        %dma_wait3A_106 = arith.constant 0 : i32
        %dma_wait3A_107 = arith.constant 0 : i32
        %dma_wait3A_108 = tpu.memref_slice %arg2[%dma_wait3A_106, %dma_wait3A_107] : memref<10000x128xf32, #tpu.memory_space<hbm>> -> memref<10000x128xf32, #tpu.memory_space<hbm>>
        tpu.wait_indirect_dma semaphore(%arg12 : memref<!tpu.dma_semaphore, #tpu.memory_space<semaphore_mem>>) src(%dma_wait3A_108 : memref<10000x128xf32, #tpu.memory_space<hbm>>) dst(%arg9 : memref<128x128xf32, #tpu.memory_space<vmem>>)
        %gt3A_109 = arith.constant 0 : i32
        %gt3A_110 = arith.cmpi sgt, %while3A_85, %gt3A_109 : i32
        %convert_element_type3A_111 = arith.extui %gt3A_110 : i1 to i32
        %cond3A_112 = arith.constant 0 : i32
        %cond3A_113 = arith.cmpi ne, %convert_element_type3A_111, %cond3A_112 : i32
        scf.if %cond3A_113 {
          %sub3A_144 = arith.constant 2 : i32
          %sub3A_145 = arith.subi %add3A_91, %sub3A_144 : i32
          %dma_wait3A_146 = arith.constant 0 : i32
          %dma_wait3A_147 = tpu.memref_slice %arg8[%sub3A_145, %dma_wait3A_146] : memref<56x128xi32, #tpu.memory_space<vmem>> -> memref<1x128xi32, #tpu.memory_space<vmem>>
          %dma_wait3A_148 = tpu.memref_squeeze %dma_wait3A_147 : memref<1x128xi32, #tpu.memory_space<vmem>> -> memref<128xi32, #tpu.memory_space<vmem>>
          %dma_wait3A_149 = arith.constant 0 : i32
          %dma_wait3A_150 = arith.constant 0 : i32
          %dma_wait3A_151 = tpu.memref_slice %arg11[%dma_wait3A_149, %dma_wait3A_150] : memref<10112x128xf32, #tpu.memory_space<vmem_shared>> -> memref<10112x128xf32, #tpu.memory_space<vmem_shared>>
          tpu.wait_indirect_dma semaphore(%arg14 : memref<!tpu.dma_semaphore, #tpu.memory_space<semaphore_mem>>) src(%arg10 : memref<128x128xf32, #tpu.memory_space<vmem>>) dst(%dma_wait3A_151 : memref<10112x128xf32, #tpu.memory_space<vmem_shared>>)
        } else {
        }
        %dma_start3A_114 = arith.constant 0 : i32
        %dma_start3A_115 = tpu.memref_slice %arg8[%mul3A_87, %dma_start3A_114] : memref<56x128xi32, #tpu.memory_space<vmem>> -> memref<1x128xi32, #tpu.memory_space<vmem>>
        %dma_start3A_116 = tpu.memref_squeeze %dma_start3A_115 : memref<1x128xi32, #tpu.memory_space<vmem>> -> memref<128xi32, #tpu.memory_space<vmem>>
        %dma_start3A_117 = arith.constant 0 : i32
        %dma_start3A_118 = arith.constant 0 : i32
        %dma_start3A_119 = tpu.memref_slice %arg11[%dma_start3A_117, %dma_start3A_118] : memref<10112x128xf32, #tpu.memory_space<vmem_shared>> -> memref<10112x128xf32, #tpu.memory_space<vmem_shared>>
        tpu.enqueue_indirect_dma source(%arg9 : memref<128x128xf32, #tpu.memory_space<vmem>>) target(%dma_start3A_119 : memref<10112x128xf32, #tpu.memory_space<vmem_shared>>) offsets(%dma_start3A_116 : memref<128xi32, #tpu.memory_space<vmem>>) semaphore(%arg13 : memref<!tpu.dma_semaphore, #tpu.memory_space<semaphore_mem>>) {add = true}
        %dma_start3A_120 = arith.constant 0 : i32
        %dma_start3A_121 = tpu.memref_slice %arg7[%add3A_91, %dma_start3A_120] : memref<56x128xi32, #tpu.memory_space<vmem>> -> memref<1x128xi32, #tpu.memory_space<vmem>>
        %dma_start3A_122 = tpu.memref_squeeze %dma_start3A_121 : memref<1x128xi32, #tpu.memory_space<vmem>> -> memref<128xi32, #tpu.memory_space<vmem>>
        %dma_start3A_123 = arith.constant 0 : i32
        %dma_start3A_124 = arith.constant 0 : i32
        %dma_start3A_125 = tpu.memref_slice %arg2[%dma_start3A_123, %dma_start3A_124] : memref<10000x128xf32, #tpu.memory_space<hbm>> -> memref<10000x128xf32, #tpu.memory_space<hbm>>
        tpu.enqueue_indirect_dma source(%dma_start3A_125 : memref<10000x128xf32, #tpu.memory_space<hbm>>) target(%arg10 : memref<128x128xf32, #tpu.memory_space<vmem>>) offsets(%dma_start3A_122 : memref<128xi32, #tpu.memory_space<vmem>>) semaphore(%arg12 : memref<!tpu.dma_semaphore, #tpu.memory_space<semaphore_mem>>)
        %dma_wait3A_126 = arith.constant 0 : i32
        %dma_wait3A_127 = tpu.memref_slice %arg7[%add3A_91, %dma_wait3A_126] : memref<56x128xi32, #tpu.memory_space<vmem>> -> memref<1x128xi32, #tpu.memory_space<vmem>>
        %dma_wait3A_128 = tpu.memref_squeeze %dma_wait3A_127 : memref<1x128xi32, #tpu.memory_space<vmem>> -> memref<128xi32, #tpu.memory_space<vmem>>
        %dma_wait3A_129 = arith.constant 0 : i32
        %dma_wait3A_130 = arith.constant 0 : i32
        %dma_wait3A_131 = tpu.memref_slice %arg2[%dma_wait3A_129, %dma_wait3A_130] : memref<10000x128xf32, #tpu.memory_space<hbm>> -> memref<10000x128xf32, #tpu.memory_space<hbm>>
        tpu.wait_indirect_dma semaphore(%arg12 : memref<!tpu.dma_semaphore, #tpu.memory_space<semaphore_mem>>) src(%dma_wait3A_131 : memref<10000x128xf32, #tpu.memory_space<hbm>>) dst(%arg10 : memref<128x128xf32, #tpu.memory_space<vmem>>)
        %dma_wait3A_132 = arith.constant 0 : i32
        %dma_wait3A_133 = tpu.memref_slice %arg8[%mul3A_87, %dma_wait3A_132] : memref<56x128xi32, #tpu.memory_space<vmem>> -> memref<1x128xi32, #tpu.memory_space<vmem>>
        %dma_wait3A_134 = tpu.memref_squeeze %dma_wait3A_133 : memref<1x128xi32, #tpu.memory_space<vmem>> -> memref<128xi32, #tpu.memory_space<vmem>>
        %dma_wait3A_135 = arith.constant 0 : i32
        %dma_wait3A_136 = arith.constant 0 : i32
        %dma_wait3A_137 = tpu.memref_slice %arg11[%dma_wait3A_135, %dma_wait3A_136] : memref<10112x128xf32, #tpu.memory_space<vmem_shared>> -> memref<10112x128xf32, #tpu.memory_space<vmem_shared>>
        tpu.wait_indirect_dma semaphore(%arg13 : memref<!tpu.dma_semaphore, #tpu.memory_space<semaphore_mem>>) src(%arg9 : memref<128x128xf32, #tpu.memory_space<vmem>>) dst(%dma_wait3A_137 : memref<10112x128xf32, #tpu.memory_space<vmem_shared>>)
        %dma_start3A_138 = arith.constant 0 : i32
        %dma_start3A_139 = tpu.memref_slice %arg8[%add3A_91, %dma_start3A_138] : memref<56x128xi32, #tpu.memory_space<vmem>> -> memref<1x128xi32, #tpu.memory_space<vmem>>
        %dma_start3A_140 = tpu.memref_squeeze %dma_start3A_139 : memref<1x128xi32, #tpu.memory_space<vmem>> -> memref<128xi32, #tpu.memory_space<vmem>>
        %dma_start3A_141 = arith.constant 0 : i32
        %dma_start3A_142 = arith.constant 0 : i32
        %dma_start3A_143 = tpu.memref_slice %arg11[%dma_start3A_141, %dma_start3A_142] : memref<10112x128xf32, #tpu.memory_space<vmem_shared>> -> memref<10112x128xf32, #tpu.memory_space<vmem_shared>>
        tpu.enqueue_indirect_dma source(%arg10 : memref<128x128xf32, #tpu.memory_space<vmem>>) target(%dma_start3A_143 : memref<10112x128xf32, #tpu.memory_space<vmem_shared>>) offsets(%dma_start3A_140 : memref<128xi32, #tpu.memory_space<vmem>>) semaphore(%arg14 : memref<!tpu.dma_semaphore, #tpu.memory_space<semaphore_mem>>) {add = true}
      }
      %gt3A = arith.constant 0 : i32
      %gt3A_83 = arith.cmpi sgt, %min3A, %gt3A : i32
      %convert_element_type3A = arith.extui %gt3A_83 : i1 to i32
      %cond3A = arith.constant 0 : i32
      %cond3A_84 = arith.cmpi ne, %convert_element_type3A, %cond3A : i32
      scf.if %cond3A_84 {
        %mul3A_85 = arith.constant 2 : i32
        %mul3A_86 = arith.muli %mul3A_85, %min3A : i32
        %sub3A_87 = arith.constant 1 : i32
        %sub3A_88 = arith.subi %mul3A_86, %sub3A_87 : i32
        %dma_wait3A = arith.constant 0 : i32
        %dma_wait3A_89 = tpu.memref_slice %arg8[%sub3A_88, %dma_wait3A] : memref<56x128xi32, #tpu.memory_space<vmem>> -> memref<1x128xi32, #tpu.memory_space<vmem>>
        %dma_wait3A_90 = tpu.memref_squeeze %dma_wait3A_89 : memref<1x128xi32, #tpu.memory_space<vmem>> -> memref<128xi32, #tpu.memory_space<vmem>>
        %dma_wait3A_91 = arith.constant 0 : i32
        %dma_wait3A_92 = arith.constant 0 : i32
        %dma_wait3A_93 = tpu.memref_slice %arg11[%dma_wait3A_91, %dma_wait3A_92] : memref<10112x128xf32, #tpu.memory_space<vmem_shared>> -> memref<10112x128xf32, #tpu.memory_space<vmem_shared>>
        tpu.wait_indirect_dma semaphore(%arg14 : memref<!tpu.dma_semaphore, #tpu.memory_space<semaphore_mem>>) src(%arg10 : memref<128x128xf32, #tpu.memory_space<vmem>>) dst(%dma_wait3A_93 : memref<10112x128xf32, #tpu.memory_space<vmem_shared>>)
      } else {
      }
    }
    %barrier3A_37 = arith.constant 0 : index
    tpu.barrier barrier_id(%barrier3A_37)
    "tpu.region"() ({
      %run_scoped3A = tpu.sem_alloc : memref<!tpu.dma_semaphore, #tpu.memory_space<semaphore_mem>>
      %dma_start3A = arith.constant 0 : i32
      %dma_start3A_38 = tpu.memref_slice %arg6[%arg0, %mul3A_2, %dma_start3A] : memref<2x10112x128xf32, #tpu.memory_space<hbm>> -> memref<1x632x128xf32, #tpu.memory_space<hbm>>
      %dma_start3A_39 = tpu.memref_squeeze %dma_start3A_38 : memref<1x632x128xf32, #tpu.memory_space<hbm>> -> memref<632x128xf32, #tpu.memory_space<hbm>>
      %dma_start3A_40 = arith.constant 0 : i32
      %dma_start3A_41 = tpu.memref_slice %arg11[%mul3A_2, %dma_start3A_40] : memref<10112x128xf32, #tpu.memory_space<vmem_shared>> -> memref<632x128xf32, #tpu.memory_space<vmem_shared>>
      tpu.enqueue_dma source(%dma_start3A_41 : memref<632x128xf32, #tpu.memory_space<vmem_shared>>) target(%dma_start3A_39 : memref<632x128xf32, #tpu.memory_space<hbm>>) target_semaphore(%run_scoped3A : memref<!tpu.dma_semaphore, #tpu.memory_space<semaphore_mem>>)
      %dma_wait3A = arith.constant 0 : i32
      %dma_wait3A_42 = tpu.memref_slice %arg6[%arg0, %mul3A_2, %dma_wait3A] : memref<2x10112x128xf32, #tpu.memory_space<hbm>> -> memref<1x632x128xf32, #tpu.memory_space<hbm>>
      %dma_wait3A_43 = tpu.memref_squeeze %dma_wait3A_42 : memref<1x632x128xf32, #tpu.memory_space<hbm>> -> memref<632x128xf32, #tpu.memory_space<hbm>>
      %dma_wait3A_44 = arith.constant 0 : i32
      %dma_wait3A_45 = tpu.memref_slice %arg11[%mul3A_2, %dma_wait3A_44] : memref<10112x128xf32, #tpu.memory_space<vmem_shared>> -> memref<632x128xf32, #tpu.memory_space<vmem_shared>>
      tpu.wait_dma2 semaphore(%run_scoped3A : memref<!tpu.dma_semaphore, #tpu.memory_space<semaphore_mem>>) src(%dma_wait3A_45 : memref<632x128xf32, #tpu.memory_space<vmem_shared>>) dst(%dma_wait3A_43 : memref<632x128xf32, #tpu.memory_space<hbm>>)
      tpu.yield
    }) : () -> ()
    return
  }
}

#map = affine_map<(d0, d1) -> (0, 0)>
#map1 = affine_map<(d0, d1) -> (0, 0, 0)>
module attributes {stable_mosaic.version = 14 : i64} {
  func.func @sc_segment_sum(%arg0: i32, %arg1: i32, %arg2: memref<10000x128xf32, #tpu.memory_space<hbm>>, %arg3: memref<32x168x128xi32, #tpu.memory_space<hbm>>, %arg4: memref<32x168x128xi32, #tpu.memory_space<hbm>>, %arg5: memref<10112x128xf32, #tpu.memory_space<hbm>>, %arg6: memref<2x10112x128xf32, #tpu.memory_space<hbm>>, %arg7: memref<56x128xi32, #tpu.memory_space<vmem>>, %arg8: memref<56x128xi32, #tpu.memory_space<vmem>>, %arg9: memref<128x128xf32, #tpu.memory_space<vmem>>, %arg10: memref<128x128xf32, #tpu.memory_space<vmem>>, %arg11: memref<10112x128xf32, #tpu.memory_space<vmem_shared>>, %arg12: memref<!tpu.dma_semaphore, #tpu.memory_space<semaphore_mem>>, %arg13: memref<!tpu.dma_semaphore, #tpu.memory_space<semaphore_mem>>, %arg14: memref<!tpu.dma_semaphore, #tpu.memory_space<semaphore_mem>>) attributes {dimension_semantics = [#tpu.dimension_semantics<core_parallel>, #tpu.dimension_semantics<subcore_parallel>], iteration_bounds = array<i64: 2, 16>, scalar_prefetch = 0 : i64, scratch_operands = 8 : i64, tpu.core_type = #tpu.core_type<sc_vector_subcore>, window_params = [{transform_indices = #map}, {transform_indices = #map1}, {transform_indices = #map1}, {transform_indices = #map}, {transform_indices = #map1}]} {
    %mul3A = arith.constant 16 : i32
    %mul3A_0 = arith.muli %arg0, %mul3A : i32
    %add3A = arith.addi %mul3A_0, %arg1 : i32
    %mul3A_1 = arith.constant 632 : i32
    %mul3A_2 = arith.muli %arg1, %mul3A_1 : i32
    %eq3A = arith.constant 0 : i32
    %eq3A_3 = arith.cmpi eq, %arg0, %eq3A : i32
    %jit3A = arith.constant 118 : i32
    %jit3A_4 = arith.constant 40 : i32
    %select_n3A = arith.select %eq3A_3, %jit3A, %jit3A_4 : i32
    "tpu.region"() ({
      %run_scoped3A = tpu.sem_alloc : memref<!tpu.dma_semaphore, #tpu.memory_space<semaphore_mem>>
      %dma_start3A = arith.constant 0 : i32
      %dma_start3A_38 = tpu.memref_slice %arg11[%mul3A_2, %dma_start3A] : memref<10112x128xf32, #tpu.memory_space<vmem_shared>> -> memref<632x128xf32, #tpu.memory_space<vmem_shared>>
      %dma_start3A_39 = arith.constant 0 : i32
      %dma_start3A_40 = tpu.memref_slice %arg5[%mul3A_2, %dma_start3A_39] : memref<10112x128xf32, #tpu.memory_space<hbm>> -> memref<632x128xf32, #tpu.memory_space<hbm>>
      tpu.enqueue_dma source(%dma_start3A_40 : memref<632x128xf32, #tpu.memory_space<hbm>>) target(%dma_start3A_38 : memref<632x128xf32, #tpu.memory_space<vmem_shared>>) target_semaphore(%run_scoped3A : memref<!tpu.dma_semaphore, #tpu.memory_space<semaphore_mem>>)
      %dma_wait3A = arith.constant 0 : i32
      %dma_wait3A_41 = tpu.memref_slice %arg11[%mul3A_2, %dma_wait3A] : memref<10112x128xf32, #tpu.memory_space<vmem_shared>> -> memref<632x128xf32, #tpu.memory_space<vmem_shared>>
      %dma_wait3A_42 = arith.constant 0 : i32
      %dma_wait3A_43 = tpu.memref_slice %arg5[%mul3A_2, %dma_wait3A_42] : memref<10112x128xf32, #tpu.memory_space<hbm>> -> memref<632x128xf32, #tpu.memory_space<hbm>>
      tpu.wait_dma2 semaphore(%run_scoped3A : memref<!tpu.dma_semaphore, #tpu.memory_space<semaphore_mem>>) src(%dma_wait3A_43 : memref<632x128xf32, #tpu.memory_space<hbm>>) dst(%dma_wait3A_41 : memref<632x128xf32, #tpu.memory_space<vmem_shared>>)
      tpu.yield
    }) : () -> ()
    %barrier3A = arith.constant 0 : index
    tpu.barrier barrier_id(%barrier3A)
    %max3A = arith.constant 1 : i32
    %max3A_5 = arith.maxsi %select_n3A, %max3A : i32
    %add3A_6 = arith.constant 56 : i32
    %add3A_7 = arith.addi %max3A_5, %add3A_6 : i32
    %sub3A = arith.constant 1 : i32
    %sub3A_8 = arith.subi %add3A_7, %sub3A : i32
    %jit3A_9 = arith.constant 56 : i32
    %div3A = arith.divsi %sub3A_8, %jit3A_9 : i32
    %sign3A = arith.constant 0 : i32
    %sign3A_10 = arith.cmpi sgt, %sub3A_8, %sign3A : i32
    %sign3A_11 = arith.extui %sign3A_10 : i1 to i32
    %sign3A_12 = arith.constant 0 : i32
    %sign3A_13 = arith.cmpi slt, %sub3A_8, %sign3A_12 : i32
    %sign3A_14 = arith.extui %sign3A_13 : i1 to i32
    %sign3A_15 = arith.subi %sign3A_11, %sign3A_14 : i32
    %sign3A_16 = arith.constant 0 : i32
    %sign3A_17 = arith.cmpi sgt, %jit3A_9, %sign3A_16 : i32
    %sign3A_18 = arith.extui %sign3A_17 : i1 to i32
    %sign3A_19 = arith.constant 0 : i32
    %sign3A_20 = arith.cmpi slt, %jit3A_9, %sign3A_19 : i32
    %sign3A_21 = arith.extui %sign3A_20 : i1 to i32
    %sign3A_22 = arith.subi %sign3A_18, %sign3A_21 : i32
    %ne3A = arith.cmpi ne, %sign3A_15, %sign3A_22 : i32
    %rem3A = arith.remsi %sub3A_8, %jit3A_9 : i32
    %ne3A_23 = arith.constant 0 : i32
    %ne3A_24 = arith.cmpi ne, %rem3A, %ne3A_23 : i32
    %and3A = arith.andi %ne3A, %ne3A_24 : i1
    %sub3A_25 = arith.constant 1 : i32
    %sub3A_26 = arith.subi %div3A, %sub3A_25 : i32
    %select_n3A_27 = arith.select %and3A, %sub3A_26, %div3A : i32
    %while3A = arith.constant 0 : i32
    %while3A_28 = arith.constant 0 : i32
    %while3A_29 = arith.subi %select_n3A_27, %while3A_28 : i32
    %while3A_30 = arith.addi %while3A_28, %while3A_29 : i32
    %while3A_31 = arith.constant 1 : i32
    %while3A_32 = arith.divsi %while3A_29, %while3A_31 : i32
    %while3A_33 = arith.muli %while3A_32, %while3A_31 : i32
    %while3A_34 = arith.addi %while3A_28, %while3A_33 : i32
    %while3A_35 = arith.constant 1 : i32
    scf.for %while3A_38 = %while3A_28 to %while3A_34 step %while3A_35  : i32 {
      %mul3A_39 = arith.constant 56 : i32
      %mul3A_40 = arith.muli %while3A_38, %mul3A_39 : i32
      "tpu.region"() ({
        %run_scoped3A = tpu.sem_alloc : memref<!tpu.dma_semaphore, #tpu.memory_space<semaphore_mem>>
        %dma_start3A = arith.constant 0 : i32
        %dma_start3A_85 = tpu.memref_slice %arg3[%add3A, %mul3A_40, %dma_start3A] : memref<32x168x128xi32, #tpu.memory_space<hbm>> -> memref<1x56x128xi32, #tpu.memory_space<hbm>>
        %dma_start3A_86 = tpu.memref_squeeze %dma_start3A_85 : memref<1x56x128xi32, #tpu.memory_space<hbm>> -> memref<56x128xi32, #tpu.memory_space<hbm>>
        %dma_start3A_87 = arith.constant 0 : i32
        %dma_start3A_88 = tpu.memref_slice %arg3[%add3A, %mul3A_40, %dma_start3A_87] : memref<32x168x128xi32, #tpu.memory_space<hbm>> -> memref<1x56x128xi32, #tpu.memory_space<hbm>>
        %dma_start3A_89 = tpu.memref_squeeze %dma_start3A_88 : memref<1x56x128xi32, #tpu.memory_space<hbm>> -> memref<56x128xi32, #tpu.memory_space<hbm>>
        tpu.enqueue_dma source(%dma_start3A_89 : memref<56x128xi32, #tpu.memory_space<hbm>>) target(%arg7 : memref<56x128xi32, #tpu.memory_space<vmem>>) target_semaphore(%run_scoped3A : memref<!tpu.dma_semaphore, #tpu.memory_space<semaphore_mem>>)
        %dma_wait3A = arith.constant 0 : i32
        %dma_wait3A_90 = tpu.memref_slice %arg3[%add3A, %mul3A_40, %dma_wait3A] : memref<32x168x128xi32, #tpu.memory_space<hbm>> -> memref<1x56x128xi32, #tpu.memory_space<hbm>>
        %dma_wait3A_91 = tpu.memref_squeeze %dma_wait3A_90 : memref<1x56x128xi32, #tpu.memory_space<hbm>> -> memref<56x128xi32, #tpu.memory_space<hbm>>
        %dma_wait3A_92 = arith.constant 0 : i32
        %dma_wait3A_93 = tpu.memref_slice %arg3[%add3A, %mul3A_40, %dma_wait3A_92] : memref<32x168x128xi32, #tpu.memory_space<hbm>> -> memref<1x56x128xi32, #tpu.memory_space<hbm>>
        %dma_wait3A_94 = tpu.memref_squeeze %dma_wait3A_93 : memref<1x56x128xi32, #tpu.memory_space<hbm>> -> memref<56x128xi32, #tpu.memory_space<hbm>>
        tpu.wait_dma2 semaphore(%run_scoped3A : memref<!tpu.dma_semaphore, #tpu.memory_space<semaphore_mem>>) src(%dma_wait3A_94 : memref<56x128xi32, #tpu.memory_space<hbm>>) dst(%arg7 : memref<56x128xi32, #tpu.memory_space<vmem>>)
        tpu.yield
      }) : () -> ()
      %mul3A_41 = arith.constant 56 : i32
      %mul3A_42 = arith.muli %while3A_38, %mul3A_41 : i32
      "tpu.region"() ({
        %run_scoped3A = tpu.sem_alloc : memref<!tpu.dma_semaphore, #tpu.memory_space<semaphore_mem>>
        %dma_start3A = arith.constant 0 : i32
        %dma_start3A_85 = tpu.memref_slice %arg4[%add3A, %mul3A_42, %dma_start3A] : memref<32x168x128xi32, #tpu.memory_space<hbm>> -> memref<1x56x128xi32, #tpu.memory_space<hbm>>
        %dma_start3A_86 = tpu.memref_squeeze %dma_start3A_85 : memref<1x56x128xi32, #tpu.memory_space<hbm>> -> memref<56x128xi32, #tpu.memory_space<hbm>>
        %dma_start3A_87 = arith.constant 0 : i32
        %dma_start3A_88 = tpu.memref_slice %arg4[%add3A, %mul3A_42, %dma_start3A_87] : memref<32x168x128xi32, #tpu.memory_space<hbm>> -> memref<1x56x128xi32, #tpu.memory_space<hbm>>
        %dma_start3A_89 = tpu.memref_squeeze %dma_start3A_88 : memref<1x56x128xi32, #tpu.memory_space<hbm>> -> memref<56x128xi32, #tpu.memory_space<hbm>>
        tpu.enqueue_dma source(%dma_start3A_89 : memref<56x128xi32, #tpu.memory_space<hbm>>) target(%arg8 : memref<56x128xi32, #tpu.memory_space<vmem>>) target_semaphore(%run_scoped3A : memref<!tpu.dma_semaphore, #tpu.memory_space<semaphore_mem>>)
        %dma_wait3A = arith.constant 0 : i32
        %dma_wait3A_90 = tpu.memref_slice %arg4[%add3A, %mul3A_42, %dma_wait3A] : memref<32x168x128xi32, #tpu.memory_space<hbm>> -> memref<1x56x128xi32, #tpu.memory_space<hbm>>
        %dma_wait3A_91 = tpu.memref_squeeze %dma_wait3A_90 : memref<1x56x128xi32, #tpu.memory_space<hbm>> -> memref<56x128xi32, #tpu.memory_space<hbm>>
        %dma_wait3A_92 = arith.constant 0 : i32
        %dma_wait3A_93 = tpu.memref_slice %arg4[%add3A, %mul3A_42, %dma_wait3A_92] : memref<32x168x128xi32, #tpu.memory_space<hbm>> -> memref<1x56x128xi32, #tpu.memory_space<hbm>>
        %dma_wait3A_94 = tpu.memref_squeeze %dma_wait3A_93 : memref<1x56x128xi32, #tpu.memory_space<hbm>> -> memref<56x128xi32, #tpu.memory_space<hbm>>
        tpu.wait_dma2 semaphore(%run_scoped3A : memref<!tpu.dma_semaphore, #tpu.memory_space<semaphore_mem>>) src(%dma_wait3A_94 : memref<56x128xi32, #tpu.memory_space<hbm>>) dst(%arg8 : memref<56x128xi32, #tpu.memory_space<vmem>>)
        tpu.yield
      }) : () -> ()
      %mul3A_43 = arith.constant 56 : i32
      %mul3A_44 = arith.muli %while3A_38, %mul3A_43 : i32
      %sub3A_45 = arith.subi %select_n3A, %mul3A_44 : i32
      %jit3A_46 = arith.constant 2 : i32
      %div3A_47 = arith.divsi %sub3A_45, %jit3A_46 : i32
      %sign3A_48 = arith.constant 0 : i32
      %sign3A_49 = arith.cmpi sgt, %sub3A_45, %sign3A_48 : i32
      %sign3A_50 = arith.extui %sign3A_49 : i1 to i32
      %sign3A_51 = arith.constant 0 : i32
      %sign3A_52 = arith.cmpi slt, %sub3A_45, %sign3A_51 : i32
      %sign3A_53 = arith.extui %sign3A_52 : i1 to i32
      %sign3A_54 = arith.subi %sign3A_50, %sign3A_53 : i32
      %sign3A_55 = arith.constant 0 : i32
      %sign3A_56 = arith.cmpi sgt, %jit3A_46, %sign3A_55 : i32
      %sign3A_57 = arith.extui %sign3A_56 : i1 to i32
      %sign3A_58 = arith.constant 0 : i32
      %sign3A_59 = arith.cmpi slt, %jit3A_46, %sign3A_58 : i32
      %sign3A_60 = arith.extui %sign3A_59 : i1 to i32
      %sign3A_61 = arith.subi %sign3A_57, %sign3A_60 : i32
      %ne3A_62 = arith.cmpi ne, %sign3A_54, %sign3A_61 : i32
      %rem3A_63 = arith.remsi %sub3A_45, %jit3A_46 : i32
      %ne3A_64 = arith.constant 0 : i32
      %ne3A_65 = arith.cmpi ne, %rem3A_63, %ne3A_64 : i32
      %and3A_66 = arith.andi %ne3A_62, %ne3A_65 : i1
      %sub3A_67 = arith.constant 1 : i32
      %sub3A_68 = arith.subi %div3A_47, %sub3A_67 : i32
      %select_n3A_69 = arith.select %and3A_66, %sub3A_68, %div3A_47 : i32
      %jit3A_70 = arith.constant 0 : i32
      %jit3A_71 = arith.constant 28 : i32
      %max3A_72 = arith.maxsi %jit3A_70, %select_n3A_69 : i32
      %min3A = arith.minsi %jit3A_71, %max3A_72 : i32
      %while3A_73 = arith.constant 0 : i32
      %while3A_74 = arith.constant 0 : i32
      %while3A_75 = arith.subi %min3A, %while3A_74 : i32
      %while3A_76 = arith.addi %while3A_74, %while3A_75 : i32
      %while3A_77 = arith.constant 1 : i32
      %while3A_78 = arith.divsi %while3A_75, %while3A_77 : i32
      %while3A_79 = arith.muli %while3A_78, %while3A_77 : i32
      %while3A_80 = arith.addi %while3A_74, %while3A_79 : i32
      %while3A_81 = arith.constant 1 : i32
      scf.for %while3A_85 = %while3A_74 to %while3A_80 step %while3A_81  : i32 {
        %mul3A_86 = arith.constant 2 : i32
        %mul3A_87 = arith.muli %mul3A_86, %while3A_85 : i32
        %mul3A_88 = arith.constant 2 : i32
        %mul3A_89 = arith.muli %mul3A_88, %while3A_85 : i32
        %add3A_90 = arith.constant 1 : i32
        %add3A_91 = arith.addi %mul3A_89, %add3A_90 : i32
        %mul3A_92 = arith.constant 2 : i32
        %mul3A_93 = arith.muli %mul3A_92, %while3A_85 : i32
        %mul3A_94 = arith.constant 56 : i32
        %mul3A_95 = arith.muli %while3A_38, %mul3A_94 : i32
        %add3A_96 = arith.addi %mul3A_93, %mul3A_95 : i32
        %add3A_97 = arith.constant 1 : i32
        %add3A_98 = arith.addi %add3A_96, %add3A_97 : i32
        %dma_start3A = arith.constant 0 : i32
        %dma_start3A_99 = tpu.memref_slice %arg7[%mul3A_87, %dma_start3A] : memref<56x128xi32, #tpu.memory_space<vmem>> -> memref<1x128xi32, #tpu.memory_space<vmem>>
        %dma_start3A_100 = tpu.memref_squeeze %dma_start3A_99 : memref<1x128xi32, #tpu.memory_space<vmem>> -> memref<128xi32, #tpu.memory_space<vmem>>
        %dma_start3A_101 = arith.constant 0 : i32
        %dma_start3A_102 = arith.constant 0 : i32
        %dma_start3A_103 = tpu.memref_slice %arg2[%dma_start3A_101, %dma_start3A_102] : memref<10000x128xf32, #tpu.memory_space<hbm>> -> memref<10000x128xf32, #tpu.memory_space<hbm>>
        tpu.enqueue_indirect_dma source(%dma_start3A_103 : memref<10000x128xf32, #tpu.memory_space<hbm>>) target(%arg9 : memref<128x128xf32, #tpu.memory_space<vmem>>) offsets(%dma_start3A_100 : memref<128xi32, #tpu.memory_space<vmem>>) semaphore(%arg12 : memref<!tpu.dma_semaphore, #tpu.memory_space<semaphore_mem>>)
        %dma_wait3A = arith.constant 0 : i32
        %dma_wait3A_104 = tpu.memref_slice %arg7[%mul3A_87, %dma_wait3A] : memref<56x128xi32, #tpu.memory_space<vmem>> -> memref<1x128xi32, #tpu.memory_space<vmem>>
        %dma_wait3A_105 = tpu.memref_squeeze %dma_wait3A_104 : memref<1x128xi32, #tpu.memory_space<vmem>> -> memref<128xi32, #tpu.memory_space<vmem>>
        %dma_wait3A_106 = arith.constant 0 : i32
        %dma_wait3A_107 = arith.constant 0 : i32
        %dma_wait3A_108 = tpu.memref_slice %arg2[%dma_wait3A_106, %dma_wait3A_107] : memref<10000x128xf32, #tpu.memory_space<hbm>> -> memref<10000x128xf32, #tpu.memory_space<hbm>>
        tpu.wait_indirect_dma semaphore(%arg12 : memref<!tpu.dma_semaphore, #tpu.memory_space<semaphore_mem>>) src(%dma_wait3A_108 : memref<10000x128xf32, #tpu.memory_space<hbm>>) dst(%arg9 : memref<128x128xf32, #tpu.memory_space<vmem>>)
        %gt3A_109 = arith.constant 0 : i32
        %gt3A_110 = arith.cmpi sgt, %while3A_85, %gt3A_109 : i32
        %convert_element_type3A_111 = arith.extui %gt3A_110 : i1 to i32
        %cond3A_112 = arith.constant 0 : i32
        %cond3A_113 = arith.cmpi ne, %convert_element_type3A_111, %cond3A_112 : i32
        scf.if %cond3A_113 {
          %sub3A_144 = arith.constant 2 : i32
          %sub3A_145 = arith.subi %add3A_91, %sub3A_144 : i32
          %dma_wait3A_146 = arith.constant 0 : i32
          %dma_wait3A_147 = tpu.memref_slice %arg8[%sub3A_145, %dma_wait3A_146] : memref<56x128xi32, #tpu.memory_space<vmem>> -> memref<1x128xi32, #tpu.memory_space<vmem>>
          %dma_wait3A_148 = tpu.memref_squeeze %dma_wait3A_147 : memref<1x128xi32, #tpu.memory_space<vmem>> -> memref<128xi32, #tpu.memory_space<vmem>>
          %dma_wait3A_149 = arith.constant 0 : i32
          %dma_wait3A_150 = arith.constant 0 : i32
          %dma_wait3A_151 = tpu.memref_slice %arg11[%dma_wait3A_149, %dma_wait3A_150] : memref<10112x128xf32, #tpu.memory_space<vmem_shared>> -> memref<10112x128xf32, #tpu.memory_space<vmem_shared>>
          tpu.wait_indirect_dma semaphore(%arg14 : memref<!tpu.dma_semaphore, #tpu.memory_space<semaphore_mem>>) src(%arg10 : memref<128x128xf32, #tpu.memory_space<vmem>>) dst(%dma_wait3A_151 : memref<10112x128xf32, #tpu.memory_space<vmem_shared>>)
        } else {
        }
        %dma_start3A_114 = arith.constant 0 : i32
        %dma_start3A_115 = tpu.memref_slice %arg8[%mul3A_87, %dma_start3A_114] : memref<56x128xi32, #tpu.memory_space<vmem>> -> memref<1x128xi32, #tpu.memory_space<vmem>>
        %dma_start3A_116 = tpu.memref_squeeze %dma_start3A_115 : memref<1x128xi32, #tpu.memory_space<vmem>> -> memref<128xi32, #tpu.memory_space<vmem>>
        %dma_start3A_117 = arith.constant 0 : i32
        %dma_start3A_118 = arith.constant 0 : i32
        %dma_start3A_119 = tpu.memref_slice %arg11[%dma_start3A_117, %dma_start3A_118] : memref<10112x128xf32, #tpu.memory_space<vmem_shared>> -> memref<10112x128xf32, #tpu.memory_space<vmem_shared>>
        tpu.enqueue_indirect_dma source(%arg9 : memref<128x128xf32, #tpu.memory_space<vmem>>) target(%dma_start3A_119 : memref<10112x128xf32, #tpu.memory_space<vmem_shared>>) offsets(%dma_start3A_116 : memref<128xi32, #tpu.memory_space<vmem>>) semaphore(%arg13 : memref<!tpu.dma_semaphore, #tpu.memory_space<semaphore_mem>>) {add = true}
        %dma_start3A_120 = arith.constant 0 : i32
        %dma_start3A_121 = tpu.memref_slice %arg7[%add3A_91, %dma_start3A_120] : memref<56x128xi32, #tpu.memory_space<vmem>> -> memref<1x128xi32, #tpu.memory_space<vmem>>
        %dma_start3A_122 = tpu.memref_squeeze %dma_start3A_121 : memref<1x128xi32, #tpu.memory_space<vmem>> -> memref<128xi32, #tpu.memory_space<vmem>>
        %dma_start3A_123 = arith.constant 0 : i32
        %dma_start3A_124 = arith.constant 0 : i32
        %dma_start3A_125 = tpu.memref_slice %arg2[%dma_start3A_123, %dma_start3A_124] : memref<10000x128xf32, #tpu.memory_space<hbm>> -> memref<10000x128xf32, #tpu.memory_space<hbm>>
        tpu.enqueue_indirect_dma source(%dma_start3A_125 : memref<10000x128xf32, #tpu.memory_space<hbm>>) target(%arg10 : memref<128x128xf32, #tpu.memory_space<vmem>>) offsets(%dma_start3A_122 : memref<128xi32, #tpu.memory_space<vmem>>) semaphore(%arg12 : memref<!tpu.dma_semaphore, #tpu.memory_space<semaphore_mem>>)
        %dma_wait3A_126 = arith.constant 0 : i32
        %dma_wait3A_127 = tpu.memref_slice %arg7[%add3A_91, %dma_wait3A_126] : memref<56x128xi32, #tpu.memory_space<vmem>> -> memref<1x128xi32, #tpu.memory_space<vmem>>
        %dma_wait3A_128 = tpu.memref_squeeze %dma_wait3A_127 : memref<1x128xi32, #tpu.memory_space<vmem>> -> memref<128xi32, #tpu.memory_space<vmem>>
        %dma_wait3A_129 = arith.constant 0 : i32
        %dma_wait3A_130 = arith.constant 0 : i32
        %dma_wait3A_131 = tpu.memref_slice %arg2[%dma_wait3A_129, %dma_wait3A_130] : memref<10000x128xf32, #tpu.memory_space<hbm>> -> memref<10000x128xf32, #tpu.memory_space<hbm>>
        tpu.wait_indirect_dma semaphore(%arg12 : memref<!tpu.dma_semaphore, #tpu.memory_space<semaphore_mem>>) src(%dma_wait3A_131 : memref<10000x128xf32, #tpu.memory_space<hbm>>) dst(%arg10 : memref<128x128xf32, #tpu.memory_space<vmem>>)
        %dma_wait3A_132 = arith.constant 0 : i32
        %dma_wait3A_133 = tpu.memref_slice %arg8[%mul3A_87, %dma_wait3A_132] : memref<56x128xi32, #tpu.memory_space<vmem>> -> memref<1x128xi32, #tpu.memory_space<vmem>>
        %dma_wait3A_134 = tpu.memref_squeeze %dma_wait3A_133 : memref<1x128xi32, #tpu.memory_space<vmem>> -> memref<128xi32, #tpu.memory_space<vmem>>
        %dma_wait3A_135 = arith.constant 0 : i32
        %dma_wait3A_136 = arith.constant 0 : i32
        %dma_wait3A_137 = tpu.memref_slice %arg11[%dma_wait3A_135, %dma_wait3A_136] : memref<10112x128xf32, #tpu.memory_space<vmem_shared>> -> memref<10112x128xf32, #tpu.memory_space<vmem_shared>>
        tpu.wait_indirect_dma semaphore(%arg13 : memref<!tpu.dma_semaphore, #tpu.memory_space<semaphore_mem>>) src(%arg9 : memref<128x128xf32, #tpu.memory_space<vmem>>) dst(%dma_wait3A_137 : memref<10112x128xf32, #tpu.memory_space<vmem_shared>>)
        %dma_start3A_138 = arith.constant 0 : i32
        %dma_start3A_139 = tpu.memref_slice %arg8[%add3A_91, %dma_start3A_138] : memref<56x128xi32, #tpu.memory_space<vmem>> -> memref<1x128xi32, #tpu.memory_space<vmem>>
        %dma_start3A_140 = tpu.memref_squeeze %dma_start3A_139 : memref<1x128xi32, #tpu.memory_space<vmem>> -> memref<128xi32, #tpu.memory_space<vmem>>
        %dma_start3A_141 = arith.constant 0 : i32
        %dma_start3A_142 = arith.constant 0 : i32
        %dma_start3A_143 = tpu.memref_slice %arg11[%dma_start3A_141, %dma_start3A_142] : memref<10112x128xf32, #tpu.memory_space<vmem_shared>> -> memref<10112x128xf32, #tpu.memory_space<vmem_shared>>
        tpu.enqueue_indirect_dma source(%arg10 : memref<128x128xf32, #tpu.memory_space<vmem>>) target(%dma_start3A_143 : memref<10112x128xf32, #tpu.memory_space<vmem_shared>>) offsets(%dma_start3A_140 : memref<128xi32, #tpu.memory_space<vmem>>) semaphore(%arg14 : memref<!tpu.dma_semaphore, #tpu.memory_space<semaphore_mem>>) {add = true}
      }
      %while3A_82 = arith.constant 1 : i32
      scf.for %while3A_85 = %while3A_80 to %while3A_76 step %while3A_82  : i32 {
        %mul3A_86 = arith.constant 2 : i32
        %mul3A_87 = arith.muli %mul3A_86, %while3A_85 : i32
        %mul3A_88 = arith.constant 2 : i32
        %mul3A_89 = arith.muli %mul3A_88, %while3A_85 : i32
        %add3A_90 = arith.constant 1 : i32
        %add3A_91 = arith.addi %mul3A_89, %add3A_90 : i32
        %mul3A_92 = arith.constant 2 : i32
        %mul3A_93 = arith.muli %mul3A_92, %while3A_85 : i32
        %mul3A_94 = arith.constant 56 : i32
        %mul3A_95 = arith.muli %while3A_38, %mul3A_94 : i32
        %add3A_96 = arith.addi %mul3A_93, %mul3A_95 : i32
        %add3A_97 = arith.constant 1 : i32
        %add3A_98 = arith.addi %add3A_96, %add3A_97 : i32
        %dma_start3A = arith.constant 0 : i32
        %dma_start3A_99 = tpu.memref_slice %arg7[%mul3A_87, %dma_start3A] : memref<56x128xi32, #tpu.memory_space<vmem>> -> memref<1x128xi32, #tpu.memory_space<vmem>>
        %dma_start3A_100 = tpu.memref_squeeze %dma_start3A_99 : memref<1x128xi32, #tpu.memory_space<vmem>> -> memref<128xi32, #tpu.memory_space<vmem>>
        %dma_start3A_101 = arith.constant 0 : i32
        %dma_start3A_102 = arith.constant 0 : i32
        %dma_start3A_103 = tpu.memref_slice %arg2[%dma_start3A_101, %dma_start3A_102] : memref<10000x128xf32, #tpu.memory_space<hbm>> -> memref<10000x128xf32, #tpu.memory_space<hbm>>
        tpu.enqueue_indirect_dma source(%dma_start3A_103 : memref<10000x128xf32, #tpu.memory_space<hbm>>) target(%arg9 : memref<128x128xf32, #tpu.memory_space<vmem>>) offsets(%dma_start3A_100 : memref<128xi32, #tpu.memory_space<vmem>>) semaphore(%arg12 : memref<!tpu.dma_semaphore, #tpu.memory_space<semaphore_mem>>)
        %dma_wait3A = arith.constant 0 : i32
        %dma_wait3A_104 = tpu.memref_slice %arg7[%mul3A_87, %dma_wait3A] : memref<56x128xi32, #tpu.memory_space<vmem>> -> memref<1x128xi32, #tpu.memory_space<vmem>>
        %dma_wait3A_105 = tpu.memref_squeeze %dma_wait3A_104 : memref<1x128xi32, #tpu.memory_space<vmem>> -> memref<128xi32, #tpu.memory_space<vmem>>
        %dma_wait3A_106 = arith.constant 0 : i32
        %dma_wait3A_107 = arith.constant 0 : i32
        %dma_wait3A_108 = tpu.memref_slice %arg2[%dma_wait3A_106, %dma_wait3A_107] : memref<10000x128xf32, #tpu.memory_space<hbm>> -> memref<10000x128xf32, #tpu.memory_space<hbm>>
        tpu.wait_indirect_dma semaphore(%arg12 : memref<!tpu.dma_semaphore, #tpu.memory_space<semaphore_mem>>) src(%dma_wait3A_108 : memref<10000x128xf32, #tpu.memory_space<hbm>>) dst(%arg9 : memref<128x128xf32, #tpu.memory_space<vmem>>)
        %gt3A_109 = arith.constant 0 : i32
        %gt3A_110 = arith.cmpi sgt, %while3A_85, %gt3A_109 : i32
        %convert_element_type3A_111 = arith.extui %gt3A_110 : i1 to i32
        %cond3A_112 = arith.constant 0 : i32
        %cond3A_113 = arith.cmpi ne, %convert_element_type3A_111, %cond3A_112 : i32
        scf.if %cond3A_113 {
          %sub3A_144 = arith.constant 2 : i32
          %sub3A_145 = arith.subi %add3A_91, %sub3A_144 : i32
          %dma_wait3A_146 = arith.constant 0 : i32
          %dma_wait3A_147 = tpu.memref_slice %arg8[%sub3A_145, %dma_wait3A_146] : memref<56x128xi32, #tpu.memory_space<vmem>> -> memref<1x128xi32, #tpu.memory_space<vmem>>
          %dma_wait3A_148 = tpu.memref_squeeze %dma_wait3A_147 : memref<1x128xi32, #tpu.memory_space<vmem>> -> memref<128xi32, #tpu.memory_space<vmem>>
          %dma_wait3A_149 = arith.constant 0 : i32
          %dma_wait3A_150 = arith.constant 0 : i32
          %dma_wait3A_151 = tpu.memref_slice %arg11[%dma_wait3A_149, %dma_wait3A_150] : memref<10112x128xf32, #tpu.memory_space<vmem_shared>> -> memref<10112x128xf32, #tpu.memory_space<vmem_shared>>
          tpu.wait_indirect_dma semaphore(%arg14 : memref<!tpu.dma_semaphore, #tpu.memory_space<semaphore_mem>>) src(%arg10 : memref<128x128xf32, #tpu.memory_space<vmem>>) dst(%dma_wait3A_151 : memref<10112x128xf32, #tpu.memory_space<vmem_shared>>)
        } else {
        }
        %dma_start3A_114 = arith.constant 0 : i32
        %dma_start3A_115 = tpu.memref_slice %arg8[%mul3A_87, %dma_start3A_114] : memref<56x128xi32, #tpu.memory_space<vmem>> -> memref<1x128xi32, #tpu.memory_space<vmem>>
        %dma_start3A_116 = tpu.memref_squeeze %dma_start3A_115 : memref<1x128xi32, #tpu.memory_space<vmem>> -> memref<128xi32, #tpu.memory_space<vmem>>
        %dma_start3A_117 = arith.constant 0 : i32
        %dma_start3A_118 = arith.constant 0 : i32
        %dma_start3A_119 = tpu.memref_slice %arg11[%dma_start3A_117, %dma_start3A_118] : memref<10112x128xf32, #tpu.memory_space<vmem_shared>> -> memref<10112x128xf32, #tpu.memory_space<vmem_shared>>
        tpu.enqueue_indirect_dma source(%arg9 : memref<128x128xf32, #tpu.memory_space<vmem>>) target(%dma_start3A_119 : memref<10112x128xf32, #tpu.memory_space<vmem_shared>>) offsets(%dma_start3A_116 : memref<128xi32, #tpu.memory_space<vmem>>) semaphore(%arg13 : memref<!tpu.dma_semaphore, #tpu.memory_space<semaphore_mem>>) {add = true}
        %dma_start3A_120 = arith.constant 0 : i32
        %dma_start3A_121 = tpu.memref_slice %arg7[%add3A_91, %dma_start3A_120] : memref<56x128xi32, #tpu.memory_space<vmem>> -> memref<1x128xi32, #tpu.memory_space<vmem>>
        %dma_start3A_122 = tpu.memref_squeeze %dma_start3A_121 : memref<1x128xi32, #tpu.memory_space<vmem>> -> memref<128xi32, #tpu.memory_space<vmem>>
        %dma_start3A_123 = arith.constant 0 : i32
        %dma_start3A_124 = arith.constant 0 : i32
        %dma_start3A_125 = tpu.memref_slice %arg2[%dma_start3A_123, %dma_start3A_124] : memref<10000x128xf32, #tpu.memory_space<hbm>> -> memref<10000x128xf32, #tpu.memory_space<hbm>>
        tpu.enqueue_indirect_dma source(%dma_start3A_125 : memref<10000x128xf32, #tpu.memory_space<hbm>>) target(%arg10 : memref<128x128xf32, #tpu.memory_space<vmem>>) offsets(%dma_start3A_122 : memref<128xi32, #tpu.memory_space<vmem>>) semaphore(%arg12 : memref<!tpu.dma_semaphore, #tpu.memory_space<semaphore_mem>>)
        %dma_wait3A_126 = arith.constant 0 : i32
        %dma_wait3A_127 = tpu.memref_slice %arg7[%add3A_91, %dma_wait3A_126] : memref<56x128xi32, #tpu.memory_space<vmem>> -> memref<1x128xi32, #tpu.memory_space<vmem>>
        %dma_wait3A_128 = tpu.memref_squeeze %dma_wait3A_127 : memref<1x128xi32, #tpu.memory_space<vmem>> -> memref<128xi32, #tpu.memory_space<vmem>>
        %dma_wait3A_129 = arith.constant 0 : i32
        %dma_wait3A_130 = arith.constant 0 : i32
        %dma_wait3A_131 = tpu.memref_slice %arg2[%dma_wait3A_129, %dma_wait3A_130] : memref<10000x128xf32, #tpu.memory_space<hbm>> -> memref<10000x128xf32, #tpu.memory_space<hbm>>
        tpu.wait_indirect_dma semaphore(%arg12 : memref<!tpu.dma_semaphore, #tpu.memory_space<semaphore_mem>>) src(%dma_wait3A_131 : memref<10000x128xf32, #tpu.memory_space<hbm>>) dst(%arg10 : memref<128x128xf32, #tpu.memory_space<vmem>>)
        %dma_wait3A_132 = arith.constant 0 : i32
        %dma_wait3A_133 = tpu.memref_slice %arg8[%mul3A_87, %dma_wait3A_132] : memref<56x128xi32, #tpu.memory_space<vmem>> -> memref<1x128xi32, #tpu.memory_space<vmem>>
        %dma_wait3A_134 = tpu.memref_squeeze %dma_wait3A_133 : memref<1x128xi32, #tpu.memory_space<vmem>> -> memref<128xi32, #tpu.memory_space<vmem>>
        %dma_wait3A_135 = arith.constant 0 : i32
        %dma_wait3A_136 = arith.constant 0 : i32
        %dma_wait3A_137 = tpu.memref_slice %arg11[%dma_wait3A_135, %dma_wait3A_136] : memref<10112x128xf32, #tpu.memory_space<vmem_shared>> -> memref<10112x128xf32, #tpu.memory_space<vmem_shared>>
        tpu.wait_indirect_dma semaphore(%arg13 : memref<!tpu.dma_semaphore, #tpu.memory_space<semaphore_mem>>) src(%arg9 : memref<128x128xf32, #tpu.memory_space<vmem>>) dst(%dma_wait3A_137 : memref<10112x128xf32, #tpu.memory_space<vmem_shared>>)
        %dma_start3A_138 = arith.constant 0 : i32
        %dma_start3A_139 = tpu.memref_slice %arg8[%add3A_91, %dma_start3A_138] : memref<56x128xi32, #tpu.memory_space<vmem>> -> memref<1x128xi32, #tpu.memory_space<vmem>>
        %dma_start3A_140 = tpu.memref_squeeze %dma_start3A_139 : memref<1x128xi32, #tpu.memory_space<vmem>> -> memref<128xi32, #tpu.memory_space<vmem>>
        %dma_start3A_141 = arith.constant 0 : i32
        %dma_start3A_142 = arith.constant 0 : i32
        %dma_start3A_143 = tpu.memref_slice %arg11[%dma_start3A_141, %dma_start3A_142] : memref<10112x128xf32, #tpu.memory_space<vmem_shared>> -> memref<10112x128xf32, #tpu.memory_space<vmem_shared>>
        tpu.enqueue_indirect_dma source(%arg10 : memref<128x128xf32, #tpu.memory_space<vmem>>) target(%dma_start3A_143 : memref<10112x128xf32, #tpu.memory_space<vmem_shared>>) offsets(%dma_start3A_140 : memref<128xi32, #tpu.memory_space<vmem>>) semaphore(%arg14 : memref<!tpu.dma_semaphore, #tpu.memory_space<semaphore_mem>>) {add = true}
      }
      %gt3A = arith.constant 0 : i32
      %gt3A_83 = arith.cmpi sgt, %min3A, %gt3A : i32
      %convert_element_type3A = arith.extui %gt3A_83 : i1 to i32
      %cond3A = arith.constant 0 : i32
      %cond3A_84 = arith.cmpi ne, %convert_element_type3A, %cond3A : i32
      scf.if %cond3A_84 {
        %mul3A_85 = arith.constant 2 : i32
        %mul3A_86 = arith.muli %mul3A_85, %min3A : i32
        %sub3A_87 = arith.constant 1 : i32
        %sub3A_88 = arith.subi %mul3A_86, %sub3A_87 : i32
        %dma_wait3A = arith.constant 0 : i32
        %dma_wait3A_89 = tpu.memref_slice %arg8[%sub3A_88, %dma_wait3A] : memref<56x128xi32, #tpu.memory_space<vmem>> -> memref<1x128xi32, #tpu.memory_space<vmem>>
        %dma_wait3A_90 = tpu.memref_squeeze %dma_wait3A_89 : memref<1x128xi32, #tpu.memory_space<vmem>> -> memref<128xi32, #tpu.memory_space<vmem>>
        %dma_wait3A_91 = arith.constant 0 : i32
        %dma_wait3A_92 = arith.constant 0 : i32
        %dma_wait3A_93 = tpu.memref_slice %arg11[%dma_wait3A_91, %dma_wait3A_92] : memref<10112x128xf32, #tpu.memory_space<vmem_shared>> -> memref<10112x128xf32, #tpu.memory_space<vmem_shared>>
        tpu.wait_indirect_dma semaphore(%arg14 : memref<!tpu.dma_semaphore, #tpu.memory_space<semaphore_mem>>) src(%arg10 : memref<128x128xf32, #tpu.memory_space<vmem>>) dst(%dma_wait3A_93 : memref<10112x128xf32, #tpu.memory_space<vmem_shared>>)
      } else {
      }
    }
    %while3A_36 = arith.constant 1 : i32
    scf.for %while3A_38 = %while3A_34 to %while3A_30 step %while3A_36  : i32 {
      %mul3A_39 = arith.constant 56 : i32
      %mul3A_40 = arith.muli %while3A_38, %mul3A_39 : i32
      "tpu.region"() ({
        %run_scoped3A = tpu.sem_alloc : memref<!tpu.dma_semaphore, #tpu.memory_space<semaphore_mem>>
        %dma_start3A = arith.constant 0 : i32
        %dma_start3A_85 = tpu.memref_slice %arg3[%add3A, %mul3A_40, %dma_start3A] : memref<32x168x128xi32, #tpu.memory_space<hbm>> -> memref<1x56x128xi32, #tpu.memory_space<hbm>>
        %dma_start3A_86 = tpu.memref_squeeze %dma_start3A_85 : memref<1x56x128xi32, #tpu.memory_space<hbm>> -> memref<56x128xi32, #tpu.memory_space<hbm>>
        %dma_start3A_87 = arith.constant 0 : i32
        %dma_start3A_88 = tpu.memref_slice %arg3[%add3A, %mul3A_40, %dma_start3A_87] : memref<32x168x128xi32, #tpu.memory_space<hbm>> -> memref<1x56x128xi32, #tpu.memory_space<hbm>>
        %dma_start3A_89 = tpu.memref_squeeze %dma_start3A_88 : memref<1x56x128xi32, #tpu.memory_space<hbm>> -> memref<56x128xi32, #tpu.memory_space<hbm>>
        tpu.enqueue_dma source(%dma_start3A_89 : memref<56x128xi32, #tpu.memory_space<hbm>>) target(%arg7 : memref<56x128xi32, #tpu.memory_space<vmem>>) target_semaphore(%run_scoped3A : memref<!tpu.dma_semaphore, #tpu.memory_space<semaphore_mem>>)
        %dma_wait3A = arith.constant 0 : i32
        %dma_wait3A_90 = tpu.memref_slice %arg3[%add3A, %mul3A_40, %dma_wait3A] : memref<32x168x128xi32, #tpu.memory_space<hbm>> -> memref<1x56x128xi32, #tpu.memory_space<hbm>>
        %dma_wait3A_91 = tpu.memref_squeeze %dma_wait3A_90 : memref<1x56x128xi32, #tpu.memory_space<hbm>> -> memref<56x128xi32, #tpu.memory_space<hbm>>
        %dma_wait3A_92 = arith.constant 0 : i32
        %dma_wait3A_93 = tpu.memref_slice %arg3[%add3A, %mul3A_40, %dma_wait3A_92] : memref<32x168x128xi32, #tpu.memory_space<hbm>> -> memref<1x56x128xi32, #tpu.memory_space<hbm>>
        %dma_wait3A_94 = tpu.memref_squeeze %dma_wait3A_93 : memref<1x56x128xi32, #tpu.memory_space<hbm>> -> memref<56x128xi32, #tpu.memory_space<hbm>>
        tpu.wait_dma2 semaphore(%run_scoped3A : memref<!tpu.dma_semaphore, #tpu.memory_space<semaphore_mem>>) src(%dma_wait3A_94 : memref<56x128xi32, #tpu.memory_space<hbm>>) dst(%arg7 : memref<56x128xi32, #tpu.memory_space<vmem>>)
        tpu.yield
      }) : () -> ()
      %mul3A_41 = arith.constant 56 : i32
      %mul3A_42 = arith.muli %while3A_38, %mul3A_41 : i32
      "tpu.region"() ({
        %run_scoped3A = tpu.sem_alloc : memref<!tpu.dma_semaphore, #tpu.memory_space<semaphore_mem>>
        %dma_start3A = arith.constant 0 : i32
        %dma_start3A_85 = tpu.memref_slice %arg4[%add3A, %mul3A_42, %dma_start3A] : memref<32x168x128xi32, #tpu.memory_space<hbm>> -> memref<1x56x128xi32, #tpu.memory_space<hbm>>
        %dma_start3A_86 = tpu.memref_squeeze %dma_start3A_85 : memref<1x56x128xi32, #tpu.memory_space<hbm>> -> memref<56x128xi32, #tpu.memory_space<hbm>>
        %dma_start3A_87 = arith.constant 0 : i32
        %dma_start3A_88 = tpu.memref_slice %arg4[%add3A, %mul3A_42, %dma_start3A_87] : memref<32x168x128xi32, #tpu.memory_space<hbm>> -> memref<1x56x128xi32, #tpu.memory_space<hbm>>
        %dma_start3A_89 = tpu.memref_squeeze %dma_start3A_88 : memref<1x56x128xi32, #tpu.memory_space<hbm>> -> memref<56x128xi32, #tpu.memory_space<hbm>>
        tpu.enqueue_dma source(%dma_start3A_89 : memref<56x128xi32, #tpu.memory_space<hbm>>) target(%arg8 : memref<56x128xi32, #tpu.memory_space<vmem>>) target_semaphore(%run_scoped3A : memref<!tpu.dma_semaphore, #tpu.memory_space<semaphore_mem>>)
        %dma_wait3A = arith.constant 0 : i32
        %dma_wait3A_90 = tpu.memref_slice %arg4[%add3A, %mul3A_42, %dma_wait3A] : memref<32x168x128xi32, #tpu.memory_space<hbm>> -> memref<1x56x128xi32, #tpu.memory_space<hbm>>
        %dma_wait3A_91 = tpu.memref_squeeze %dma_wait3A_90 : memref<1x56x128xi32, #tpu.memory_space<hbm>> -> memref<56x128xi32, #tpu.memory_space<hbm>>
        %dma_wait3A_92 = arith.constant 0 : i32
        %dma_wait3A_93 = tpu.memref_slice %arg4[%add3A, %mul3A_42, %dma_wait3A_92] : memref<32x168x128xi32, #tpu.memory_space<hbm>> -> memref<1x56x128xi32, #tpu.memory_space<hbm>>
        %dma_wait3A_94 = tpu.memref_squeeze %dma_wait3A_93 : memref<1x56x128xi32, #tpu.memory_space<hbm>> -> memref<56x128xi32, #tpu.memory_space<hbm>>
        tpu.wait_dma2 semaphore(%run_scoped3A : memref<!tpu.dma_semaphore, #tpu.memory_space<semaphore_mem>>) src(%dma_wait3A_94 : memref<56x128xi32, #tpu.memory_space<hbm>>) dst(%arg8 : memref<56x128xi32, #tpu.memory_space<vmem>>)
        tpu.yield
      }) : () -> ()
      %mul3A_43 = arith.constant 56 : i32
      %mul3A_44 = arith.muli %while3A_38, %mul3A_43 : i32
      %sub3A_45 = arith.subi %select_n3A, %mul3A_44 : i32
      %jit3A_46 = arith.constant 2 : i32
      %div3A_47 = arith.divsi %sub3A_45, %jit3A_46 : i32
      %sign3A_48 = arith.constant 0 : i32
      %sign3A_49 = arith.cmpi sgt, %sub3A_45, %sign3A_48 : i32
      %sign3A_50 = arith.extui %sign3A_49 : i1 to i32
      %sign3A_51 = arith.constant 0 : i32
      %sign3A_52 = arith.cmpi slt, %sub3A_45, %sign3A_51 : i32
      %sign3A_53 = arith.extui %sign3A_52 : i1 to i32
      %sign3A_54 = arith.subi %sign3A_50, %sign3A_53 : i32
      %sign3A_55 = arith.constant 0 : i32
      %sign3A_56 = arith.cmpi sgt, %jit3A_46, %sign3A_55 : i32
      %sign3A_57 = arith.extui %sign3A_56 : i1 to i32
      %sign3A_58 = arith.constant 0 : i32
      %sign3A_59 = arith.cmpi slt, %jit3A_46, %sign3A_58 : i32
      %sign3A_60 = arith.extui %sign3A_59 : i1 to i32
      %sign3A_61 = arith.subi %sign3A_57, %sign3A_60 : i32
      %ne3A_62 = arith.cmpi ne, %sign3A_54, %sign3A_61 : i32
      %rem3A_63 = arith.remsi %sub3A_45, %jit3A_46 : i32
      %ne3A_64 = arith.constant 0 : i32
      %ne3A_65 = arith.cmpi ne, %rem3A_63, %ne3A_64 : i32
      %and3A_66 = arith.andi %ne3A_62, %ne3A_65 : i1
      %sub3A_67 = arith.constant 1 : i32
      %sub3A_68 = arith.subi %div3A_47, %sub3A_67 : i32
      %select_n3A_69 = arith.select %and3A_66, %sub3A_68, %div3A_47 : i32
      %jit3A_70 = arith.constant 0 : i32
      %jit3A_71 = arith.constant 28 : i32
      %max3A_72 = arith.maxsi %jit3A_70, %select_n3A_69 : i32
      %min3A = arith.minsi %jit3A_71, %max3A_72 : i32
      %while3A_73 = arith.constant 0 : i32
      %while3A_74 = arith.constant 0 : i32
      %while3A_75 = arith.subi %min3A, %while3A_74 : i32
      %while3A_76 = arith.addi %while3A_74, %while3A_75 : i32
      %while3A_77 = arith.constant 1 : i32
      %while3A_78 = arith.divsi %while3A_75, %while3A_77 : i32
      %while3A_79 = arith.muli %while3A_78, %while3A_77 : i32
      %while3A_80 = arith.addi %while3A_74, %while3A_79 : i32
      %while3A_81 = arith.constant 1 : i32
      scf.for %while3A_85 = %while3A_74 to %while3A_80 step %while3A_81  : i32 {
        %mul3A_86 = arith.constant 2 : i32
        %mul3A_87 = arith.muli %mul3A_86, %while3A_85 : i32
        %mul3A_88 = arith.constant 2 : i32
        %mul3A_89 = arith.muli %mul3A_88, %while3A_85 : i32
        %add3A_90 = arith.constant 1 : i32
        %add3A_91 = arith.addi %mul3A_89, %add3A_90 : i32
        %mul3A_92 = arith.constant 2 : i32
        %mul3A_93 = arith.muli %mul3A_92, %while3A_85 : i32
        %mul3A_94 = arith.constant 56 : i32
        %mul3A_95 = arith.muli %while3A_38, %mul3A_94 : i32
        %add3A_96 = arith.addi %mul3A_93, %mul3A_95 : i32
        %add3A_97 = arith.constant 1 : i32
        %add3A_98 = arith.addi %add3A_96, %add3A_97 : i32
        %dma_start3A = arith.constant 0 : i32
        %dma_start3A_99 = tpu.memref_slice %arg7[%mul3A_87, %dma_start3A] : memref<56x128xi32, #tpu.memory_space<vmem>> -> memref<1x128xi32, #tpu.memory_space<vmem>>
        %dma_start3A_100 = tpu.memref_squeeze %dma_start3A_99 : memref<1x128xi32, #tpu.memory_space<vmem>> -> memref<128xi32, #tpu.memory_space<vmem>>
        %dma_start3A_101 = arith.constant 0 : i32
        %dma_start3A_102 = arith.constant 0 : i32
        %dma_start3A_103 = tpu.memref_slice %arg2[%dma_start3A_101, %dma_start3A_102] : memref<10000x128xf32, #tpu.memory_space<hbm>> -> memref<10000x128xf32, #tpu.memory_space<hbm>>
        tpu.enqueue_indirect_dma source(%dma_start3A_103 : memref<10000x128xf32, #tpu.memory_space<hbm>>) target(%arg9 : memref<128x128xf32, #tpu.memory_space<vmem>>) offsets(%dma_start3A_100 : memref<128xi32, #tpu.memory_space<vmem>>) semaphore(%arg12 : memref<!tpu.dma_semaphore, #tpu.memory_space<semaphore_mem>>)
        %dma_wait3A = arith.constant 0 : i32
        %dma_wait3A_104 = tpu.memref_slice %arg7[%mul3A_87, %dma_wait3A] : memref<56x128xi32, #tpu.memory_space<vmem>> -> memref<1x128xi32, #tpu.memory_space<vmem>>
        %dma_wait3A_105 = tpu.memref_squeeze %dma_wait3A_104 : memref<1x128xi32, #tpu.memory_space<vmem>> -> memref<128xi32, #tpu.memory_space<vmem>>
        %dma_wait3A_106 = arith.constant 0 : i32
        %dma_wait3A_107 = arith.constant 0 : i32
        %dma_wait3A_108 = tpu.memref_slice %arg2[%dma_wait3A_106, %dma_wait3A_107] : memref<10000x128xf32, #tpu.memory_space<hbm>> -> memref<10000x128xf32, #tpu.memory_space<hbm>>
        tpu.wait_indirect_dma semaphore(%arg12 : memref<!tpu.dma_semaphore, #tpu.memory_space<semaphore_mem>>) src(%dma_wait3A_108 : memref<10000x128xf32, #tpu.memory_space<hbm>>) dst(%arg9 : memref<128x128xf32, #tpu.memory_space<vmem>>)
        %gt3A_109 = arith.constant 0 : i32
        %gt3A_110 = arith.cmpi sgt, %while3A_85, %gt3A_109 : i32
        %convert_element_type3A_111 = arith.extui %gt3A_110 : i1 to i32
        %cond3A_112 = arith.constant 0 : i32
        %cond3A_113 = arith.cmpi ne, %convert_element_type3A_111, %cond3A_112 : i32
        scf.if %cond3A_113 {
          %sub3A_144 = arith.constant 2 : i32
          %sub3A_145 = arith.subi %add3A_91, %sub3A_144 : i32
          %dma_wait3A_146 = arith.constant 0 : i32
          %dma_wait3A_147 = tpu.memref_slice %arg8[%sub3A_145, %dma_wait3A_146] : memref<56x128xi32, #tpu.memory_space<vmem>> -> memref<1x128xi32, #tpu.memory_space<vmem>>
          %dma_wait3A_148 = tpu.memref_squeeze %dma_wait3A_147 : memref<1x128xi32, #tpu.memory_space<vmem>> -> memref<128xi32, #tpu.memory_space<vmem>>
          %dma_wait3A_149 = arith.constant 0 : i32
          %dma_wait3A_150 = arith.constant 0 : i32
          %dma_wait3A_151 = tpu.memref_slice %arg11[%dma_wait3A_149, %dma_wait3A_150] : memref<10112x128xf32, #tpu.memory_space<vmem_shared>> -> memref<10112x128xf32, #tpu.memory_space<vmem_shared>>
          tpu.wait_indirect_dma semaphore(%arg14 : memref<!tpu.dma_semaphore, #tpu.memory_space<semaphore_mem>>) src(%arg10 : memref<128x128xf32, #tpu.memory_space<vmem>>) dst(%dma_wait3A_151 : memref<10112x128xf32, #tpu.memory_space<vmem_shared>>)
        } else {
        }
        %dma_start3A_114 = arith.constant 0 : i32
        %dma_start3A_115 = tpu.memref_slice %arg8[%mul3A_87, %dma_start3A_114] : memref<56x128xi32, #tpu.memory_space<vmem>> -> memref<1x128xi32, #tpu.memory_space<vmem>>
        %dma_start3A_116 = tpu.memref_squeeze %dma_start3A_115 : memref<1x128xi32, #tpu.memory_space<vmem>> -> memref<128xi32, #tpu.memory_space<vmem>>
        %dma_start3A_117 = arith.constant 0 : i32
        %dma_start3A_118 = arith.constant 0 : i32
        %dma_start3A_119 = tpu.memref_slice %arg11[%dma_start3A_117, %dma_start3A_118] : memref<10112x128xf32, #tpu.memory_space<vmem_shared>> -> memref<10112x128xf32, #tpu.memory_space<vmem_shared>>
        tpu.enqueue_indirect_dma source(%arg9 : memref<128x128xf32, #tpu.memory_space<vmem>>) target(%dma_start3A_119 : memref<10112x128xf32, #tpu.memory_space<vmem_shared>>) offsets(%dma_start3A_116 : memref<128xi32, #tpu.memory_space<vmem>>) semaphore(%arg13 : memref<!tpu.dma_semaphore, #tpu.memory_space<semaphore_mem>>) {add = true}
        %dma_start3A_120 = arith.constant 0 : i32
        %dma_start3A_121 = tpu.memref_slice %arg7[%add3A_91, %dma_start3A_120] : memref<56x128xi32, #tpu.memory_space<vmem>> -> memref<1x128xi32, #tpu.memory_space<vmem>>
        %dma_start3A_122 = tpu.memref_squeeze %dma_start3A_121 : memref<1x128xi32, #tpu.memory_space<vmem>> -> memref<128xi32, #tpu.memory_space<vmem>>
        %dma_start3A_123 = arith.constant 0 : i32
        %dma_start3A_124 = arith.constant 0 : i32
        %dma_start3A_125 = tpu.memref_slice %arg2[%dma_start3A_123, %dma_start3A_124] : memref<10000x128xf32, #tpu.memory_space<hbm>> -> memref<10000x128xf32, #tpu.memory_space<hbm>>
        tpu.enqueue_indirect_dma source(%dma_start3A_125 : memref<10000x128xf32, #tpu.memory_space<hbm>>) target(%arg10 : memref<128x128xf32, #tpu.memory_space<vmem>>) offsets(%dma_start3A_122 : memref<128xi32, #tpu.memory_space<vmem>>) semaphore(%arg12 : memref<!tpu.dma_semaphore, #tpu.memory_space<semaphore_mem>>)
        %dma_wait3A_126 = arith.constant 0 : i32
        %dma_wait3A_127 = tpu.memref_slice %arg7[%add3A_91, %dma_wait3A_126] : memref<56x128xi32, #tpu.memory_space<vmem>> -> memref<1x128xi32, #tpu.memory_space<vmem>>
        %dma_wait3A_128 = tpu.memref_squeeze %dma_wait3A_127 : memref<1x128xi32, #tpu.memory_space<vmem>> -> memref<128xi32, #tpu.memory_space<vmem>>
        %dma_wait3A_129 = arith.constant 0 : i32
        %dma_wait3A_130 = arith.constant 0 : i32
        %dma_wait3A_131 = tpu.memref_slice %arg2[%dma_wait3A_129, %dma_wait3A_130] : memref<10000x128xf32, #tpu.memory_space<hbm>> -> memref<10000x128xf32, #tpu.memory_space<hbm>>
        tpu.wait_indirect_dma semaphore(%arg12 : memref<!tpu.dma_semaphore, #tpu.memory_space<semaphore_mem>>) src(%dma_wait3A_131 : memref<10000x128xf32, #tpu.memory_space<hbm>>) dst(%arg10 : memref<128x128xf32, #tpu.memory_space<vmem>>)
        %dma_wait3A_132 = arith.constant 0 : i32
        %dma_wait3A_133 = tpu.memref_slice %arg8[%mul3A_87, %dma_wait3A_132] : memref<56x128xi32, #tpu.memory_space<vmem>> -> memref<1x128xi32, #tpu.memory_space<vmem>>
        %dma_wait3A_134 = tpu.memref_squeeze %dma_wait3A_133 : memref<1x128xi32, #tpu.memory_space<vmem>> -> memref<128xi32, #tpu.memory_space<vmem>>
        %dma_wait3A_135 = arith.constant 0 : i32
        %dma_wait3A_136 = arith.constant 0 : i32
        %dma_wait3A_137 = tpu.memref_slice %arg11[%dma_wait3A_135, %dma_wait3A_136] : memref<10112x128xf32, #tpu.memory_space<vmem_shared>> -> memref<10112x128xf32, #tpu.memory_space<vmem_shared>>
        tpu.wait_indirect_dma semaphore(%arg13 : memref<!tpu.dma_semaphore, #tpu.memory_space<semaphore_mem>>) src(%arg9 : memref<128x128xf32, #tpu.memory_space<vmem>>) dst(%dma_wait3A_137 : memref<10112x128xf32, #tpu.memory_space<vmem_shared>>)
        %dma_start3A_138 = arith.constant 0 : i32
        %dma_start3A_139 = tpu.memref_slice %arg8[%add3A_91, %dma_start3A_138] : memref<56x128xi32, #tpu.memory_space<vmem>> -> memref<1x128xi32, #tpu.memory_space<vmem>>
        %dma_start3A_140 = tpu.memref_squeeze %dma_start3A_139 : memref<1x128xi32, #tpu.memory_space<vmem>> -> memref<128xi32, #tpu.memory_space<vmem>>
        %dma_start3A_141 = arith.constant 0 : i32
        %dma_start3A_142 = arith.constant 0 : i32
        %dma_start3A_143 = tpu.memref_slice %arg11[%dma_start3A_141, %dma_start3A_142] : memref<10112x128xf32, #tpu.memory_space<vmem_shared>> -> memref<10112x128xf32, #tpu.memory_space<vmem_shared>>
        tpu.enqueue_indirect_dma source(%arg10 : memref<128x128xf32, #tpu.memory_space<vmem>>) target(%dma_start3A_143 : memref<10112x128xf32, #tpu.memory_space<vmem_shared>>) offsets(%dma_start3A_140 : memref<128xi32, #tpu.memory_space<vmem>>) semaphore(%arg14 : memref<!tpu.dma_semaphore, #tpu.memory_space<semaphore_mem>>) {add = true}
      }
      %while3A_82 = arith.constant 1 : i32
      scf.for %while3A_85 = %while3A_80 to %while3A_76 step %while3A_82  : i32 {
        %mul3A_86 = arith.constant 2 : i32
        %mul3A_87 = arith.muli %mul3A_86, %while3A_85 : i32
        %mul3A_88 = arith.constant 2 : i32
        %mul3A_89 = arith.muli %mul3A_88, %while3A_85 : i32
        %add3A_90 = arith.constant 1 : i32
        %add3A_91 = arith.addi %mul3A_89, %add3A_90 : i32
        %mul3A_92 = arith.constant 2 : i32
        %mul3A_93 = arith.muli %mul3A_92, %while3A_85 : i32
        %mul3A_94 = arith.constant 56 : i32
        %mul3A_95 = arith.muli %while3A_38, %mul3A_94 : i32
        %add3A_96 = arith.addi %mul3A_93, %mul3A_95 : i32
        %add3A_97 = arith.constant 1 : i32
        %add3A_98 = arith.addi %add3A_96, %add3A_97 : i32
        %dma_start3A = arith.constant 0 : i32
        %dma_start3A_99 = tpu.memref_slice %arg7[%mul3A_87, %dma_start3A] : memref<56x128xi32, #tpu.memory_space<vmem>> -> memref<1x128xi32, #tpu.memory_space<vmem>>
        %dma_start3A_100 = tpu.memref_squeeze %dma_start3A_99 : memref<1x128xi32, #tpu.memory_space<vmem>> -> memref<128xi32, #tpu.memory_space<vmem>>
        %dma_start3A_101 = arith.constant 0 : i32
        %dma_start3A_102 = arith.constant 0 : i32
        %dma_start3A_103 = tpu.memref_slice %arg2[%dma_start3A_101, %dma_start3A_102] : memref<10000x128xf32, #tpu.memory_space<hbm>> -> memref<10000x128xf32, #tpu.memory_space<hbm>>
        tpu.enqueue_indirect_dma source(%dma_start3A_103 : memref<10000x128xf32, #tpu.memory_space<hbm>>) target(%arg9 : memref<128x128xf32, #tpu.memory_space<vmem>>) offsets(%dma_start3A_100 : memref<128xi32, #tpu.memory_space<vmem>>) semaphore(%arg12 : memref<!tpu.dma_semaphore, #tpu.memory_space<semaphore_mem>>)
        %dma_wait3A = arith.constant 0 : i32
        %dma_wait3A_104 = tpu.memref_slice %arg7[%mul3A_87, %dma_wait3A] : memref<56x128xi32, #tpu.memory_space<vmem>> -> memref<1x128xi32, #tpu.memory_space<vmem>>
        %dma_wait3A_105 = tpu.memref_squeeze %dma_wait3A_104 : memref<1x128xi32, #tpu.memory_space<vmem>> -> memref<128xi32, #tpu.memory_space<vmem>>
        %dma_wait3A_106 = arith.constant 0 : i32
        %dma_wait3A_107 = arith.constant 0 : i32
        %dma_wait3A_108 = tpu.memref_slice %arg2[%dma_wait3A_106, %dma_wait3A_107] : memref<10000x128xf32, #tpu.memory_space<hbm>> -> memref<10000x128xf32, #tpu.memory_space<hbm>>
        tpu.wait_indirect_dma semaphore(%arg12 : memref<!tpu.dma_semaphore, #tpu.memory_space<semaphore_mem>>) src(%dma_wait3A_108 : memref<10000x128xf32, #tpu.memory_space<hbm>>) dst(%arg9 : memref<128x128xf32, #tpu.memory_space<vmem>>)
        %gt3A_109 = arith.constant 0 : i32
        %gt3A_110 = arith.cmpi sgt, %while3A_85, %gt3A_109 : i32
        %convert_element_type3A_111 = arith.extui %gt3A_110 : i1 to i32
        %cond3A_112 = arith.constant 0 : i32
        %cond3A_113 = arith.cmpi ne, %convert_element_type3A_111, %cond3A_112 : i32
        scf.if %cond3A_113 {
          %sub3A_144 = arith.constant 2 : i32
          %sub3A_145 = arith.subi %add3A_91, %sub3A_144 : i32
          %dma_wait3A_146 = arith.constant 0 : i32
          %dma_wait3A_147 = tpu.memref_slice %arg8[%sub3A_145, %dma_wait3A_146] : memref<56x128xi32, #tpu.memory_space<vmem>> -> memref<1x128xi32, #tpu.memory_space<vmem>>
          %dma_wait3A_148 = tpu.memref_squeeze %dma_wait3A_147 : memref<1x128xi32, #tpu.memory_space<vmem>> -> memref<128xi32, #tpu.memory_space<vmem>>
          %dma_wait3A_149 = arith.constant 0 : i32
          %dma_wait3A_150 = arith.constant 0 : i32
          %dma_wait3A_151 = tpu.memref_slice %arg11[%dma_wait3A_149, %dma_wait3A_150] : memref<10112x128xf32, #tpu.memory_space<vmem_shared>> -> memref<10112x128xf32, #tpu.memory_space<vmem_shared>>
          tpu.wait_indirect_dma semaphore(%arg14 : memref<!tpu.dma_semaphore, #tpu.memory_space<semaphore_mem>>) src(%arg10 : memref<128x128xf32, #tpu.memory_space<vmem>>) dst(%dma_wait3A_151 : memref<10112x128xf32, #tpu.memory_space<vmem_shared>>)
        } else {
        }
        %dma_start3A_114 = arith.constant 0 : i32
        %dma_start3A_115 = tpu.memref_slice %arg8[%mul3A_87, %dma_start3A_114] : memref<56x128xi32, #tpu.memory_space<vmem>> -> memref<1x128xi32, #tpu.memory_space<vmem>>
        %dma_start3A_116 = tpu.memref_squeeze %dma_start3A_115 : memref<1x128xi32, #tpu.memory_space<vmem>> -> memref<128xi32, #tpu.memory_space<vmem>>
        %dma_start3A_117 = arith.constant 0 : i32
        %dma_start3A_118 = arith.constant 0 : i32
        %dma_start3A_119 = tpu.memref_slice %arg11[%dma_start3A_117, %dma_start3A_118] : memref<10112x128xf32, #tpu.memory_space<vmem_shared>> -> memref<10112x128xf32, #tpu.memory_space<vmem_shared>>
        tpu.enqueue_indirect_dma source(%arg9 : memref<128x128xf32, #tpu.memory_space<vmem>>) target(%dma_start3A_119 : memref<10112x128xf32, #tpu.memory_space<vmem_shared>>) offsets(%dma_start3A_116 : memref<128xi32, #tpu.memory_space<vmem>>) semaphore(%arg13 : memref<!tpu.dma_semaphore, #tpu.memory_space<semaphore_mem>>) {add = true}
        %dma_start3A_120 = arith.constant 0 : i32
        %dma_start3A_121 = tpu.memref_slice %arg7[%add3A_91, %dma_start3A_120] : memref<56x128xi32, #tpu.memory_space<vmem>> -> memref<1x128xi32, #tpu.memory_space<vmem>>
        %dma_start3A_122 = tpu.memref_squeeze %dma_start3A_121 : memref<1x128xi32, #tpu.memory_space<vmem>> -> memref<128xi32, #tpu.memory_space<vmem>>
        %dma_start3A_123 = arith.constant 0 : i32
        %dma_start3A_124 = arith.constant 0 : i32
        %dma_start3A_125 = tpu.memref_slice %arg2[%dma_start3A_123, %dma_start3A_124] : memref<10000x128xf32, #tpu.memory_space<hbm>> -> memref<10000x128xf32, #tpu.memory_space<hbm>>
        tpu.enqueue_indirect_dma source(%dma_start3A_125 : memref<10000x128xf32, #tpu.memory_space<hbm>>) target(%arg10 : memref<128x128xf32, #tpu.memory_space<vmem>>) offsets(%dma_start3A_122 : memref<128xi32, #tpu.memory_space<vmem>>) semaphore(%arg12 : memref<!tpu.dma_semaphore, #tpu.memory_space<semaphore_mem>>)
        %dma_wait3A_126 = arith.constant 0 : i32
        %dma_wait3A_127 = tpu.memref_slice %arg7[%add3A_91, %dma_wait3A_126] : memref<56x128xi32, #tpu.memory_space<vmem>> -> memref<1x128xi32, #tpu.memory_space<vmem>>
        %dma_wait3A_128 = tpu.memref_squeeze %dma_wait3A_127 : memref<1x128xi32, #tpu.memory_space<vmem>> -> memref<128xi32, #tpu.memory_space<vmem>>
        %dma_wait3A_129 = arith.constant 0 : i32
        %dma_wait3A_130 = arith.constant 0 : i32
        %dma_wait3A_131 = tpu.memref_slice %arg2[%dma_wait3A_129, %dma_wait3A_130] : memref<10000x128xf32, #tpu.memory_space<hbm>> -> memref<10000x128xf32, #tpu.memory_space<hbm>>
        tpu.wait_indirect_dma semaphore(%arg12 : memref<!tpu.dma_semaphore, #tpu.memory_space<semaphore_mem>>) src(%dma_wait3A_131 : memref<10000x128xf32, #tpu.memory_space<hbm>>) dst(%arg10 : memref<128x128xf32, #tpu.memory_space<vmem>>)
        %dma_wait3A_132 = arith.constant 0 : i32
        %dma_wait3A_133 = tpu.memref_slice %arg8[%mul3A_87, %dma_wait3A_132] : memref<56x128xi32, #tpu.memory_space<vmem>> -> memref<1x128xi32, #tpu.memory_space<vmem>>
        %dma_wait3A_134 = tpu.memref_squeeze %dma_wait3A_133 : memref<1x128xi32, #tpu.memory_space<vmem>> -> memref<128xi32, #tpu.memory_space<vmem>>
        %dma_wait3A_135 = arith.constant 0 : i32
        %dma_wait3A_136 = arith.constant 0 : i32
        %dma_wait3A_137 = tpu.memref_slice %arg11[%dma_wait3A_135, %dma_wait3A_136] : memref<10112x128xf32, #tpu.memory_space<vmem_shared>> -> memref<10112x128xf32, #tpu.memory_space<vmem_shared>>
        tpu.wait_indirect_dma semaphore(%arg13 : memref<!tpu.dma_semaphore, #tpu.memory_space<semaphore_mem>>) src(%arg9 : memref<128x128xf32, #tpu.memory_space<vmem>>) dst(%dma_wait3A_137 : memref<10112x128xf32, #tpu.memory_space<vmem_shared>>)
        %dma_start3A_138 = arith.constant 0 : i32
        %dma_start3A_139 = tpu.memref_slice %arg8[%add3A_91, %dma_start3A_138] : memref<56x128xi32, #tpu.memory_space<vmem>> -> memref<1x128xi32, #tpu.memory_space<vmem>>
        %dma_start3A_140 = tpu.memref_squeeze %dma_start3A_139 : memref<1x128xi32, #tpu.memory_space<vmem>> -> memref<128xi32, #tpu.memory_space<vmem>>
        %dma_start3A_141 = arith.constant 0 : i32
        %dma_start3A_142 = arith.constant 0 : i32
        %dma_start3A_143 = tpu.memref_slice %arg11[%dma_start3A_141, %dma_start3A_142] : memref<10112x128xf32, #tpu.memory_space<vmem_shared>> -> memref<10112x128xf32, #tpu.memory_space<vmem_shared>>
        tpu.enqueue_indirect_dma source(%arg10 : memref<128x128xf32, #tpu.memory_space<vmem>>) target(%dma_start3A_143 : memref<10112x128xf32, #tpu.memory_space<vmem_shared>>) offsets(%dma_start3A_140 : memref<128xi32, #tpu.memory_space<vmem>>) semaphore(%arg14 : memref<!tpu.dma_semaphore, #tpu.memory_space<semaphore_mem>>) {add = true}
      }
      %gt3A = arith.constant 0 : i32
      %gt3A_83 = arith.cmpi sgt, %min3A, %gt3A : i32
      %convert_element_type3A = arith.extui %gt3A_83 : i1 to i32
      %cond3A = arith.constant 0 : i32
      %cond3A_84 = arith.cmpi ne, %convert_element_type3A, %cond3A : i32
      scf.if %cond3A_84 {
        %mul3A_85 = arith.constant 2 : i32
        %mul3A_86 = arith.muli %mul3A_85, %min3A : i32
        %sub3A_87 = arith.constant 1 : i32
        %sub3A_88 = arith.subi %mul3A_86, %sub3A_87 : i32
        %dma_wait3A = arith.constant 0 : i32
        %dma_wait3A_89 = tpu.memref_slice %arg8[%sub3A_88, %dma_wait3A] : memref<56x128xi32, #tpu.memory_space<vmem>> -> memref<1x128xi32, #tpu.memory_space<vmem>>
        %dma_wait3A_90 = tpu.memref_squeeze %dma_wait3A_89 : memref<1x128xi32, #tpu.memory_space<vmem>> -> memref<128xi32, #tpu.memory_space<vmem>>
        %dma_wait3A_91 = arith.constant 0 : i32
        %dma_wait3A_92 = arith.constant 0 : i32
        %dma_wait3A_93 = tpu.memref_slice %arg11[%dma_wait3A_91, %dma_wait3A_92] : memref<10112x128xf32, #tpu.memory_space<vmem_shared>> -> memref<10112x128xf32, #tpu.memory_space<vmem_shared>>
        tpu.wait_indirect_dma semaphore(%arg14 : memref<!tpu.dma_semaphore, #tpu.memory_space<semaphore_mem>>) src(%arg10 : memref<128x128xf32, #tpu.memory_space<vmem>>) dst(%dma_wait3A_93 : memref<10112x128xf32, #tpu.memory_space<vmem_shared>>)
      } else {
      }
    }
    %barrier3A_37 = arith.constant 0 : index
    tpu.barrier barrier_id(%barrier3A_37)
    "tpu.region"() ({
      %run_scoped3A = tpu.sem_alloc : memref<!tpu.dma_semaphore, #tpu.memory_space<semaphore_mem>>
      %dma_start3A = arith.constant 0 : i32
      %dma_start3A_38 = tpu.memref_slice %arg6[%arg0, %mul3A_2, %dma_start3A] : memref<2x10112x128xf32, #tpu.memory_space<hbm>> -> memref<1x632x128xf32, #tpu.memory_space<hbm>>
      %dma_start3A_39 = tpu.memref_squeeze %dma_start3A_38 : memref<1x632x128xf32, #tpu.memory_space<hbm>> -> memref<632x128xf32, #tpu.memory_space<hbm>>
      %dma_start3A_40 = arith.constant 0 : i32
      %dma_start3A_41 = tpu.memref_slice %arg11[%mul3A_2, %dma_start3A_40] : memref<10112x128xf32, #tpu.memory_space<vmem_shared>> -> memref<632x128xf32, #tpu.memory_space<vmem_shared>>
      tpu.enqueue_dma source(%dma_start3A_41 : memref<632x128xf32, #tpu.memory_space<vmem_shared>>) target(%dma_start3A_39 : memref<632x128xf32, #tpu.memory_space<hbm>>) target_semaphore(%run_scoped3A : memref<!tpu.dma_semaphore, #tpu.memory_space<semaphore_mem>>)
      %dma_wait3A = arith.constant 0 : i32
      %dma_wait3A_42 = tpu.memref_slice %arg6[%arg0, %mul3A_2, %dma_wait3A] : memref<2x10112x128xf32, #tpu.memory_space<hbm>> -> memref<1x632x128xf32, #tpu.memory_space<hbm>>
      %dma_wait3A_43 = tpu.memref_squeeze %dma_wait3A_42 : memref<1x632x128xf32, #tpu.memory_space<hbm>> -> memref<632x128xf32, #tpu.memory_space<hbm>>
      %dma_wait3A_44 = arith.constant 0 : i32
      %dma_wait3A_45 = tpu.memref_slice %arg11[%mul3A_2, %dma_wait3A_44] : memref<10112x128xf32, #tpu.memory_space<vmem_shared>> -> memref<632x128xf32, #tpu.memory_space<vmem_shared>>
      tpu.wait_dma2 semaphore(%run_scoped3A : memref<!tpu.dma_semaphore, #tpu.memory_space<semaphore_mem>>) src(%dma_wait3A_45 : memref<632x128xf32, #tpu.memory_space<vmem_shared>>) dst(%dma_wait3A_43 : memref<632x128xf32, #tpu.memory_space<hbm>>)
      tpu.yield
    }) : () -> ()
    return
  }
}

#map = affine_map<(d0, d1) -> (0, 0)>
module attributes {stable_mosaic.version = 14 : i64} {
  func.func @sc_link_sigmoid(%arg0: i32, %arg1: i32, %arg2: memref<79x128xf32, #tpu.memory_space<hbm>>, %arg3: memref<79x128xf32, #tpu.memory_space<hbm>>, %arg4: memref<32x3136xi32, #tpu.memory_space<hbm>>, %arg5: memref<32x3136xi32, #tpu.memory_space<hbm>>, %arg6: memref<32x3136xf32, #tpu.memory_space<hbm>>, %arg7: memref<79x128xf32, #tpu.memory_space<vmem>>, %arg8: memref<79x128xf32, #tpu.memory_space<vmem>>, %arg9: memref<3136xi32, #tpu.memory_space<vmem>>, %arg10: memref<3136xi32, #tpu.memory_space<vmem>>, %arg11: memref<3136xf32, #tpu.memory_space<vmem>>) attributes {dimension_semantics = [#tpu.dimension_semantics<core_parallel>, #tpu.dimension_semantics<subcore_parallel>], iteration_bounds = array<i64: 2, 16>, scalar_prefetch = 0 : i64, scratch_operands = 5 : i64, tpu.core_type = #tpu.core_type<sc_vector_subcore>, window_params = [{transform_indices = #map}, {transform_indices = #map}, {transform_indices = #map}, {transform_indices = #map}, {transform_indices = #map}]} {
    %mul3A = arith.constant 16 : i32
    %mul3A_0 = arith.muli %arg0, %mul3A : i32
    %add3A = arith.addi %mul3A_0, %arg1 : i32
    "tpu.region"() ({
      %run_scoped3A = tpu.sem_alloc : memref<!tpu.dma_semaphore, #tpu.memory_space<semaphore_mem>>
      tpu.enqueue_dma source(%arg2 : memref<79x128xf32, #tpu.memory_space<hbm>>) target(%arg7 : memref<79x128xf32, #tpu.memory_space<vmem>>) target_semaphore(%run_scoped3A : memref<!tpu.dma_semaphore, #tpu.memory_space<semaphore_mem>>)
      tpu.wait_dma2 semaphore(%run_scoped3A : memref<!tpu.dma_semaphore, #tpu.memory_space<semaphore_mem>>) src(%arg2 : memref<79x128xf32, #tpu.memory_space<hbm>>) dst(%arg7 : memref<79x128xf32, #tpu.memory_space<vmem>>)
      tpu.yield
    }) : () -> ()
    "tpu.region"() ({
      %run_scoped3A = tpu.sem_alloc : memref<!tpu.dma_semaphore, #tpu.memory_space<semaphore_mem>>
      tpu.enqueue_dma source(%arg3 : memref<79x128xf32, #tpu.memory_space<hbm>>) target(%arg8 : memref<79x128xf32, #tpu.memory_space<vmem>>) target_semaphore(%run_scoped3A : memref<!tpu.dma_semaphore, #tpu.memory_space<semaphore_mem>>)
      tpu.wait_dma2 semaphore(%run_scoped3A : memref<!tpu.dma_semaphore, #tpu.memory_space<semaphore_mem>>) src(%arg3 : memref<79x128xf32, #tpu.memory_space<hbm>>) dst(%arg8 : memref<79x128xf32, #tpu.memory_space<vmem>>)
      tpu.yield
    }) : () -> ()
    "tpu.region"() ({
      %run_scoped3A = tpu.sem_alloc : memref<!tpu.dma_semaphore, #tpu.memory_space<semaphore_mem>>
      %dma_start3A = arith.constant 0 : i32
      %dma_start3A_6 = tpu.memref_slice %arg4[%add3A, %dma_start3A] : memref<32x3136xi32, #tpu.memory_space<hbm>> -> memref<1x3136xi32, #tpu.memory_space<hbm>>
      %dma_start3A_7 = tpu.memref_squeeze %dma_start3A_6 : memref<1x3136xi32, #tpu.memory_space<hbm>> -> memref<3136xi32, #tpu.memory_space<hbm>>
      %dma_start3A_8 = arith.constant 0 : i32
      %dma_start3A_9 = tpu.memref_slice %arg4[%add3A, %dma_start3A_8] : memref<32x3136xi32, #tpu.memory_space<hbm>> -> memref<1x3136xi32, #tpu.memory_space<hbm>>
      %dma_start3A_10 = tpu.memref_squeeze %dma_start3A_9 : memref<1x3136xi32, #tpu.memory_space<hbm>> -> memref<3136xi32, #tpu.memory_space<hbm>>
      tpu.enqueue_dma source(%dma_start3A_10 : memref<3136xi32, #tpu.memory_space<hbm>>) target(%arg9 : memref<3136xi32, #tpu.memory_space<vmem>>) target_semaphore(%run_scoped3A : memref<!tpu.dma_semaphore, #tpu.memory_space<semaphore_mem>>)
      %dma_wait3A = arith.constant 0 : i32
      %dma_wait3A_11 = tpu.memref_slice %arg4[%add3A, %dma_wait3A] : memref<32x3136xi32, #tpu.memory_space<hbm>> -> memref<1x3136xi32, #tpu.memory_space<hbm>>
      %dma_wait3A_12 = tpu.memref_squeeze %dma_wait3A_11 : memref<1x3136xi32, #tpu.memory_space<hbm>> -> memref<3136xi32, #tpu.memory_space<hbm>>
      %dma_wait3A_13 = arith.constant 0 : i32
      %dma_wait3A_14 = tpu.memref_slice %arg4[%add3A, %dma_wait3A_13] : memref<32x3136xi32, #tpu.memory_space<hbm>> -> memref<1x3136xi32, #tpu.memory_space<hbm>>
      %dma_wait3A_15 = tpu.memref_squeeze %dma_wait3A_14 : memref<1x3136xi32, #tpu.memory_space<hbm>> -> memref<3136xi32, #tpu.memory_space<hbm>>
      tpu.wait_dma2 semaphore(%run_scoped3A : memref<!tpu.dma_semaphore, #tpu.memory_space<semaphore_mem>>) src(%dma_wait3A_15 : memref<3136xi32, #tpu.memory_space<hbm>>) dst(%arg9 : memref<3136xi32, #tpu.memory_space<vmem>>)
      tpu.yield
    }) : () -> ()
    "tpu.region"() ({
      %run_scoped3A = tpu.sem_alloc : memref<!tpu.dma_semaphore, #tpu.memory_space<semaphore_mem>>
      %dma_start3A = arith.constant 0 : i32
      %dma_start3A_6 = tpu.memref_slice %arg5[%add3A, %dma_start3A] : memref<32x3136xi32, #tpu.memory_space<hbm>> -> memref<1x3136xi32, #tpu.memory_space<hbm>>
      %dma_start3A_7 = tpu.memref_squeeze %dma_start3A_6 : memref<1x3136xi32, #tpu.memory_space<hbm>> -> memref<3136xi32, #tpu.memory_space<hbm>>
      %dma_start3A_8 = arith.constant 0 : i32
      %dma_start3A_9 = tpu.memref_slice %arg5[%add3A, %dma_start3A_8] : memref<32x3136xi32, #tpu.memory_space<hbm>> -> memref<1x3136xi32, #tpu.memory_space<hbm>>
      %dma_start3A_10 = tpu.memref_squeeze %dma_start3A_9 : memref<1x3136xi32, #tpu.memory_space<hbm>> -> memref<3136xi32, #tpu.memory_space<hbm>>
      tpu.enqueue_dma source(%dma_start3A_10 : memref<3136xi32, #tpu.memory_space<hbm>>) target(%arg10 : memref<3136xi32, #tpu.memory_space<vmem>>) target_semaphore(%run_scoped3A : memref<!tpu.dma_semaphore, #tpu.memory_space<semaphore_mem>>)
      %dma_wait3A = arith.constant 0 : i32
      %dma_wait3A_11 = tpu.memref_slice %arg5[%add3A, %dma_wait3A] : memref<32x3136xi32, #tpu.memory_space<hbm>> -> memref<1x3136xi32, #tpu.memory_space<hbm>>
      %dma_wait3A_12 = tpu.memref_squeeze %dma_wait3A_11 : memref<1x3136xi32, #tpu.memory_space<hbm>> -> memref<3136xi32, #tpu.memory_space<hbm>>
      %dma_wait3A_13 = arith.constant 0 : i32
      %dma_wait3A_14 = tpu.memref_slice %arg5[%add3A, %dma_wait3A_13] : memref<32x3136xi32, #tpu.memory_space<hbm>> -> memref<1x3136xi32, #tpu.memory_space<hbm>>
      %dma_wait3A_15 = tpu.memref_squeeze %dma_wait3A_14 : memref<1x3136xi32, #tpu.memory_space<hbm>> -> memref<3136xi32, #tpu.memory_space<hbm>>
      tpu.wait_dma2 semaphore(%run_scoped3A : memref<!tpu.dma_semaphore, #tpu.memory_space<semaphore_mem>>) src(%dma_wait3A_15 : memref<3136xi32, #tpu.memory_space<hbm>>) dst(%arg10 : memref<3136xi32, #tpu.memory_space<vmem>>)
      tpu.yield
    }) : () -> ()
    %scan3A = arith.constant 0 : i32
    %scan3A_1 = arith.constant 0 : i32
    %scan3A_2 = arith.constant 196 : i32
    %scan3A_3 = arith.addi %scan3A_1, %scan3A_2 : i32
    %scan3A_4 = arith.constant 1 : i32
    scf.for %scan3A_6 = %scan3A_1 to %scan3A_3 step %scan3A_4  : i32 {
      %mul3A_7 = arith.constant 16 : i32
      %mul3A_8 = arith.muli %scan3A_6, %mul3A_7 : i32
      %get3A = arith.index_cast %mul3A_8 : i32 to index
      %get3A_9 = tpu.vector_load %arg9[%get3A] {strides = array<i32>} : memref<3136xi32, #tpu.memory_space<vmem>>, vector<16xi32>,
      %mul3A_10 = arith.constant 16 : i32
      %mul3A_11 = arith.muli %scan3A_6, %mul3A_10 : i32
      %get3A_12 = arith.index_cast %mul3A_11 : i32 to index
      %get3A_13 = tpu.vector_load %arg10[%get3A_12] {strides = array<i32>} : memref<3136xi32, #tpu.memory_space<vmem>>, vector<16xi32>,
      %shift_right_logical3A = arith.constant 7 : i32
      %shift_right_logical3A_14 = vector.broadcast %shift_right_logical3A : i32 to vector<16xi32>
      %shift_right_logical3A_15 = arith.shrui %get3A_9, %shift_right_logical3A_14 : vector<16xi32>
      %and3A = arith.constant 127 : i32
      %and3A_16 = vector.broadcast %and3A : i32 to vector<16xi32>
      %and3A_17 = arith.andi %get3A_9, %and3A_16 : vector<16xi32>
      %gather3A = tpu.vector_load_idx %arg7[%shift_right_logical3A_15, %and3A_17] : memref<79x128xf32, #tpu.memory_space<vmem>>[vector<16xi32>, vector<16xi32>], vector<16xf32>,
      %shift_right_logical3A_18 = arith.constant 7 : i32
      %shift_right_logical3A_19 = vector.broadcast %shift_right_logical3A_18 : i32 to vector<16xi32>
      %shift_right_logical3A_20 = arith.shrui %get3A_13, %shift_right_logical3A_19 : vector<16xi32>
      %and3A_21 = arith.constant 127 : i32
      %and3A_22 = vector.broadcast %and3A_21 : i32 to vector<16xi32>
      %and3A_23 = arith.andi %get3A_13, %and3A_22 : vector<16xi32>
      %gather3A_24 = tpu.vector_load_idx %arg8[%shift_right_logical3A_20, %and3A_23] : memref<79x128xf32, #tpu.memory_space<vmem>>[vector<16xi32>, vector<16xi32>], vector<16xf32>,
      %add3A_25 = arith.addf %gather3A, %gather3A_24 : vector<16xf32>
      %neg3A = arith.constant 0.000000e+00 : f32
      %neg3A_26 = vector.broadcast %neg3A : f32 to vector<16xf32>
      %neg3A_27 = arith.subf %neg3A_26, %add3A_25 : vector<16xf32>
      %exp3A = math.exp %neg3A_27 : vector<16xf32>
      %add3A_28 = arith.constant 1.000000e+00 : f32
      %add3A_29 = vector.broadcast %add3A_28 : f32 to vector<16xf32>
      %add3A_30 = arith.addf %add3A_29, %exp3A : vector<16xf32>
      %div3A = arith.constant 1.000000e+00 : f32
      %div3A_31 = vector.broadcast %div3A : f32 to vector<16xf32>
      %div3A_32 = arith.divf %div3A_31, %add3A_30 : vector<16xf32>
      %mul3A_33 = arith.constant 16 : i32
      %mul3A_34 = arith.muli %scan3A_6, %mul3A_33 : i32
      %swap3A = arith.index_cast %mul3A_34 : i32 to index
      %swap3A_35 = tpu.vector_load %arg11[%swap3A] {strides = array<i32>} : memref<3136xf32, #tpu.memory_space<vmem>>, vector<16xf32>,
      tpu.vector_store %arg11[%swap3A], %div3A_32 {strides = array<i32>} : memref<3136xf32, #tpu.memory_space<vmem>>, vector<16xf32>,
    }
    %scan3A_5 = arith.constant 196 : i32
    "tpu.region"() ({
      %run_scoped3A = tpu.sem_alloc : memref<!tpu.dma_semaphore, #tpu.memory_space<semaphore_mem>>
      %dma_start3A = arith.constant 0 : i32
      %dma_start3A_6 = tpu.memref_slice %arg6[%add3A, %dma_start3A] : memref<32x3136xf32, #tpu.memory_space<hbm>> -> memref<1x3136xf32, #tpu.memory_space<hbm>>
      %dma_start3A_7 = tpu.memref_squeeze %dma_start3A_6 : memref<1x3136xf32, #tpu.memory_space<hbm>> -> memref<3136xf32, #tpu.memory_space<hbm>>
      %dma_start3A_8 = arith.constant 0 : i32
      %dma_start3A_9 = tpu.memref_slice %arg6[%add3A, %dma_start3A_8] : memref<32x3136xf32, #tpu.memory_space<hbm>> -> memref<1x3136xf32, #tpu.memory_space<hbm>>
      %dma_start3A_10 = tpu.memref_squeeze %dma_start3A_9 : memref<1x3136xf32, #tpu.memory_space<hbm>> -> memref<3136xf32, #tpu.memory_space<hbm>>
      tpu.enqueue_dma source(%arg11 : memref<3136xf32, #tpu.memory_space<vmem>>) target(%dma_start3A_10 : memref<3136xf32, #tpu.memory_space<hbm>>) target_semaphore(%run_scoped3A : memref<!tpu.dma_semaphore, #tpu.memory_space<semaphore_mem>>)
      %dma_wait3A = arith.constant 0 : i32
      %dma_wait3A_11 = tpu.memref_slice %arg6[%add3A, %dma_wait3A] : memref<32x3136xf32, #tpu.memory_space<hbm>> -> memref<1x3136xf32, #tpu.memory_space<hbm>>
      %dma_wait3A_12 = tpu.memref_squeeze %dma_wait3A_11 : memref<1x3136xf32, #tpu.memory_space<hbm>> -> memref<3136xf32, #tpu.memory_space<hbm>>
      %dma_wait3A_13 = arith.constant 0 : i32
      %dma_wait3A_14 = tpu.memref_slice %arg6[%add3A, %dma_wait3A_13] : memref<32x3136xf32, #tpu.memory_space<hbm>> -> memref<1x3136xf32, #tpu.memory_space<hbm>>
      %dma_wait3A_15 = tpu.memref_squeeze %dma_wait3A_14 : memref<1x3136xf32, #tpu.memory_space<hbm>> -> memref<3136xf32, #tpu.memory_space<hbm>>
      tpu.wait_dma2 semaphore(%run_scoped3A : memref<!tpu.dma_semaphore, #tpu.memory_space<semaphore_mem>>) src(%arg11 : memref<3136xf32, #tpu.memory_space<vmem>>) dst(%dma_wait3A_15 : memref<3136xf32, #tpu.memory_space<hbm>>)
      tpu.yield
    }) : () -> ()
    return
  }
}

module attributes {stable_mosaic.version = 14 : i64} {
  func.func @_tc_dense1_body(%arg0: memref<10000x128xf32, #tpu.memory_space<vmem>>, %arg1: memref<2x10112x128xf32, #tpu.memory_space<vmem>>, %arg2: memref<2x10112x128xf32, #tpu.memory_space<vmem>>, %arg3: memref<128x128xf32, #tpu.memory_space<vmem>>, %arg4: memref<128xf32, #tpu.memory_space<vmem>>, %arg5: memref<128x128xf32, #tpu.memory_space<vmem>>, %arg6: memref<10000x128xf32, #tpu.memory_space<vmem>>) attributes {dimension_semantics = [], scalar_prefetch = 0 : i64, scratch_operands = 0 : i64, tpu.core_type = #tpu.core_type<tc>} {
    %get3A = arith.constant 0 : index
    %get3A_0 = arith.constant 0 : index
    %get3A_1 = arith.constant 0 : index
    %get3A_2 = vector.load %arg2[%get3A, %get3A_0, %get3A_1] : memref<2x10112x128xf32, #tpu.memory_space<vmem>>, vector<1x10000x1xf32>
    %get3A_3 = vector.shape_cast %get3A_2 : vector<1x10000x1xf32> to vector<10000xf32>
    %get3A_4 = arith.constant 1 : index
    %get3A_5 = arith.constant 0 : index
    %get3A_6 = arith.constant 0 : index
    %get3A_7 = vector.load %arg2[%get3A_4, %get3A_5, %get3A_6] : memref<2x10112x128xf32, #tpu.memory_space<vmem>>, vector<1x10000x1xf32>
    %get3A_8 = vector.shape_cast %get3A_7 : vector<1x10000x1xf32> to vector<10000xf32>
    %add3A = arith.addf %get3A_3, %get3A_8 : vector<10000xf32>
    %get3A_9 = arith.constant 0 : index
    %get3A_10 = arith.constant 0 : index
    %get3A_11 = arith.constant 0 : index
    %get3A_12 = vector.load %arg1[%get3A_9, %get3A_10, %get3A_11] : memref<2x10112x128xf32, #tpu.memory_space<vmem>>, vector<1x10000x128xf32>
    %get3A_13 = vector.shape_cast %get3A_12 : vector<1x10000x128xf32> to vector<10000x128xf32>
    %get3A_14 = arith.constant 1 : index
    %get3A_15 = arith.constant 0 : index
    %get3A_16 = arith.constant 0 : index
    %get3A_17 = vector.load %arg1[%get3A_14, %get3A_15, %get3A_16] : memref<2x10112x128xf32, #tpu.memory_space<vmem>>, vector<1x10000x128xf32>
    %get3A_18 = vector.shape_cast %get3A_17 : vector<1x10000x128xf32> to vector<10000x128xf32>
    %add3A_19 = arith.addf %get3A_13, %get3A_18 : vector<10000x128xf32>
    %max3A = arith.constant 1.000000e+00 : f32
    %max3A_20 = vector.broadcast %max3A : f32 to vector<10000xf32>
    %max3A_21 = arith.maximumf %add3A, %max3A_20 : vector<10000xf32>
    %broadcast_in_dim3A = vector.shape_cast %max3A_21 : vector<10000xf32> to vector<10000x1xf32>
    %div3A = vector.broadcast %broadcast_in_dim3A : vector<10000x1xf32> to vector<10000x128xf32>
    %div3A_22 = arith.divf %add3A_19, %div3A : vector<10000x128xf32>
    %get3A_23 = arith.constant 0 : index
    %get3A_24 = arith.constant 0 : index
    %get3A_25 = vector.load %arg3[%get3A_23, %get3A_24] : memref<128x128xf32, #tpu.memory_space<vmem>>, vector<128x128xf32>
    %dot_general3A = arith.constant dense<0.000000e+00> : vector<10000x128xf32>
    %dot_general3A_26 = tpu.matmul %div3A_22, %get3A_25, %dot_general3A {dimension_numbers = #tpu.dot_dimension_numbers<[1], [0], [0], [1], [0, 0, 1, 1], [], []>, transpose_lhs_hint = false} : vector<10000x128xf32>, vector<128x128xf32>, vector<10000x128xf32> -> vector<10000x128xf32>
    %get3A_27 = arith.constant 0 : index
    %get3A_28 = vector.load %arg4[%get3A_27] : memref<128xf32, #tpu.memory_space<vmem>>, vector<128xf32>
    %broadcast_in_dim3A_29 = vector.shape_cast %get3A_28 : vector<128xf32> to vector<1x128xf32>
    %add3A_30 = vector.broadcast %broadcast_in_dim3A_29 : vector<1x128xf32> to vector<10000x128xf32>
    %add3A_31 = arith.addf %dot_general3A_26, %add3A_30 : vector<10000x128xf32>
    %get3A_32 = arith.constant 0 : index
    %get3A_33 = arith.constant 0 : index
    %get3A_34 = vector.load %arg0[%get3A_32, %get3A_33] : memref<10000x128xf32, #tpu.memory_space<vmem>>, vector<10000x128xf32>
    %get3A_35 = arith.constant 0 : index
    %get3A_36 = arith.constant 0 : index
    %get3A_37 = vector.load %arg5[%get3A_35, %get3A_36] : memref<128x128xf32, #tpu.memory_space<vmem>>, vector<128x128xf32>
    %dot_general3A_38 = arith.constant dense<0.000000e+00> : vector<10000x128xf32>
    %dot_general3A_39 = tpu.matmul %get3A_34, %get3A_37, %dot_general3A_38 {dimension_numbers = #tpu.dot_dimension_numbers<[1], [0], [0], [1], [0, 0, 1, 1], [], []>, transpose_lhs_hint = false} : vector<10000x128xf32>, vector<128x128xf32>, vector<10000x128xf32> -> vector<10000x128xf32>
    %add3A_40 = arith.addf %add3A_31, %dot_general3A_39 : vector<10000x128xf32>
    %max3A_41 = arith.constant 0.000000e+00 : f32
    %max3A_42 = vector.broadcast %max3A_41 : f32 to vector<10000x128xf32>
    %max3A_43 = arith.maximumf %add3A_40, %max3A_42 : vector<10000x128xf32>
    %swap3A = arith.constant 0 : index
    %swap3A_44 = arith.constant 0 : index
    %swap3A_45 = vector.load %arg6[%swap3A, %swap3A_44] : memref<10000x128xf32, #tpu.memory_space<vmem>>, vector<10000x128xf32>
    tpu.vector_store %arg6[%swap3A, %swap3A_44], %max3A_43 {strides = array<i32>} : memref<10000x128xf32, #tpu.memory_space<vmem>>, vector<10000x128xf32>,
    return
  }
}

module attributes {stable_mosaic.version = 14 : i64} {
  func.func @_tc_dense2_body(%arg0: memref<10000x128xf32, #tpu.memory_space<vmem>>, %arg1: memref<2x10112x128xf32, #tpu.memory_space<vmem>>, %arg2: memref<2x10112x128xf32, #tpu.memory_space<vmem>>, %arg3: memref<128x128xf32, #tpu.memory_space<vmem>>, %arg4: memref<128xf32, #tpu.memory_space<vmem>>, %arg5: memref<128x128xf32, #tpu.memory_space<vmem>>, %arg6: memref<128x1xf32, #tpu.memory_space<vmem>>, %arg7: memref<128x1xf32, #tpu.memory_space<vmem>>, %arg8: memref<1xf32, #tpu.memory_space<vmem>>, %arg9: memref<10000x1xf32, #tpu.memory_space<vmem>>, %arg10: memref<10000x1xf32, #tpu.memory_space<vmem>>) attributes {dimension_semantics = [], scalar_prefetch = 0 : i64, scratch_operands = 0 : i64, tpu.core_type = #tpu.core_type<tc>} {
    %get3A = arith.constant 0 : index
    %get3A_0 = arith.constant 0 : index
    %get3A_1 = arith.constant 0 : index
    %get3A_2 = vector.load %arg2[%get3A, %get3A_0, %get3A_1] : memref<2x10112x128xf32, #tpu.memory_space<vmem>>, vector<1x10000x1xf32>
    %get3A_3 = vector.shape_cast %get3A_2 : vector<1x10000x1xf32> to vector<10000xf32>
    %get3A_4 = arith.constant 1 : index
    %get3A_5 = arith.constant 0 : index
    %get3A_6 = arith.constant 0 : index
    %get3A_7 = vector.load %arg2[%get3A_4, %get3A_5, %get3A_6] : memref<2x10112x128xf32, #tpu.memory_space<vmem>>, vector<1x10000x1xf32>
    %get3A_8 = vector.shape_cast %get3A_7 : vector<1x10000x1xf32> to vector<10000xf32>
    %add3A = arith.addf %get3A_3, %get3A_8 : vector<10000xf32>
    %get3A_9 = arith.constant 0 : index
    %get3A_10 = arith.constant 0 : index
    %get3A_11 = arith.constant 0 : index
    %get3A_12 = vector.load %arg1[%get3A_9, %get3A_10, %get3A_11] : memref<2x10112x128xf32, #tpu.memory_space<vmem>>, vector<1x10000x128xf32>
    %get3A_13 = vector.shape_cast %get3A_12 : vector<1x10000x128xf32> to vector<10000x128xf32>
    %get3A_14 = arith.constant 1 : index
    %get3A_15 = arith.constant 0 : index
    %get3A_16 = arith.constant 0 : index
    %get3A_17 = vector.load %arg1[%get3A_14, %get3A_15, %get3A_16] : memref<2x10112x128xf32, #tpu.memory_space<vmem>>, vector<1x10000x128xf32>
    %get3A_18 = vector.shape_cast %get3A_17 : vector<1x10000x128xf32> to vector<10000x128xf32>
    %add3A_19 = arith.addf %get3A_13, %get3A_18 : vector<10000x128xf32>
    %max3A = arith.constant 1.000000e+00 : f32
    %max3A_20 = vector.broadcast %max3A : f32 to vector<10000xf32>
    %max3A_21 = arith.maximumf %add3A, %max3A_20 : vector<10000xf32>
    %broadcast_in_dim3A = vector.shape_cast %max3A_21 : vector<10000xf32> to vector<10000x1xf32>
    %div3A = vector.broadcast %broadcast_in_dim3A : vector<10000x1xf32> to vector<10000x128xf32>
    %div3A_22 = arith.divf %add3A_19, %div3A : vector<10000x128xf32>
    %get3A_23 = arith.constant 0 : index
    %get3A_24 = arith.constant 0 : index
    %get3A_25 = vector.load %arg3[%get3A_23, %get3A_24] : memref<128x128xf32, #tpu.memory_space<vmem>>, vector<128x128xf32>
    %dot_general3A = arith.constant dense<0.000000e+00> : vector<10000x128xf32>
    %dot_general3A_26 = tpu.matmul %div3A_22, %get3A_25, %dot_general3A {dimension_numbers = #tpu.dot_dimension_numbers<[1], [0], [0], [1], [0, 0, 1, 1], [], []>, transpose_lhs_hint = false} : vector<10000x128xf32>, vector<128x128xf32>, vector<10000x128xf32> -> vector<10000x128xf32>
    %get3A_27 = arith.constant 0 : index
    %get3A_28 = vector.load %arg4[%get3A_27] : memref<128xf32, #tpu.memory_space<vmem>>, vector<128xf32>
    %broadcast_in_dim3A_29 = vector.shape_cast %get3A_28 : vector<128xf32> to vector<1x128xf32>
    %add3A_30 = vector.broadcast %broadcast_in_dim3A_29 : vector<1x128xf32> to vector<10000x128xf32>
    %add3A_31 = arith.addf %dot_general3A_26, %add3A_30 : vector<10000x128xf32>
    %get3A_32 = arith.constant 0 : index
    %get3A_33 = arith.constant 0 : index
    %get3A_34 = vector.load %arg0[%get3A_32, %get3A_33] : memref<10000x128xf32, #tpu.memory_space<vmem>>, vector<10000x128xf32>
    %get3A_35 = arith.constant 0 : index
    %get3A_36 = arith.constant 0 : index
    %get3A_37 = vector.load %arg5[%get3A_35, %get3A_36] : memref<128x128xf32, #tpu.memory_space<vmem>>, vector<128x128xf32>
    %dot_general3A_38 = arith.constant dense<0.000000e+00> : vector<10000x128xf32>
    %dot_general3A_39 = tpu.matmul %get3A_34, %get3A_37, %dot_general3A_38 {dimension_numbers = #tpu.dot_dimension_numbers<[1], [0], [0], [1], [0, 0, 1, 1], [], []>, transpose_lhs_hint = false} : vector<10000x128xf32>, vector<128x128xf32>, vector<10000x128xf32> -> vector<10000x128xf32>
    %add3A_40 = arith.addf %add3A_31, %dot_general3A_39 : vector<10000x128xf32>
    %get3A_41 = arith.constant 0 : index
    %get3A_42 = arith.constant 0 : index
    %get3A_43 = vector.load %arg6[%get3A_41, %get3A_42] : memref<128x1xf32, #tpu.memory_space<vmem>>, vector<128x1xf32>
    %dot_general3A_44 = arith.constant dense<0.000000e+00> : vector<10000x1xf32>
    %dot_general3A_45 = tpu.matmul %add3A_40, %get3A_43, %dot_general3A_44 {dimension_numbers = #tpu.dot_dimension_numbers<[1], [0], [0], [1], [0, 0, 1, 1], [], []>, transpose_lhs_hint = false} : vector<10000x128xf32>, vector<128x1xf32>, vector<10000x1xf32> -> vector<10000x1xf32>
    %get3A_46 = arith.constant 0 : index
    %get3A_47 = vector.load %arg8[%get3A_46] : memref<1xf32, #tpu.memory_space<vmem>>, vector<1xf32>
    %broadcast_in_dim3A_48 = vector.shape_cast %get3A_47 : vector<1xf32> to vector<1x1xf32>
    %add3A_49 = vector.broadcast %broadcast_in_dim3A_48 : vector<1x1xf32> to vector<10000x1xf32>
    %add3A_50 = arith.addf %dot_general3A_45, %add3A_49 : vector<10000x1xf32>
    %swap3A = arith.constant 0 : index
    %swap3A_51 = arith.constant 0 : index
    %swap3A_52 = vector.load %arg9[%swap3A, %swap3A_51] : memref<10000x1xf32, #tpu.memory_space<vmem>>, vector<10000x1xf32>
    tpu.vector_store %arg9[%swap3A, %swap3A_51], %add3A_50 {strides = array<i32>} : memref<10000x1xf32, #tpu.memory_space<vmem>>, vector<10000x1xf32>,
    %get3A_53 = arith.constant 0 : index
    %get3A_54 = arith.constant 0 : index
    %get3A_55 = vector.load %arg7[%get3A_53, %get3A_54] : memref<128x1xf32, #tpu.memory_space<vmem>>, vector<128x1xf32>
    %dot_general3A_56 = arith.constant dense<0.000000e+00> : vector<10000x1xf32>
    %dot_general3A_57 = tpu.matmul %add3A_40, %get3A_55, %dot_general3A_56 {dimension_numbers = #tpu.dot_dimension_numbers<[1], [0], [0], [1], [0, 0, 1, 1], [], []>, transpose_lhs_hint = false} : vector<10000x128xf32>, vector<128x1xf32>, vector<10000x1xf32> -> vector<10000x1xf32>
    %swap3A_58 = arith.constant 0 : index
    %swap3A_59 = arith.constant 0 : index
    %swap3A_60 = vector.load %arg10[%swap3A_58, %swap3A_59] : memref<10000x1xf32, #tpu.memory_space<vmem>>, vector<10000x1xf32>
    tpu.vector_store %arg10[%swap3A_58, %swap3A_59], %dot_general3A_57 {strides = array<i32>} : memref<10000x1xf32, #tpu.memory_space<vmem>>, vector<10000x1xf32>,
    return
  }
}

</mosaic_0001>

<sc_bundles>
// kernel: sc_degree_count.3.cloned.1.call-start
scs
__scs_entry_jumppad:
0x0: {  	(pc) =	sbr.rel $0x88, $3  }
0x1: {  	(tag) =	ssettag $0x0;
	lr =	simm.s32 $0x1  }
0x2: {  	[smem:$0x3F96] =	sst lr;
	_ =	strace $0xD0000000  }
0x3: {  	_ = 	snop  }
0x4: {  	_ = 	snop  }
0x5: {  	_ = 	snop  }
0x6: {  	_ = 	snop  }
0x7: {  	_ = 	snop  }
__scs_overlays_trampoline_lowered:
0x8: {  	[smem:$0x3FA5] =	sst s0  }
0x9: {  	[smem:$0x3FA6] =	sst s1  }
0xa: {  	[smem:$0x3FA7] =	sst s2  }
0xb: {  	[smem:$0x3FA8] =	sst s3  }
0xc: {  	[smem:$0x3FA9] =	sst s4  }
0xd: {  	[smem:$0x3FAA] =	sst s5  }
0xe: {  	[smem:$0x3FAB] =	sst s6  }
0xf: {  	[smem:$0x3FAC] =	sst s7  }
0x10: {  	[smem:$0x3FAD] =	sst s8  }
0x11: {  	[smem:$0x3FAE] =	sst s9;
	s0 =	simm.s32 @!p0 $0x0  }
0x12: {  	s1 =	sld [smem:$0x3F94];
	s0 =	simm.s32 @p0 $0x1  }
0x13: {  	[smem:$0x3FAF] =	sst s0;
	s0 =	simm.s32 @!p1 $0x0  }
0x14: {  	s2 =	sld [smem:$0x3F93];
	s0 =	simm.s32 @p1 $0x1  }
0x15: {  	[smem:$0x3FB0] =	sst s0;
	s0 =	simm.s32 @!p2 $0x0  }
0x16: {  	s3 =	sld [smem:$0x3FDB];
	s0 =	simm.s32 @p2 $0x1  }
0x17: {  	s4 =	simm.s32 $0x1BF5;
	[smem:$0x3FB2] =	sst s0  }
0x18: {  	s0 =	sld [smem:$0x3F95];
	_ =	swait.ge [sflag:s4], $0x0  }
0x19: {  	s7 =	sld [smem:$0x3F96]  }
0x1a: {  	s8 =	sadd.s32 $0xFFFFE003, lr  }
0x1b: {  	s9 =	sadd.s32 $0xFFFFFEF7, lr;
	s5 =	simm.s32 $0xFFFFFFFF;
	p2 =	slt.u32 s8, $0xFFFFF086  }
0x1c: {  	p1 =	slt.u32 s9, $0xF7A;
	s5 =	simm.s32 @!p2 $0x0  }
0x1d: {  	s5 =	simm.s32 @p1 $0x1;
	p0 =	seq.s32 s7, s2  }
0x1e: {  	s7 =	smul.u32 @!p0 $0xF7A, s2;
	p2 =	seq.s32 @!p0 s5, $0x0  }
0x1f: {  	s9 =	smul.u32 $0xF7A, s1;
	s8 =	simm.s32 @!p0 $0x1BF5;
	p2 =	por !p2, p0  }
0x20: {  	[sflag:s8] =	ssyncset.s32 @!p0 $0xFFFFF086;
	s6 =	sadd.s32 @!p0 s3, s7;
	s7 =	simm.s32 @!p0 $0x108  }
0x21: {  	s3 =	sadd.s32 s3, s9;
	s6 =	sadd.s32 @!p0 $0x88, s6;
	s7 =	simm.s32 @p2 $0x1082  }
0x22: {  	[simem:s7], [sflag:s8] =	dma.local @!p0 [hbm:s6], $0xF7A  }
0x23: {  	s9 =	sor.u32 $0xD0000000, s2;
	s6 =	simm.s32 $0x108;
	_ =	swait.ge @!p0 [sflag:s8], $0x0  }
0x24: {  	s3 =	sadd.s32 $0x88, s3;
	s6 =	simm.s32 @!p1 $0x1082;
	[sflag:s4] =	ssyncset.s32 $0xFFFFF086  }
0x25: {  	[simem:s6], [sflag:s4] =	dma.local [hbm:s3], $0xF7A  }
0x26: {  	[smem:$0x3F96] =	sst s1;
	(tag) =	ssettag s2;
	_ =	strace s9  }
0x27: {  	s1 =	sld [smem:$0x3FA6]  }
0x28: {  	s2 =	sld [smem:$0x3FA7]  }
0x29: {  	s4 =	sld [smem:$0x3FA9]  }
0x2a: {  	p0 =	seq.s32 s5, $0x0;
	s5 =	sld [smem:$0x3FAA]  }
0x2b: {  	s6 =	sld [smem:$0x3FAB]  }
0x2c: {  	s7 =	sld [smem:$0x3FAC]  }
0x2d: {  	s3 =	simm.s32 $0x108;
	s8 =	sld [smem:$0x3FAD]  }
0x2e: {  	s3 =	simm.s32 @!p0 $0x1082;
	s9 =	sld [smem:$0x3FAE]  }
0x2f: {  	lr =	sadd.s32 s0, s3;
	s0 =	sld [smem:$0x3FA5]  }
0x30: {  	s3 =	sld [smem:$0x3FA8]  }
0x31: {  	[smem:$0x3FB1] =	sst s10  }
0x32: {  	s10 =	sld [smem:$0x3FAF];
	_ =	sdelay $0x3  }
0x33: {  	p0 =	seq.s32 s10, $0x1;
	s10 =	sld [smem:$0x3FB1];
	_ =	sdelay $0x3  }
0x34: {  	[smem:$0x3FB1] =	sst s10  }
0x35: {  	s10 =	sld [smem:$0x3FB0];
	_ =	sdelay $0x3  }
0x36: {  	p1 =	seq.s32 s10, $0x1;
	s10 =	sld [smem:$0x3FB1];
	_ =	sdelay $0x3  }
0x37: {  	[smem:$0x3FB1] =	sst s10  }
0x38: {  	s10 =	sld [smem:$0x3FB2]  }
0x39: {  	_ = 	snop;
	(pc) =	sbr.ind lr, $3  }
0x3a: {  	_ = 	snop  }
0x3b: {  	_ = 	snop  }
0x3c: {  	p2 =	seq.s32 s10, $0x1;
	s10 =	sld [smem:$0x3FB1]  }
0x3d: {  	_ =	shalt  }
0x3e: {  	_ =	shalt  }
0x3f: {  	_ =	shalt  }
0x40: {  	_ =	shalt  }
0x41: {  	_ =	shalt  }
0x42: {  	_ =	shalt  }
0x43: {  	_ =	shalt  }
0x44: {  	_ =	shalt  }
0x45: {  	_ =	shalt  }
0x46: {  	_ =	shalt  }
0x47: {  	_ =	shalt  }
0x48: {  	_ =	shalt  }
0x49: {  	_ =	shalt  }
0x4a: {  	_ =	shalt  }
0x4b: {  	_ =	shalt  }
0x4c: {  	_ =	shalt  }
0x4d: {  	_ =	shalt  }
0x4e: {  	_ =	shalt  }
0x4f: {  	_ =	shalt  }
0x50: {  	_ =	shalt  }
0x51: {  	_ =	shalt  }
0x52: {  	_ =	shalt  }
0x53: {  	_ =	shalt  }
0x54: {  	_ =	shalt  }
0x55: {  	_ =	shalt  }
0x56: {  	_ =	shalt  }
0x57: {  	_ =	shalt  }
0x58: {  	_ =	shalt  }
0x59: {  	_ =	shalt  }
0x5a: {  	_ =	shalt  }
0x5b: {  	_ =	shalt  }
0x5c: {  	_ =	shalt  }
0x5d: {  	_ =	shalt  }
0x5e: {  	_ =	shalt  }
0x5f: {  	_ =	shalt  }
0x60: {  	_ =	shalt  }
0x61: {  	_ =	shalt  }
0x62: {  	_ =	shalt  }
0x63: {  	_ =	shalt  }
0x64: {  	_ =	shalt  }
0x65: {  	_ =	shalt  }
0x66: {  	_ =	shalt  }
0x67: {  	_ =	shalt  }
0x68: {  	_ =	shalt  }
0x69: {  	_ =	shalt  }
0x6a: {  	_ =	shalt  }
0x6b: {  	_ =	shalt  }
0x6c: {  	_ =	shalt  }
0x6d: {  	_ =	shalt  }
0x6e: {  	_ =	shalt  }
0x6f: {  	_ =	shalt  }
0x70: {  	_ =	shalt  }
0x71: {  	_ =	shalt  }
0x72: {  	_ =	shalt  }
0x73: {  	_ =	shalt  }
0x74: {  	_ =	shalt  }
0x75: {  	_ =	shalt  }
0x76: {  	_ =	shalt  }
0x77: {  	_ =	shalt  }
0x78: {  	_ =	shalt  }
0x79: {  	_ =	shalt  }
0x7a: {  	_ =	shalt  }
0x7b: {  	_ =	shalt  }
0x7c: {  	_ =	shalt  }
0x7d: {  	_ =	shalt  }
0x7e: {  	_ =	shalt  }
0x7f: {  	_ =	shalt  }
0x80: {  	_ =	shalt  }
0x81: {  	_ =	shalt  }
0x82: {  	_ =	shalt  }
0x83: {  	_ =	shalt  }
0x84: {  	_ =	shalt  }
0x85: {  	_ =	shalt  }
0x86: {  	_ =	shalt  }
0x87: {  	_ =	shalt  }
.Lfunc_end0:
.L_simem_size_0:
called_computation_lowered:
.L_overlay_start_0:
0x88: {  	s2 =	sld [smem:$0x3FD9]  }
0x89: {  	s3 =	sld [smem:$0x3FFE];
	_ =	sdelay $0x1  }
0x8a: {  	s1 =	srdreg.scid  }
0x8b: {  	s0 =	sand.u32 $0x1, s1  }
0x8c: {  	s17 =	sshll.u32 s0, $0xA;
	s2 =	sadd.s32 s3, s2  }
0x8d: {  	s2 =	sadd.s32 s2, s17  }
0x8e: {  	[smem:$0x3FBD] =	sst s2  }
0x8f: {  	_ = 	snop  }
0x90: {  	s18 =	sld [smem:$0x3FD0];
	(tm) =	ssettm $0x1  }
0x91: {  	s19 =	sld [smem:$0x3FFB];
	_ =	sdelay $0x3  }
0x92: {  	_ =	strace s19  }
0x93: {  	s2 =	sld [smem:$0x3FFC];
	_ =	sdelay $0x3  }
0x94: {  	_ =	strace s2  }
0x95: {  	s2 =	sld [smem:$0x3FFD];
	_ =	sdelay $0x3  }
0x96: {  	_ =	strace s2  }
0x97: {  	_ =	strace $0x8FFFFFFF  }
0x98: {  	s20 =	sld [smem:$0x3FDB];
	_ =	sdelay $0x1  }
0x99: {  	s4 =	simm.s32 $_scs_section_size  }
0x9a: {  	s5 =	simm.s32 $_size__tile_overlayer_lowered;
	s6 =	simm.s32 $_tile_overlayer_lowered  }
0x9b: {  	s7 =	simm.s32 $0x1BFF;
	s21 =	sshll.u32 s6, $0x1;
	s4 =	sadd.s32 s4, s20  }
0x9c: {  	s22 =	simm.s32 $0x0;
	s5 =	sshll.u32 s5, $0x1;
	s6 =	sadd.s32 s21, s4  }
0x9d: {  	[timem:s22], [sflag:s7] =	dma.local [hbm:s6], s5  }
0x9e: {  	_ =	swait.ge [sflag:s7], s5  }
0x9f: {  	s5 =	ssub.s32 $0x0, s5;
	[sflag:s7] =	ssyncset.done $0x0  }
0xa0: {  	[sflag:s7] =	ssyncadd.s32 s5;
	_ =	sdelay $0x1  }
0xa1: {  	s23 =	simm.s32 $0x1B8B  }
0xa2: {  	_ =	swait.ge [sflag:s23], $0x1  }
0xa3: {  	[sflag:s23] =	ssyncset.done $0x0  }
0xa4: {  	[sflag:s23] =	ssyncadd.s32 $0xFFFFFFFF  }
0xa5: {  	s5 =	sld [smem:$0x0]  }
0xa6: {  	s6 =	sand.u32 $0xFFFFFFFE, s1  }
0xa7: {  	p0 =	sne.s32 s1, s6  }
0xa8: {  	s6 =	sshll.u32 @p0 s6, $0xE  }
0xa9: {  	s6 =	sadd.s32 @p0 $0x11B8D, s6;
	s7 =	sshll.u32 @p0 s5, $0x11  }
0xaa: {  	s6 =	sor.u32 @p0 s7, s6  }
0xab: {  	[sflag:s6] =	ssyncadd.remote.s32 @p0 $0x1;
	_ =	sdelay $0x1  }
0xac: {  	s6 =	simm.s32 @p0 $0x1B8D  }
0xad: {  	_ =	swait.eq @p0 [sflag:s6], $0x1  }
0xae: {  	[sflag:s6] =	ssyncadd.s32 @p0 $0xFFFFFFFF  }
0xaf: {  	s7 =	sshll.u32 @!p0 s1, $0xE  }
0xb0: {  	s7 =	sor.u32 @!p0 $0x4000, s7;
	s6 =	simm.s32 @!p0 $0x1B8D  }
0xb1: {  	s5 =	sshll.u32 @!p0 s5, $0x11;
	s7 =	sadd.s32 @!p0 $0x11B8D, s7;
	_ =	swait.eq @!p0 [sflag:s6], $0x1  }
0xb2: {  	s5 =	sor.u32 @!p0 s5, s7;
	[sflag:s6] =	ssyncadd.s32 @!p0 $0xFFFFFFFF  }
0xb3: {  	s25 =	simm.s32 $0x1B8E;
	s24 =	sld [smem:$0x3FFE];
	[sflag:s5] =	ssyncadd.remote.s32 @!p0 $0x1  }
0xb4: {  	s26 =	simm.s32 $execute0_lowered;
	[smem:$0x3FD2] =	sst s25  }
0xb5: {  	s6 =	sshll.u32 s26, $0x1;
	_ =	strace $0x80000049;
	[dreg:$0x1] =	wrdreg $0xFFFFFFFF  }
0xb6: {  	s28 =	simm.s32 $_size_execute0_lowered;
	s4 =	sadd.s32 s4, s6;
	[dreg:$0x0] =	wrdreg $0x0  }
0xb7: {  	s6 =	sshll.u32 s28, $0x1;
	[dreg:$0x2] =	wrdreg s4  }
0xb8: {  	[dreg:$0x3] =	wrdreg s6  }
0xb9: {  	[dreg:$0x4] =	wrdreg $0xC0  }
0xba: {  	_ =	task [dreg:s22], $0x5FFFF  }
0xbb: {  	[dreg:$0x1] =	wrdreg $0xFFFFFFFF  }
0xbc: {  	[dreg:$0x0] =	wrdreg $0x60  }
0xbd: {  	[dreg:$0x2] =	wrdreg s24  }
0xbe: {  	[dreg:$0x3] =	wrdreg s18  }
0xbf: {  	[dreg:$0x4] =	wrdreg $0x68000  }
0xc0: {  	[dreg:$0x5] =	wrdreg $0x9  }
0xc1: {  	_ =	task.clear_ibuf [dreg:s22], $0x6FFFF;
	_ =	strace $0x90000049  }
0xc2: {  	s29 =	simm.s32 $0x9;
	_ =	strace $0x8000004B  }
0xc3: {  	_ =	swait.ge [sflag:s29], $0x1  }
0xc4: {  	[sflag:s29] =	ssyncadd.s32 $0xFFFFFFFF  }
0xc5: {  	_ =	strace $0x9000004B  }
0xc6: {  	_ =	sfence  }
0xc7: {  	s30 =	sld [smem:$0x0];
	_ =	sdelay $0x2  }
0xc8: {  	s31 =	sshll.u32 s1, $0xD;
	s1 =	sshrl.u32 s1, $0x2  }
0xc9: {  	s4 =	sand.u32 $0x4000, s31;
	s1 =	sadd.s32 s1, s30  }
0xca: {  	s0 =	sor.u32 s4, s0;
	s1 =	sshll.u32 s1, $0x11  }
0xcb: {  	s0 =	sor.u32 s1, s0  }
0xcc: {  	s0 =	sadd.s32 $0x8F2B, s0  }
0xcd: {  	[sflag:s0] =	ssyncadd.remote.s32 $0x1  }
0xce: {  	_ =	sfence.sel $0xFFFF  }
0xcf: {  	[dreg:$0x0] =	wrdreg $0xFFFFFFFF;
	(pc) =	sbr.abs _section_cstart, $3  }
0xd0: {  	[dreg:$0x1] =	wrdreg $0xFFFFFFFF  }
0xd1: {  	_ =	task.clear_ibuf [dreg:s22], $0x2FFFF;
	_ =	strace $0x9FFFFFFF  }
0xd2: {  	(tm) =	ssettm $0x7FFFFFFF  }
0xd3: {  	_ =	shalt  }
tec
execute0_lowered:
.L_overlay_start_1:
0x0: {  	(tag) =	ssettag $0x1  }
0x1: {  	s6 =	rddreg [dreg:$0x0]  }
0x2: {  	s2 =	rddreg [dreg:$0x1]  }
0x3: {  	s0 =	srdreg.scid;
	s3 =	rddreg [dreg:$0x2];
	s4 =	simm.s32 $0x0  }
0x4: {  	s13 =	simm.s32 $0x80;
	s5 =	sand.u32 $0x1, s0;
	s0 =	stileid.u32  }
0x5: {  	s14 =	simm.s32 $0x0;
	[smem:$0x7FF] =	sst s4;
	s8 =	smul.u32 $0x13C00, s0  }
0x6: {  	s1 =	sshll.u32 s5, $0x4;
	s9 =	smul.u32 $0x13C000, s5;
	s5 =	ssub.s32 $0x2, s5  }
0x7: {  	s29 =	smul.u32 $0x4F000, s0;
	s31 =	sshll.u32 s0, $0x6;
	s1 =	sor.u32 s0, s1  }
0x8: {  	s11 =	sshrl.u32 s5, $0x1;
	s7 =	smul.u32 $0x500, s1;
	s1 =	rddreg [dreg:$0x3]  }
0x9: {  	_ =	strace $0x8000004A;
	s10 =	sshrl.u32 s8, $0x3;
	s8 =	sadd.s32 s8, s9  }
0xa: {  	s11 =	ssub.s32 s5, s11;
	s30 =	sshrl.u32 s29, $0x2;
	s9 =	simm.s32 $0x1  }
0xb: {  	s10 =	sadd.s32 s10, s6;
	s8 =	sshrl.u32 s8, $0x3;
	s12 =	sadd.s32 s30, s3  }
0xc: {  	s7 =	sadd.s32 s7, s6;
	s8 =	sadd.s32 s8, s6;
	s6 =	sadd.s32 $0x2AE00, s10  }
0xd: {  	s10 =	simm.s32 $0x2800;
	s12 =	sshrl.u32 s12, $0x3;
	s5 =	sadd.s32 $0xA1600, s7  }
0xe: {  	s7 =	sadd.s32 $0xAB600, s8;
	s8 =	smax.u32 s11, $0x1;
	s11 =	sor.u32 $0x1C01, s31  }
.LBB2_1:
0xf: {  	[tilespmem:s4], [sflag:$0x1] =	stream.linear.gather [hbm4b:s5+s4], $0x2780, $0x38;
	[tilespmem:$0x1A400] =	vst v63  }
0x10: {  	_ =	swait.ge [sflag:s9], $0x2780  }
0x11: {  	[sflag:s9] =	ssyncset.done $0x0  }
0x12: {  	[sflag:s9] =	ssyncadd.s32 $0xFFFFD880  }
0x13: {  	[tilespmem:s10], [sflag:$0x1] =	stream.linear.gather [hbm4b:s2+s4], $0x4000, $0x38;
	[tilespmem:$0x1A400] =	vst v63  }
0x14: {  	_ =	swait.ge [sflag:s9], $0x4000  }
0x15: {  	[sflag:s9] =	ssyncset.done $0x0  }
0x16: {  	[sflag:s9] =	ssyncadd.s32 $0xFFFFC000  }
0x17: {  	[spmem:s12], [sflag:s11] =	dma.local [hbm:s6], $0x2780  }
0x18: {  	_ =	swait.ge [sflag:s9], $0x2780  }
0x19: {  	[sflag:s9] =	ssyncset.done $0x0  }
0x1a: {  	[sflag:s9] =	ssyncadd.s32 $0xFFFFD880  }
0x1b: {  	s15 =	simm.s32 $0x0;
	[bflag:$0x0] =	sbarrier.arrive $0xFFFF  }
0x1c: {  	[spmem:s3] =	stream.indirect.scatter.add.f32 [tilespmem:s10], [sflag:$0x1], $0x80, s15, s13, $0xb8;
	[tilespmem:$0x1A400] =	vst v63  }
0x1d: {  	_ =	swait.ge [sflag:s9], $0x4000  }
0x1e: {  	s15 =	simm.s32 $0x200;
	[sflag:s9] =	ssyncset.done $0x0  }
.LBB2_2:
0x1f: {  	s16 =	sshra.s32 s15, $0x2;
	[sflag:s9] =	ssyncadd.s32 $0xFFFFC000;
	p0 =	sne.s32 s15, $0x9C00  }
0x20: {  	[spmem:s3] =	stream.indirect.scatter.add.f32 [tilespmem:s10], [sflag:$0x1], $0x80, s16, s13, $0xb8;
	[tilespmem:$0x1A400] =	vst v63  }
.Ltmp0:
0x21: {  	_ = 	snop;
	(pc) =	sbr.rel @p0 .LBB2_2-.Ltmp0, $4  }
0x22: {  	_ = 	snop  }
0x23: {  	s15 =	sadd.s32 $0x200, s15  }
0x24: {  	_ =	swait.ge [sflag:s9], $0x4000  }
0x25: {  	[sflag:s9] =	ssyncset.done $0x0  }
0x26: {  	s14 =	sadd.s32 $0x1, s14  }
0x27: {  	[sflag:s9] =	ssyncadd.s32 $0xFFFFC000;
	p0 =	sne.s32 s14, s8  }
.Ltmp1:
0x28: {  	[bflag:$0x0] =	sbarrier.arrive $0xFFFF;
	(pc) =	sbr.rel @p0 .LBB2_1-.Ltmp1, $4  }
0x29: {  	[hbm:s7], [sflag:s11] =	dma.local [spmem:s12], $0x2780  }
0x2a: {  	_ =	swait.ge [sflag:s9], $0x2780  }
0x2b: {  	[sflag:s9] =	ssyncset.done $0x0  }
0x2c: {  	[sflag:s9] =	ssyncadd.s32 $0xFFFFD880  }
0x2d: {  	_ =	sfence.sel $0x180000  }
0x2e: {  	[bflag:$0x0] =	sbarrier.arrive $0xFFFF  }
0x2f: {  	p0 =	sne.s32 s0, $0x0;
	_ =	strace $0x9000004A  }
0x30: {  	s0 =	sadd.s32 @!p0 $0x100000, s1;
	[bflag:$0x2] =	sbarrier.arrive $0xFFFF  }
0x31: {  	[sflag:s0] =	ssyncadd.tile.s32 @!p0 $0x1;
	_ =	shalt  }
.Lfunc_end2:
_tile_overlayer_lowered:
.L_overlay_start_2:
0x32: {  	(tag) =	ssettag $0x2  }
0x33: {  	s0 =	rddreg [dreg:$0x0];
	s2 =	stileid.u32  }
0x34: {  	s1 =	rddreg [dreg:$0x1];
	p0 =	sne.s32 s2, $0x0  }
0x35: {  	s3 =	rddreg [dreg:$0x2];
	[bflag:$0x3] =	sbarrier.arrive $0xFFFF;
	s2 =	simm.s32 @!p0 $0x1C01  }
0x36: {  	[timem:s3], [sflag:s2] =	dma.local @!p0 [hbm:s0], s1  }
0x37: {  	s0 =	simm.s32 @!p0 $0x1  }
0x38: {  	_ =	swait.ge @!p0 [sflag:s0], s1  }
0x39: {  	s1 =	ssub.s32 @!p0 $0x0, s1;
	[sflag:s0] =	ssyncset.done @!p0 $0x0  }
0x3a: {  	[sflag:s0] =	ssyncadd.s32 @!p0 s1  }
0x3b: {  	[bflag:$0x3] =	sbarrier.arrive $0xFFFF  }
0x3c: {  	_ =	shalt  }

// kernel: sc_link_sigmoid.3.cloned.1.call-start
scs
__scs_entry_jumppad:
0x0: {  	(pc) =	sbr.rel $0x88, $3  }
0x1: {  	(tag) =	ssettag $0x0;
	lr =	simm.s32 $0x1  }
0x2: {  	[smem:$0x3F96] =	sst lr;
	_ =	strace $0xD0000000  }
0x3: {  	_ = 	snop  }
0x4: {  	_ = 	snop  }
0x5: {  	_ = 	snop  }
0x6: {  	_ = 	snop  }
0x7: {  	_ = 	snop  }
__scs_overlays_trampoline_lowered:
0x8: {  	[smem:$0x3FA5] =	sst s0  }
0x9: {  	[smem:$0x3FA6] =	sst s1  }
0xa: {  	[smem:$0x3FA7] =	sst s2  }
0xb: {  	[smem:$0x3FA8] =	sst s3  }
0xc: {  	[smem:$0x3FA9] =	sst s4  }
0xd: {  	[smem:$0x3FAA] =	sst s5  }
0xe: {  	[smem:$0x3FAB] =	sst s6  }
0xf: {  	[smem:$0x3FAC] =	sst s7  }
0x10: {  	[smem:$0x3FAD] =	sst s8  }
0x11: {  	[smem:$0x3FAE] =	sst s9;
	s0 =	simm.s32 @!p0 $0x0  }
0x12: {  	s1 =	sld [smem:$0x3F94];
	s0 =	simm.s32 @p0 $0x1  }
0x13: {  	[smem:$0x3FAF] =	sst s0;
	s0 =	simm.s32 @!p1 $0x0  }
0x14: {  	s2 =	sld [smem:$0x3F93];
	s0 =	simm.s32 @p1 $0x1  }
0x15: {  	[smem:$0x3FB0] =	sst s0;
	s0 =	simm.s32 @!p2 $0x0  }
0x16: {  	s3 =	sld [smem:$0x3FDB];
	s0 =	simm.s32 @p2 $0x1  }
0x17: {  	s4 =	simm.s32 $0x1BF5;
	[smem:$0x3FB2] =	sst s0  }
0x18: {  	s0 =	sld [smem:$0x3F95];
	_ =	swait.ge [sflag:s4], $0x0  }
0x19: {  	s7 =	sld [smem:$0x3F96]  }
0x1a: {  	s8 =	sadd.s32 $0xFFFFE003, lr  }
0x1b: {  	s9 =	sadd.s32 $0xFFFFFEF7, lr;
	s5 =	simm.s32 $0xFFFFFFFF;
	p2 =	slt.u32 s8, $0xFFFFF086  }
0x1c: {  	p1 =	slt.u32 s9, $0xF7A;
	s5 =	simm.s32 @!p2 $0x0  }
0x1d: {  	s5 =	simm.s32 @p1 $0x1;
	p0 =	seq.s32 s7, s2  }
0x1e: {  	s7 =	smul.u32 @!p0 $0xF7A, s2;
	p2 =	seq.s32 @!p0 s5, $0x0  }
0x1f: {  	s9 =	smul.u32 $0xF7A, s1;
	s8 =	simm.s32 @!p0 $0x1BF5;
	p2 =	por !p2, p0  }
0x20: {  	[sflag:s8] =	ssyncset.s32 @!p0 $0xFFFFF086;
	s6 =	sadd.s32 @!p0 s3, s7;
	s7 =	simm.s32 @!p0 $0x108  }
0x21: {  	s3 =	sadd.s32 s3, s9;
	s6 =	sadd.s32 @!p0 $0x88, s6;
	s7 =	simm.s32 @p2 $0x1082  }
0x22: {  	[simem:s7], [sflag:s8] =	dma.local @!p0 [hbm:s6], $0xF7A  }
0x23: {  	s9 =	sor.u32 $0xD0000000, s2;
	s6 =	simm.s32 $0x108;
	_ =	swait.ge @!p0 [sflag:s8], $0x0  }
0x24: {  	s3 =	sadd.s32 $0x88, s3;
	s6 =	simm.s32 @!p1 $0x1082;
	[sflag:s4] =	ssyncset.s32 $0xFFFFF086  }
0x25: {  	[simem:s6], [sflag:s4] =	dma.local [hbm:s3], $0xF7A  }
0x26: {  	[smem:$0x3F96] =	sst s1;
	(tag) =	ssettag s2;
	_ =	strace s9  }
0x27: {  	s1 =	sld [smem:$0x3FA6]  }
0x28: {  	s2 =	sld [smem:$0x3FA7]  }
0x29: {  	s4 =	sld [smem:$0x3FA9]  }
0x2a: {  	p0 =	seq.s32 s5, $0x0;
	s5 =	sld [smem:$0x3FAA]  }
0x2b: {  	s6 =	sld [smem:$0x3FAB]  }
0x2c: {  	s7 =	sld [smem:$0x3FAC]  }
0x2d: {  	s3 =	simm.s32 $0x108;
	s8 =	sld [smem:$0x3FAD]  }
0x2e: {  	s3 =	simm.s32 @!p0 $0x1082;
	s9 =	sld [smem:$0x3FAE]  }
0x2f: {  	lr =	sadd.s32 s0, s3;
	s0 =	sld [smem:$0x3FA5]  }
0x30: {  	s3 =	sld [smem:$0x3FA8]  }
0x31: {  	[smem:$0x3FB1] =	sst s10  }
0x32: {  	s10 =	sld [smem:$0x3FAF];
	_ =	sdelay $0x3  }
0x33: {  	p0 =	seq.s32 s10, $0x1;
	s10 =	sld [smem:$0x3FB1];
	_ =	sdelay $0x3  }
0x34: {  	[smem:$0x3FB1] =	sst s10  }
0x35: {  	s10 =	sld [smem:$0x3FB0];
	_ =	sdelay $0x3  }
0x36: {  	p1 =	seq.s32 s10, $0x1;
	s10 =	sld [smem:$0x3FB1];
	_ =	sdelay $0x3  }
0x37: {  	[smem:$0x3FB1] =	sst s10  }
0x38: {  	s10 =	sld [smem:$0x3FB2]  }
0x39: {  	_ = 	snop;
	(pc) =	sbr.ind lr, $3  }
0x3a: {  	_ = 	snop  }
0x3b: {  	_ = 	snop  }
0x3c: {  	p2 =	seq.s32 s10, $0x1;
	s10 =	sld [smem:$0x3FB1]  }
0x3d: {  	_ =	shalt  }
0x3e: {  	_ =	shalt  }
0x3f: {  	_ =	shalt  }
0x40: {  	_ =	shalt  }
0x41: {  	_ =	shalt  }
0x42: {  	_ =	shalt  }
0x43: {  	_ =	shalt  }
0x44: {  	_ =	shalt  }
0x45: {  	_ =	shalt  }
0x46: {  	_ =	shalt  }
0x47: {  	_ =	shalt  }
0x48: {  	_ =	shalt  }
0x49: {  	_ =	shalt  }
0x4a: {  	_ =	shalt  }
0x4b: {  	_ =	shalt  }
0x4c: {  	_ =	shalt  }
0x4d: {  	_ =	shalt  }
0x4e: {  	_ =	shalt  }
0x4f: {  	_ =	shalt  }
0x50: {  	_ =	shalt  }
0x51: {  	_ =	shalt  }
0x52: {  	_ =	shalt  }
0x53: {  	_ =	shalt  }
0x54: {  	_ =	shalt  }
0x55: {  	_ =	shalt  }
0x56: {  	_ =	shalt  }
0x57: {  	_ =	shalt  }
0x58: {  	_ =	shalt  }
0x59: {  	_ =	shalt  }
0x5a: {  	_ =	shalt  }
0x5b: {  	_ =	shalt  }
0x5c: {  	_ =	shalt  }
0x5d: {  	_ =	shalt  }
0x5e: {  	_ =	shalt  }
0x5f: {  	_ =	shalt  }
0x60: {  	_ =	shalt  }
0x61: {  	_ =	shalt  }
0x62: {  	_ =	shalt  }
0x63: {  	_ =	shalt  }
0x64: {  	_ =	shalt  }
0x65: {  	_ =	shalt  }
0x66: {  	_ =	shalt  }
0x67: {  	_ =	shalt  }
0x68: {  	_ =	shalt  }
0x69: {  	_ =	shalt  }
0x6a: {  	_ =	shalt  }
0x6b: {  	_ =	shalt  }
0x6c: {  	_ =	shalt  }
0x6d: {  	_ =	shalt  }
0x6e: {  	_ =	shalt  }
0x6f: {  	_ =	shalt  }
0x70: {  	_ =	shalt  }
0x71: {  	_ =	shalt  }
0x72: {  	_ =	shalt  }
0x73: {  	_ =	shalt  }
0x74: {  	_ =	shalt  }
0x75: {  	_ =	shalt  }
0x76: {  	_ =	shalt  }
0x77: {  	_ =	shalt  }
0x78: {  	_ =	shalt  }
0x79: {  	_ =	shalt  }
0x7a: {  	_ =	shalt  }
0x7b: {  	_ =	shalt  }
0x7c: {  	_ =	shalt  }
0x7d: {  	_ =	shalt  }
0x7e: {  	_ =	shalt  }
0x7f: {  	_ =	shalt  }
0x80: {  	_ =	shalt  }
0x81: {  	_ =	shalt  }
0x82: {  	_ =	shalt  }
0x83: {  	_ =	shalt  }
0x84: {  	_ =	shalt  }
0x85: {  	_ =	shalt  }
0x86: {  	_ =	shalt  }
0x87: {  	_ =	shalt  }
.Lfunc_end0:
.L_simem_size_0:
called_computation.3_lowered:
.L_overlay_start_0:
0x88: {  	s2 =	sld [smem:$0x3FD9]  }
0x89: {  	s3 =	sld [smem:$0x3FFE];
	_ =	sdelay $0x1  }
0x8a: {  	s1 =	srdreg.scid  }
0x8b: {  	s0 =	sand.u32 $0x1, s1  }
0x8c: {  	s17 =	sshll.u32 s0, $0xA;
	s2 =	sadd.s32 s3, s2  }
0x8d: {  	s2 =	sadd.s32 s2, s17  }
0x8e: {  	[smem:$0x3FBD] =	sst s2  }
0x8f: {  	_ = 	snop  }
0x90: {  	s2 =	sld [smem:$0x3FD0];
	(tm) =	ssettm $0x1  }
0x91: {  	s18 =	sld [smem:$0x3FFB];
	_ =	sdelay $0x3  }
0x92: {  	_ =	strace s18  }
0x93: {  	s3 =	sld [smem:$0x3FFC];
	_ =	sdelay $0x3  }
0x94: {  	_ =	strace s3  }
0x95: {  	s3 =	sld [smem:$0x3FFD];
	_ =	sdelay $0x3  }
0x96: {  	_ =	strace s3  }
0x97: {  	_ =	strace $0x8FFFFFFF  }
0x98: {  	s19 =	sld [smem:$0x3FDB];
	_ =	sdelay $0x1  }
0x99: {  	s4 =	simm.s32 $_scs_section_size  }
0x9a: {  	s5 =	simm.s32 $_size__tile_overlayer_lowered;
	s6 =	simm.s32 $_tile_overlayer_lowered  }
0x9b: {  	s22 =	simm.s32 $0x1BFF;
	s21 =	sshll.u32 s6, $0x1;
	s3 =	sadd.s32 s4, s19  }
0x9c: {  	s7 =	simm.s32 $0x0;
	s20 =	sshll.u32 s5, $0x1;
	s5 =	sadd.s32 s21, s3  }
0x9d: {  	[timem:s7], [sflag:s22] =	dma.local [hbm:s5], s20  }
0x9e: {  	_ =	swait.ge [sflag:s22], s20  }
0x9f: {  	s4 =	ssub.s32 $0x0, s20;
	[sflag:s22] =	ssyncset.done $0x0  }
0xa0: {  	[sflag:s22] =	ssyncadd.s32 s4;
	_ =	sdelay $0x1  }
0xa1: {  	s23 =	simm.s32 $0x1B8B  }
0xa2: {  	_ =	swait.ge [sflag:s23], $0x1  }
0xa3: {  	[sflag:s23] =	ssyncset.done $0x0  }
0xa4: {  	s25 =	simm.s32 $0x1B8E;
	s24 =	sld [smem:$0x3FFE];
	[sflag:s23] =	ssyncadd.s32 $0xFFFFFFFF  }
0xa5: {  	s26 =	simm.s32 $execute0_lowered;
	[smem:$0x3FD2] =	sst s25  }
0xa6: {  	s5 =	sshll.u32 s26, $0x1;
	_ =	strace $0x8000004F;
	[dreg:$0x1] =	wrdreg $0xFFFFFFFF  }
0xa7: {  	s28 =	simm.s32 $_size_execute0_lowered;
	s3 =	sadd.s32 s3, s5;
	[dreg:$0x0] =	wrdreg $0x0  }
0xa8: {  	s5 =	sshll.u32 s28, $0x1;
	[dreg:$0x2] =	wrdreg s3  }
0xa9: {  	[dreg:$0x3] =	wrdreg s5  }
0xaa: {  	[dreg:$0x4] =	wrdreg $0xC0  }
0xab: {  	_ =	task [dreg:s7], $0x5FFFF  }
0xac: {  	[dreg:$0x1] =	wrdreg $0xFFFFFFFF  }
0xad: {  	[dreg:$0x0] =	wrdreg $0x60  }
0xae: {  	[dreg:$0x2] =	wrdreg s2  }
0xaf: {  	[dreg:$0x3] =	wrdreg s24  }
0xb0: {  	[dreg:$0x4] =	wrdreg $0x9  }
0xb1: {  	_ =	task.clear_ibuf [dreg:s7], $0x5FFFF;
	_ =	strace $0x9000004F  }
0xb2: {  	s29 =	simm.s32 $0x9;
	_ =	strace $0x80000051  }
0xb3: {  	_ =	swait.ge [sflag:s29], $0x1  }
0xb4: {  	[sflag:s29] =	ssyncadd.s32 $0xFFFFFFFF  }
0xb5: {  	_ =	strace $0x90000051  }
0xb6: {  	_ =	sfence  }
0xb7: {  	s30 =	sld [smem:$0x0];
	_ =	sdelay $0x2  }
0xb8: {  	s31 =	sshll.u32 s1, $0xD;
	s1 =	sshrl.u32 s1, $0x2  }
0xb9: {  	s3 =	sand.u32 $0x4000, s31;
	s1 =	sadd.s32 s1, s30  }
0xba: {  	s0 =	sor.u32 s3, s0;
	s1 =	sshll.u32 s1, $0x11  }
0xbb: {  	s0 =	sor.u32 s1, s0  }
0xbc: {  	s0 =	sadd.s32 $0x8F2B, s0  }
0xbd: {  	[sflag:s0] =	ssyncadd.remote.s32 $0x1  }
0xbe: {  	_ =	sfence.sel $0xFFFF  }
0xbf: {  	[dreg:$0x0] =	wrdreg $0xFFFFFFFF;
	(pc) =	sbr.abs _section_cstart, $3  }
0xc0: {  	[dreg:$0x1] =	wrdreg $0xFFFFFFFF  }
0xc1: {  	_ =	task.clear_ibuf [dreg:s7], $0x2FFFF;
	_ =	strace $0x9FFFFFFF  }
0xc2: {  	(tm) =	ssettm $0x7FFFFFFF  }
0xc3: {  	_ =	shalt  }
tec
execute0_lowered:
.L_overlay_start_1:
0x0: {  	(tag) =	ssettag $0x1  }
0x1: {  	s0 =	srdreg.scid;
	s2 =	rddreg [dreg:$0x0]  }
0x2: {  	s5 =	rddreg [dreg:$0x1];
	s4 =	sand.u32 $0x1, s0  }
0x3: {  	s3 =	simm.s32 $0x0;
	s0 =	stileid.u32;
	s1 =	sshll.u32 s4, $0x4  }
0x4: {  	s10 =	simm.s32 $0x2800;
	s11 =	simm.s32 $0x80;
	s1 =	sor.u32 s0, s1  }
0x5: {  	s12 =	simm.s32 $0x400;
	s13 =	simm.s32 $0x5000;
	s1 =	sshrl.u32 s1, $0x3  }
0x6: {  	s14 =	simm.s32 $0x5C80;
	s7 =	sshll.u32 s0, $0x7;
	s6 =	smul.u32 $0x6400, s1  }
0x7: {  	s15 =	simm.s32 $0x6900;
	s16 =	simm.s32 $0x0;
	s7 =	sand.u32 $0x380, s7  }
0x8: {  	[smem:$0x7FF] =	sst s3;
	s31 =	ssub.s32 $0x2, s4;
	s6 =	sor.u32 s7, s6  }
0x9: {  	s4 =	sadd.s32 $0xE00, s5;
	s8 =	sshrl.u32 s31, $0x1;
	s6 =	sshrl.u32 s6, $0x3  }
0xa: {  	s8 =	ssub.s32 s31, s8;
	s1 =	rddreg [dreg:$0x2];
	s9 =	sadd.s32 s6, s5  }
0xb: {  	_ =	strace $0x80000050;
	s8 =	smax.u32 s8, $0x1;
	s5 =	sadd.s32 $0x79800, s9  }
0xc: {  	s6 =	sadd.s32 $0x7CA00, s9;
	s7 =	sadd.s32 $0x1400, s9;
	s9 =	simm.s32 $0x1  }
.LBB2_1:
0xd: {  	[tilespmem:s3], [sflag:$0x1] =	stream.linear.gather [hbm4b:s2+s3], $0x2780, $0x38;
	[tilespmem:$0x7580] =	vst v63  }
0xe: {  	_ =	swait.ge [sflag:s9], $0x2780  }
0xf: {  	[sflag:s9] =	ssyncset.done $0x0  }
0x10: {  	[sflag:s9] =	ssyncadd.s32 $0xFFFFD880  }
0x11: {  	[tilespmem:s10], [sflag:$0x1] =	stream.linear.gather [hbm4b:s4+s3], $0x2780, $0x38;
	[tilespmem:$0x7580] =	vst v63  }
0x12: {  	_ =	swait.ge [sflag:s9], $0x2780  }
0x13: {  	[sflag:s9] =	ssyncset.done $0x0  }
0x14: {  	[sflag:s9] =	ssyncadd.s32 $0xFFFFD880  }
0x15: {  	[tilespmem:s13], [sflag:$0x1] =	stream.strided.gather [hbm4b:s5+s11], $0xC80, s12, s11, $0x38;
	[tilespmem:$0x7580] =	vst v63  }
0x16: {  	_ =	swait.ge [sflag:s9], $0xC80  }
0x17: {  	[sflag:s9] =	ssyncset.done $0x0  }
0x18: {  	[sflag:s9] =	ssyncadd.s32 $0xFFFFF380  }
0x19: {  	[tilespmem:s14], [sflag:$0x1] =	stream.strided.gather [hbm4b:s6+s11], $0xC80, s12, s11, $0x38;
	[tilespmem:$0x7580] =	vst v63  }
0x1a: {  	_ =	swait.ge [sflag:s9], $0xC80  }
0x1b: {  	[sflag:s9] =	ssyncset.done $0x0  }
0x1c: {  	s17 =	simm.s32 $0x0;
	[sflag:s9] =	ssyncadd.s32 $0xFFFFF380  }
0x1d: {  	v0 =	vld [tilespmem:s17+$0x5C80]  }
0x1e: {  	v1 =	vld [tilespmem:s17+$0x5000];
	_ =	sdelay $0x6  }
0x1f: {  	v0 =	vld.idx.msk [tilespmem:v0+s10+$0x0], $0xffff  }
0x20: {  	v1 =	vld.idx.msk [tilespmem:v1+s3+$0x0], $0xffff;
	_ =	sdelay $0x4  }
0x21: {  	v0 =	vadd.f32 v0, v1;
	_ =	sdelay $0x1  }
0x22: {  	v0 =	vsub.f32 $0.0e+00, v0;
	_ =	sdelay $0x1  }
0x23: {  	v0 =	vmul.f32 $1.442695020e+00, v0;
	_ =	sdelay $0x1  }
0x24: {  	(erf) = vpow2.f32 v0;
	_ =	sdelay $0x8  }
0x25: {  	v0 =	vpop (erf)  }
0x26: {  	v0 =	vadd.f32 $1.000000000e+00, v0;
	_ =	sdelay $0x1  }
0x27: {  	(erf) = vrcp.f32 v0;
	_ =	sdelay $0x1  }
0x28: {  	s19 =	simm.s32 $0x10  }
0x29: {  	s18 =	simm.s32 $0x80;
	v0 =	vld [tilespmem:s19+$0x5C80]  }
.LBB2_2:
0x2a: {  	p0 =	sne.s32 s18, $0x30C0;
	v1 =	vld [tilespmem:s19+$0x5000];
	_ =	sdelay $0x4  }
0x2b: {  	v2 =	vpop (erf)  }
0x2c: {  	[tilespmem:s17+$0x6900] =	vst v2;
	s17 =	smov.u32 s19  }
0x2d: {  	v0 =	vld.idx.msk [tilespmem:v0+s10+$0x0], $0xffff  }
0x2e: {  	v1 =	vld.idx.msk [tilespmem:v1+s3+$0x0], $0xffff;
	_ =	sdelay $0x5  }
0x2f: {  	v0 =	vadd.f32 v0, v1;
	_ =	sdelay $0x1  }
0x30: {  	v0 =	vsub.f32 $0.0e+00, v0;
	_ =	sdelay $0x1  }
0x31: {  	v0 =	vmul.f32 $1.442695020e+00, v0;
	_ =	sdelay $0x1  }
0x32: {  	(erf) = vpow2.f32 v0;
	_ =	sdelay $0x8  }
0x33: {  	v0 =	vpop (erf)  }
0x34: {  	v0 =	vadd.f32 $1.000000000e+00, v0  }
.Ltmp0:
0x35: {  	(pc) =	sbr.rel @p0 .LBB2_2-.Ltmp0, $3  }
0x36: {  	(erf) = vrcp.f32 v0;
	_ =	sdelay $0x1  }
0x37: {  	s19 =	sshra.s32 s18, $0x2  }
0x38: {  	s18 =	sadd.s32 $0x40, s18;
	v0 =	vld [tilespmem:s19+$0x5C80]  }
0x39: {  	_ = 	snop  }
0x3a: {  	v1 =	vld [tilespmem:s19+$0x5000];
	_ =	sdelay $0x4  }
0x3b: {  	v2 =	vpop (erf)  }
0x3c: {  	[tilespmem:s17+$0x6900] =	vst v2  }
0x3d: {  	v0 =	vld.idx.msk [tilespmem:v0+s10+$0x0], $0xffff  }
0x3e: {  	v1 =	vld.idx.msk [tilespmem:v1+s3+$0x0], $0xffff;
	_ =	sdelay $0x4  }
0x3f: {  	v0 =	vadd.f32 v0, v1;
	_ =	sdelay $0x1  }
0x40: {  	v0 =	vsub.f32 $0.0e+00, v0;
	_ =	sdelay $0x1  }
0x41: {  	v0 =	vmul.f32 $1.442695020e+00, v0;
	_ =	sdelay $0x1  }
0x42: {  	(erf) = vpow2.f32 v0;
	_ =	sdelay $0x8  }
0x43: {  	v0 =	vpop (erf)  }
0x44: {  	v0 =	vadd.f32 $1.000000000e+00, v0;
	_ =	sdelay $0x1  }
0x45: {  	(erf) = vrcp.f32 v0;
	_ =	sdelay $0x7  }
0x46: {  	s16 =	sadd.s32 $0x1, s16  }
0x47: {  	p0 =	sne.s32 s16, s8;
	v0 =	vpop (erf)  }
.Ltmp1:
0x48: {  	[tilespmem:s19+$0x6900] =	vst v0;
	(pc) =	sbr.rel @p0 .LBB2_1-.Ltmp1, $4  }
0x49: {  	[hbm4b:s7+s11] =	stream.strided.scatter [tilespmem:s15], [sflag:$0x1], $0xC80, s12, s11, $0x38;
	[tilespmem:$0x7580] =	vst v63  }
0x4a: {  	_ =	swait.ge [sflag:s9], $0xC80  }
0x4b: {  	[sflag:s9] =	ssyncset.done $0x0  }
0x4c: {  	[sflag:s9] =	ssyncadd.s32 $0xFFFFF380  }
0x4d: {  	_ =	sfence.sel $0x180000  }
0x4e: {  	[bflag:$0x0] =	sbarrier.arrive $0xFFFF  }
0x4f: {  	p0 =	sne.s32 s0, $0x0;
	_ =	strace $0x90000050  }
0x50: {  	s0 =	sadd.s32 @!p0 $0x100000, s1;
	[bflag:$0x2] =	sbarrier.arrive $0xFFFF  }
0x51: {  	[sflag:s0] =	ssyncadd.tile.s32 @!p0 $0x1;
	_ =	shalt  }
.Lfunc_end2:
_tile_overlayer_lowered:
.L_overlay_start_2:
0x52: {  	(tag) =	ssettag $0x2  }
0x53: {  	s0 =	rddreg [dreg:$0x0];
	s2 =	stileid.u32  }
0x54: {  	s1 =	rddreg [dreg:$0x1];
	p0 =	sne.s32 s2, $0x0  }
0x55: {  	s3 =	rddreg [dreg:$0x2];
	[bflag:$0x3] =	sbarrier.arrive $0xFFFF;
	s2 =	simm.s32 @!p0 $0x1C01  }
0x56: {  	[timem:s3], [sflag:s2] =	dma.local @!p0 [hbm:s0], s1  }
0x57: {  	s0 =	simm.s32 @!p0 $0x1  }
0x58: {  	_ =	swait.ge @!p0 [sflag:s0], s1  }
0x59: {  	s1 =	ssub.s32 @!p0 $0x0, s1;
	[sflag:s0] =	ssyncset.done @!p0 $0x0  }
0x5a: {  	[sflag:s0] =	ssyncadd.s32 @!p0 s1  }
0x5b: {  	[bflag:$0x3] =	sbarrier.arrive $0xFFFF  }
0x5c: {  	_ =	shalt  }

// kernel: sc_segment_sum.4.cloned.1.call-start
scs
__scs_entry_jumppad:
0x0: {  	(pc) =	sbr.rel $0x88, $3  }
0x1: {  	(tag) =	ssettag $0x0;
	lr =	simm.s32 $0x1  }
0x2: {  	[smem:$0x3F96] =	sst lr;
	_ =	strace $0xD0000000  }
0x3: {  	_ = 	snop  }
0x4: {  	_ = 	snop  }
0x5: {  	_ = 	snop  }
0x6: {  	_ = 	snop  }
0x7: {  	_ = 	snop  }
__scs_overlays_trampoline_lowered:
0x8: {  	[smem:$0x3FA5] =	sst s0  }
0x9: {  	[smem:$0x3FA6] =	sst s1  }
0xa: {  	[smem:$0x3FA7] =	sst s2  }
0xb: {  	[smem:$0x3FA8] =	sst s3  }
0xc: {  	[smem:$0x3FA9] =	sst s4  }
0xd: {  	[smem:$0x3FAA] =	sst s5  }
0xe: {  	[smem:$0x3FAB] =	sst s6  }
0xf: {  	[smem:$0x3FAC] =	sst s7  }
0x10: {  	[smem:$0x3FAD] =	sst s8  }
0x11: {  	[smem:$0x3FAE] =	sst s9;
	s0 =	simm.s32 @!p0 $0x0  }
0x12: {  	s1 =	sld [smem:$0x3F94];
	s0 =	simm.s32 @p0 $0x1  }
0x13: {  	[smem:$0x3FAF] =	sst s0;
	s0 =	simm.s32 @!p1 $0x0  }
0x14: {  	s2 =	sld [smem:$0x3F93];
	s0 =	simm.s32 @p1 $0x1  }
0x15: {  	[smem:$0x3FB0] =	sst s0;
	s0 =	simm.s32 @!p2 $0x0  }
0x16: {  	s3 =	sld [smem:$0x3FDB];
	s0 =	simm.s32 @p2 $0x1  }
0x17: {  	s4 =	simm.s32 $0x1BF5;
	[smem:$0x3FB2] =	sst s0  }
0x18: {  	s0 =	sld [smem:$0x3F95];
	_ =	swait.ge [sflag:s4], $0x0  }
0x19: {  	s7 =	sld [smem:$0x3F96]  }
0x1a: {  	s8 =	sadd.s32 $0xFFFFE003, lr  }
0x1b: {  	s9 =	sadd.s32 $0xFFFFFEF7, lr;
	s5 =	simm.s32 $0xFFFFFFFF;
	p2 =	slt.u32 s8, $0xFFFFF086  }
0x1c: {  	p1 =	slt.u32 s9, $0xF7A;
	s5 =	simm.s32 @!p2 $0x0  }
0x1d: {  	s5 =	simm.s32 @p1 $0x1;
	p0 =	seq.s32 s7, s2  }
0x1e: {  	s7 =	smul.u32 @!p0 $0xF7A, s2;
	p2 =	seq.s32 @!p0 s5, $0x0  }
0x1f: {  	s9 =	smul.u32 $0xF7A, s1;
	s8 =	simm.s32 @!p0 $0x1BF5;
	p2 =	por !p2, p0  }
0x20: {  	[sflag:s8] =	ssyncset.s32 @!p0 $0xFFFFF086;
	s6 =	sadd.s32 @!p0 s3, s7;
	s7 =	simm.s32 @!p0 $0x108  }
0x21: {  	s3 =	sadd.s32 s3, s9;
	s6 =	sadd.s32 @!p0 $0x88, s6;
	s7 =	simm.s32 @p2 $0x1082  }
0x22: {  	[simem:s7], [sflag:s8] =	dma.local @!p0 [hbm:s6], $0xF7A  }
0x23: {  	s9 =	sor.u32 $0xD0000000, s2;
	s6 =	simm.s32 $0x108;
	_ =	swait.ge @!p0 [sflag:s8], $0x0  }
0x24: {  	s3 =	sadd.s32 $0x88, s3;
	s6 =	simm.s32 @!p1 $0x1082;
	[sflag:s4] =	ssyncset.s32 $0xFFFFF086  }
0x25: {  	[simem:s6], [sflag:s4] =	dma.local [hbm:s3], $0xF7A  }
0x26: {  	[smem:$0x3F96] =	sst s1;
	(tag) =	ssettag s2;
	_ =	strace s9  }
0x27: {  	s1 =	sld [smem:$0x3FA6]  }
0x28: {  	s2 =	sld [smem:$0x3FA7]  }
0x29: {  	s4 =	sld [smem:$0x3FA9]  }
0x2a: {  	p0 =	seq.s32 s5, $0x0;
	s5 =	sld [smem:$0x3FAA]  }
0x2b: {  	s6 =	sld [smem:$0x3FAB]  }
0x2c: {  	s7 =	sld [smem:$0x3FAC]  }
0x2d: {  	s3 =	simm.s32 $0x108;
	s8 =	sld [smem:$0x3FAD]  }
0x2e: {  	s3 =	simm.s32 @!p0 $0x1082;
	s9 =	sld [smem:$0x3FAE]  }
0x2f: {  	lr =	sadd.s32 s0, s3;
	s0 =	sld [smem:$0x3FA5]  }
0x30: {  	s3 =	sld [smem:$0x3FA8]  }
0x31: {  	[smem:$0x3FB1] =	sst s10  }
0x32: {  	s10 =	sld [smem:$0x3FAF];
	_ =	sdelay $0x3  }
0x33: {  	p0 =	seq.s32 s10, $0x1;
	s10 =	sld [smem:$0x3FB1];
	_ =	sdelay $0x3  }
0x34: {  	[smem:$0x3FB1] =	sst s10  }
0x35: {  	s10 =	sld [smem:$0x3FB0];
	_ =	sdelay $0x3  }
0x36: {  	p1 =	seq.s32 s10, $0x1;
	s10 =	sld [smem:$0x3FB1];
	_ =	sdelay $0x3  }
0x37: {  	[smem:$0x3FB1] =	sst s10  }
0x38: {  	s10 =	sld [smem:$0x3FB2]  }
0x39: {  	_ = 	snop;
	(pc) =	sbr.ind lr, $3  }
0x3a: {  	_ = 	snop  }
0x3b: {  	_ = 	snop  }
0x3c: {  	p2 =	seq.s32 s10, $0x1;
	s10 =	sld [smem:$0x3FB1]  }
0x3d: {  	_ =	shalt  }
0x3e: {  	_ =	shalt  }
0x3f: {  	_ =	shalt  }
0x40: {  	_ =	shalt  }
0x41: {  	_ =	shalt  }
0x42: {  	_ =	shalt  }
0x43: {  	_ =	shalt  }
0x44: {  	_ =	shalt  }
0x45: {  	_ =	shalt  }
0x46: {  	_ =	shalt  }
0x47: {  	_ =	shalt  }
0x48: {  	_ =	shalt  }
0x49: {  	_ =	shalt  }
0x4a: {  	_ =	shalt  }
0x4b: {  	_ =	shalt  }
0x4c: {  	_ =	shalt  }
0x4d: {  	_ =	shalt  }
0x4e: {  	_ =	shalt  }
0x4f: {  	_ =	shalt  }
0x50: {  	_ =	shalt  }
0x51: {  	_ =	shalt  }
0x52: {  	_ =	shalt  }
0x53: {  	_ =	shalt  }
0x54: {  	_ =	shalt  }
0x55: {  	_ =	shalt  }
0x56: {  	_ =	shalt  }
0x57: {  	_ =	shalt  }
0x58: {  	_ =	shalt  }
0x59: {  	_ =	shalt  }
0x5a: {  	_ =	shalt  }
0x5b: {  	_ =	shalt  }
0x5c: {  	_ =	shalt  }
0x5d: {  	_ =	shalt  }
0x5e: {  	_ =	shalt  }
0x5f: {  	_ =	shalt  }
0x60: {  	_ =	shalt  }
0x61: {  	_ =	shalt  }
0x62: {  	_ =	shalt  }
0x63: {  	_ =	shalt  }
0x64: {  	_ =	shalt  }
0x65: {  	_ =	shalt  }
0x66: {  	_ =	shalt  }
0x67: {  	_ =	shalt  }
0x68: {  	_ =	shalt  }
0x69: {  	_ =	shalt  }
0x6a: {  	_ =	shalt  }
0x6b: {  	_ =	shalt  }
0x6c: {  	_ =	shalt  }
0x6d: {  	_ =	shalt  }
0x6e: {  	_ =	shalt  }
0x6f: {  	_ =	shalt  }
0x70: {  	_ =	shalt  }
0x71: {  	_ =	shalt  }
0x72: {  	_ =	shalt  }
0x73: {  	_ =	shalt  }
0x74: {  	_ =	shalt  }
0x75: {  	_ =	shalt  }
0x76: {  	_ =	shalt  }
0x77: {  	_ =	shalt  }
0x78: {  	_ =	shalt  }
0x79: {  	_ =	shalt  }
0x7a: {  	_ =	shalt  }
0x7b: {  	_ =	shalt  }
0x7c: {  	_ =	shalt  }
0x7d: {  	_ =	shalt  }
0x7e: {  	_ =	shalt  }
0x7f: {  	_ =	shalt  }
0x80: {  	_ =	shalt  }
0x81: {  	_ =	shalt  }
0x82: {  	_ =	shalt  }
0x83: {  	_ =	shalt  }
0x84: {  	_ =	shalt  }
0x85: {  	_ =	shalt  }
0x86: {  	_ =	shalt  }
0x87: {  	_ =	shalt  }
.Lfunc_end0:
.L_simem_size_0:
called_computation.1_lowered:
.L_overlay_start_0:
0x88: {  	s2 =	sld [smem:$0x3FD9]  }
0x89: {  	s3 =	sld [smem:$0x3FFE];
	_ =	sdelay $0x1  }
0x8a: {  	s1 =	srdreg.scid  }
0x8b: {  	s0 =	sand.u32 $0x1, s1  }
0x8c: {  	s17 =	sshll.u32 s0, $0xA;
	s2 =	sadd.s32 s3, s2  }
0x8d: {  	s2 =	sadd.s32 s2, s17  }
0x8e: {  	[smem:$0x3FBD] =	sst s2  }
0x8f: {  	_ = 	snop  }
0x90: {  	s2 =	sld [smem:$0x3FC9];
	(tm) =	ssettm $0x1  }
0x91: {  	s18 =	sld [smem:$0x3FFB];
	_ =	sdelay $0x3  }
0x92: {  	_ =	strace s18  }
0x93: {  	s3 =	sld [smem:$0x3FFC];
	_ =	sdelay $0x3  }
0x94: {  	_ =	strace s3  }
0x95: {  	s3 =	sld [smem:$0x3FFD];
	_ =	sdelay $0x3  }
0x96: {  	_ =	strace s3  }
0x97: {  	_ =	strace $0x8FFFFFFF  }
0x98: {  	s19 =	sld [smem:$0x3FDB];
	_ =	sdelay $0x1  }
0x99: {  	s4 =	simm.s32 $_scs_section_size  }
0x9a: {  	s5 =	simm.s32 $_size__tile_overlayer_lowered;
	s6 =	simm.s32 $_tile_overlayer_lowered  }
0x9b: {  	s22 =	simm.s32 $0x1BFF;
	s21 =	sshll.u32 s6, $0x1;
	s3 =	sadd.s32 s4, s19  }
0x9c: {  	s7 =	simm.s32 $0x0;
	s20 =	sshll.u32 s5, $0x1;
	s5 =	sadd.s32 s21, s3  }
0x9d: {  	[timem:s7], [sflag:s22] =	dma.local [hbm:s5], s20  }
0x9e: {  	_ =	swait.ge [sflag:s22], s20  }
0x9f: {  	s4 =	ssub.s32 $0x0, s20;
	[sflag:s22] =	ssyncset.done $0x0  }
0xa0: {  	[sflag:s22] =	ssyncadd.s32 s4;
	_ =	sdelay $0x1  }
0xa1: {  	s23 =	simm.s32 $0x1B8B  }
0xa2: {  	_ =	swait.ge [sflag:s23], $0x1  }
0xa3: {  	[sflag:s23] =	ssyncset.done $0x0  }
0xa4: {  	s25 =	simm.s32 $0x1B8E;
	s24 =	sld [smem:$0x3FFE];
	[sflag:s23] =	ssyncadd.s32 $0xFFFFFFFF  }
0xa5: {  	s26 =	simm.s32 $execute0_lowered;
	[smem:$0x3FD2] =	sst s25  }
0xa6: {  	s5 =	sshll.u32 s26, $0x1;
	_ =	strace $0x80000046;
	[dreg:$0x1] =	wrdreg $0xFFFFFFFF  }
0xa7: {  	s28 =	simm.s32 $_size_execute0_lowered;
	s3 =	sadd.s32 s3, s5;
	[dreg:$0x0] =	wrdreg $0x0  }
0xa8: {  	s5 =	sshll.u32 s28, $0x1;
	[dreg:$0x2] =	wrdreg s3  }
0xa9: {  	[dreg:$0x3] =	wrdreg s5  }
0xaa: {  	[dreg:$0x4] =	wrdreg $0xC0  }
0xab: {  	_ =	task [dreg:s7], $0x5FFFF  }
0xac: {  	[dreg:$0x1] =	wrdreg $0xFFFFFFFF  }
0xad: {  	[dreg:$0x0] =	wrdreg $0x60  }
0xae: {  	[dreg:$0x2] =	wrdreg s2  }
0xaf: {  	[dreg:$0x3] =	wrdreg s24  }
0xb0: {  	[dreg:$0x4] =	wrdreg $0xB8000  }
0xb1: {  	[dreg:$0x5] =	wrdreg $0xA  }
0xb2: {  	_ =	task.clear_ibuf [dreg:s7], $0x6FFFF;
	_ =	strace $0x90000046  }
0xb3: {  	s29 =	simm.s32 $0xA;
	_ =	strace $0x80000048  }
0xb4: {  	_ =	swait.ge [sflag:s29], $0x1  }
0xb5: {  	[sflag:s29] =	ssyncadd.s32 $0xFFFFFFFF  }
0xb6: {  	_ =	strace $0x90000048  }
0xb7: {  	_ =	sfence  }
0xb8: {  	s30 =	sld [smem:$0x0];
	_ =	sdelay $0x2  }
0xb9: {  	s31 =	sshll.u32 s1, $0xD;
	s1 =	sshrl.u32 s1, $0x2  }
0xba: {  	s3 =	sand.u32 $0x4000, s31;
	s1 =	sadd.s32 s1, s30  }
0xbb: {  	s0 =	sor.u32 s3, s0;
	s1 =	sshll.u32 s1, $0x11  }
0xbc: {  	s0 =	sor.u32 s1, s0  }
0xbd: {  	s0 =	sadd.s32 $0x8F2B, s0  }
0xbe: {  	[sflag:s0] =	ssyncadd.remote.s32 $0x1  }
0xbf: {  	_ =	sfence.sel $0xFFFF  }
0xc0: {  	[dreg:$0x0] =	wrdreg $0xFFFFFFFF;
	(pc) =	sbr.abs _section_cstart, $3  }
0xc1: {  	[dreg:$0x1] =	wrdreg $0xFFFFFFFF  }
0xc2: {  	_ =	task.clear_ibuf [dreg:s7], $0x2FFFF;
	_ =	strace $0x9FFFFFFF  }
0xc3: {  	(tm) =	ssettm $0x7FFFFFFF  }
tec
execute0_lowered:
.L_overlay_start_1:
0x0: {  	(tag) =	ssettag $0x1  }
0x1: {  	s2 =	rddreg [dreg:$0x0]  }
0x2: {  	s8 =	rddreg [dreg:$0x1]  }
0x3: {  	s3 =	rddreg [dreg:$0x2]  }
0x4: {  	s0 =	rddreg [dreg:$0x3]  }
0x5: {  	s1 =	stileid.u32;
	s5 =	srdreg.scid;
	s4 =	simm.s32 $0x0  }
0x6: {  	s17 =	simm.s32 $0x80;
	s18 =	simm.s32 $0x3800;
	s19 =	simm.s32 $0x1  }
0x7: {  	s20 =	simm.s32 $0x7800;
	s21 =	simm.s32 $0x2;
	s22 =	simm.s32 $0x1C80  }
0x8: {  	s23 =	simm.s32 $0x3;
	s24 =	simm.s32 $0x0;
	s6 =	smul.u32 $0x13C00, s1  }
0x9: {  	s9 =	sand.u32 $0x1, s5;
	[smem:$0x7FF] =	sst s4;
	s26 =	smul.u32 $0x4F000, s1  }
0xa: {  	s5 =	sadd.s32 $0xE00, s8;
	s31 =	sshll.u32 s1, $0x6;
	s7 =	smul.u32 $0x13C000, s9  }
0xb: {  	_ =	strace $0x80000047;
	s12 =	ssub.s32 $0x2, s9;
	p0 =	seq.s32 s9, $0x0  }
0xc: {  	s9 =	sshll.u32 s9, $0x4;
	s10 =	sshrl.u32 s6, $0x3;
	s25 =	sshrl.u32 s12, $0x1  }
0xd: {  	s28 =	sor.u32 s1, s9;
	s30 =	sshrl.u32 s26, $0x2;
	s7 =	sadd.s32 s6, s7  }
0xe: {  	s9 =	sor.u32 $0x1C04, s31;
	s11 =	sshrl.u32 s7, $0x3;
	s7 =	simm.s32 $0x76  }
0xf: {  	s6 =	sadd.s32 $0x15E00, s8;
	s10 =	sadd.s32 s10, s8;
	s7 =	simm.s32 @!p0 $0x28  }
.Ltmp0:
0x10: {  	s15 =	ssub.s32 s12, s25;
	s14 =	sadd.s32 $0x36, s7;
	(pc) =	sbr.rel .LBB2_1-.Ltmp0, $4  }
0x11: {  	s13 =	sadd.s32 s11, s8;
	s11 =	smul.u32 $0x5400, s28;
	s29 =	sshrl.u32 s14, $0x3  }
0x12: {  	s16 =	sadd.s32 s30, s3;
	s8 =	sadd.s32 $0x2AE00, s10;
	s14 =	smul.u32 $0x25, s29  }
0x13: {  	s12 =	sadd.s32 $0x52600, s13;
	s13 =	smax.u32 s15, $0x1;
	s15 =	simm.s32 $0x4  }
0x14: {  	s10 =	sshrl.u32 s14, $0x8;
	s14 =	sshrl.u32 s16, $0x3;
	s16 =	simm.s32 $0x1C00  }
.LBB2_9:
0x15: {  	s24 =	sadd.s32 $0x1, s24  }
0x16: {  	p0 =	sne.s32 s24, s13  }
.Ltmp1:
0x17: {  	[bflag:$0x0] =	sbarrier.arrive $0xFFFF;
	(pc) =	sbr.rel @!p0 .LBB2_10-.Ltmp1, $4  }
0x18: {  	[hbm:s12], [sflag:s9] =	dma.local [spmem:s14], $0x2780  }
0x19: {  	_ =	swait.ge [sflag:s15], $0x2780  }
0x1a: {  	[sflag:s15] =	ssyncset.done $0x0  }
0x1b: {  	[sflag:s15] =	ssyncadd.s32 $0xFFFFD880  }
.LBB2_1:
0x1c: {  	[spmem:s14], [sflag:s9] =	dma.local [hbm:s8], $0x2780  }
.Ltmp2:
0x1d: {  	_ =	swait.ge [sflag:s15], $0x2780;
	(pc) =	sbr.rel .LBB2_2-.Ltmp2, $4  }
0x1e: {  	[sflag:s15] =	ssyncset.done $0x0  }
0x1f: {  	[sflag:s15] =	ssyncadd.s32 $0xFFFFD880  }
0x20: {  	[bflag:$0x0] =	sbarrier.arrive $0xFFFF  }
0x21: {  	s25 =	simm.s32 $0x0  }
.LBB2_6:
0x22: {  	[spmem:s3] =	stream.indirect.scatter.add.f32 [tilespmem:s20], [sflag:$0x3], $0x80, s30, s17, $0xb8;
	[tilespmem:$0x1F400] =	vst v63  }
.LBB2_7:
0x23: {  	_ =	swait.ge [sflag:s23], $0x4000  }
0x24: {  	[sflag:s23] =	ssyncset.done $0x0  }
0x25: {  	[sflag:s23] =	ssyncadd.s32 $0xFFFFC000  }
.LBB2_8:
0x26: {  	s25 =	sadd.s32 $0x1, s25  }
0x27: {  	p0 =	sne.s32 s25, s10  }
.Ltmp3:
0x28: {  	_ = 	snop;
	(pc) =	sbr.rel @!p0 .LBB2_9-.Ltmp3, $1  }
0x29: {  	_ =	sdelay $0x3  }
.LBB2_2:
0x2a: {  	s26 =	smul.u32 $0x1C00, s25;
	_ =	sdelay $0x1  }
0x2b: {  	s26 =	sadd.s32 s11, s26  }
0x2c: {  	s26 =	sshrl.u32 s26, $0x3  }
0x2d: {  	s28 =	sadd.s32 s5, s26  }
0x2e: {  	[tilespmem:s4], [sflag:$0x4] =	stream.linear.gather [hbm4b:s28+s4], $0x1C00, $0x38;
	[tilespmem:$0x1F400] =	vst v63  }
0x2f: {  	s28 =	smul.u32 $0xFFFFFFC8, s25;
	_ =	swait.ge [sflag:s15], $0x1C00  }
0x30: {  	[sflag:s15] =	ssyncset.done $0x0  }
0x31: {  	s26 =	sadd.s32 s6, s26;
	s28 =	sadd.s32 s7, s28;
	[sflag:s15] =	ssyncadd.s32 $0xFFFFE400  }
0x32: {  	[tilespmem:s16], [sflag:$0x4] =	stream.linear.gather [hbm4b:s26+s4], $0x1C00, $0x38;
	[tilespmem:$0x1F400] =	vst v63  }
0x33: {  	s26 =	sshra.s32 s28, $0x1  }
0x34: {  	p0 =	slt.s32 s26, $0x1  }
.Ltmp4:
0x35: {  	_ = 	snop;
	(pc) =	sbr.rel @p0 .LBB2_8-.Ltmp4, $4  }
0x36: {  	_ = 	snop  }
0x37: {  	_ =	swait.ge [sflag:s15], $0x1C00  }
0x38: {  	[sflag:s15] =	ssyncset.done $0x0  }
0x39: {  	[sflag:s15] =	ssyncadd.s32 $0xFFFFE400  }
0x3a: {  	[tilespmem:s18], [sflag:$0x1] =	stream.indirect.gather [hbm4b:s2+s17], $0x80, s4, s17, $0xb8;
	[tilespmem:$0x1F400] =	vst v63  }
0x3b: {  	_ =	swait.ge [sflag:s19], $0x4000  }
0x3c: {  	[sflag:s19] =	ssyncset.done $0x0  }
0x3d: {  	[sflag:s19] =	ssyncadd.s32 $0xFFFFC000  }
0x3e: {  	[spmem:s3] =	stream.indirect.scatter.add.f32 [tilespmem:s18], [sflag:$0x2], $0x80, s16, s17, $0xb8;
	[tilespmem:$0x1F400] =	vst v63  }
0x3f: {  	_ = 	snop  }
0x40: {  	[tilespmem:s20], [sflag:$0x1] =	stream.indirect.gather [hbm4b:s2+s17], $0x80, s17, s17, $0xb8;
	[tilespmem:$0x1F400] =	vst v63  }
0x41: {  	_ =	swait.ge [sflag:s19], $0x4000  }
0x42: {  	p0 =	seq.s32 s28, $0x2;
	[sflag:s19] =	ssyncset.done $0x0  }
.Ltmp5:
0x43: {  	[sflag:s19] =	ssyncadd.s32 $0xFFFFC000;
	(pc) =	sbr.rel @p0 .LBB2_7-.Ltmp5, $4  }
0x44: {  	_ =	swait.ge [sflag:s21], $0x4000  }
0x45: {  	[sflag:s21] =	ssyncset.done $0x0  }
0x46: {  	[sflag:s21] =	ssyncadd.s32 $0xFFFFC000  }
0x47: {  	[spmem:s3] =	stream.indirect.scatter.add.f32 [tilespmem:s20], [sflag:$0x3], $0x80, s22, s17, $0xb8;
	[tilespmem:$0x1F400] =	vst v63  }
0x48: {  	s28 =	simm.s32 $0x100  }
0x49: {  	[tilespmem:s18], [sflag:$0x1] =	stream.indirect.gather [hbm4b:s2+s17], $0x80, s28, s17, $0xb8;
	[tilespmem:$0x1F400] =	vst v63  }
0x4a: {  	_ =	swait.ge [sflag:s19], $0x4000  }
0x4b: {  	[sflag:s19] =	ssyncset.done $0x0  }
0x4c: {  	[sflag:s19] =	ssyncadd.s32 $0xFFFFC000  }
0x4d: {  	p0 =	sgt.s32 s26, $0x0;
	_ =	swait.ge [sflag:s23], $0x4000  }
0x4e: {  	s26 =	simm.s32 @!p0 $0x0;
	[sflag:s23] =	ssyncset.done $0x0  }
0x4f: {  	s28 =	simm.s32 $0x1D00;
	s26 =	smin.u32 s26, $0x1C;
	[sflag:s23] =	ssyncadd.s32 $0xFFFFC000  }
0x50: {  	[spmem:s3] =	stream.indirect.scatter.add.f32 [tilespmem:s18], [sflag:$0x2], $0x80, s28, s17, $0xb8;
	[tilespmem:$0x1F400] =	vst v63  }
0x51: {  	s26 =	sadd.s32 $0xFFFFFFFF, s26;
	s28 =	simm.s32 $0x180  }
0x52: {  	[tilespmem:s20], [sflag:$0x1] =	stream.indirect.gather [hbm4b:s2+s17], $0x80, s28, s17, $0xb8;
	[tilespmem:$0x1F400] =	vst v63  }
0x53: {  	p0 =	sne.s32 s26, $0x1;
	_ =	swait.ge [sflag:s19], $0x4000  }
.Ltmp6:
0x54: {  	[sflag:s19] =	ssyncset.done $0x0;
	(pc) =	sbr.rel @!p0 .LBB2_6-.Ltmp6, $4  }
0x55: {  	[sflag:s19] =	ssyncadd.s32 $0xFFFFC000  }
0x56: {  	_ =	swait.ge [sflag:s21], $0x4000  }
0x57: {  	s30 =	simm.s32 $0x1D80;
	s29 =	simm.s32 $0x200;
	[sflag:s21] =	ssyncset.done $0x0  }
0x58: {  	s26 =	sadd.s32 $0xFFFFFFFF, s26;
	s28 =	simm.s32 $0x1E00;
	[sflag:s21] =	ssyncadd.s32 $0xFFFFC000  }
.LBB2_5:
0x59: {  	[spmem:s3] =	stream.indirect.scatter.add.f32 [tilespmem:s20], [sflag:$0x3], $0x80, s30, s17, $0xb8;
	[tilespmem:$0x1F400] =	vst v63  }
0x5a: {  	p0 =	sne.s32 s26, $0x1;
	s26 =	sadd.s32 $0xFFFFFFFF, s26;
	s30 =	smov.u32 s28  }
0x5b: {  	[tilespmem:s18], [sflag:$0x1] =	stream.indirect.gather [hbm4b:s2+s17], $0x80, s29, s17, $0xb8;
	[tilespmem:$0x1F400] =	vst v63  }
0x5c: {  	_ =	swait.ge [sflag:s19], $0x4000  }
0x5d: {  	[sflag:s19] =	ssyncset.done $0x0  }
0x5e: {  	[sflag:s19] =	ssyncadd.s32 $0xFFFFC000  }
0x5f: {  	_ =	swait.ge [sflag:s23], $0x4000  }
0x60: {  	[sflag:s23] =	ssyncset.done $0x0  }
0x61: {  	[sflag:s23] =	ssyncadd.s32 $0xFFFFC000  }
0x62: {  	[spmem:s3] =	stream.indirect.scatter.add.f32 [tilespmem:s18], [sflag:$0x2], $0x80, s28, s17, $0xb8;
	[tilespmem:$0x1F400] =	vst v63  }
0x63: {  	s31 =	sadd.s32 $0x80, s29  }
0x64: {  	[tilespmem:s20], [sflag:$0x1] =	stream.indirect.gather [hbm4b:s2+s17], $0x80, s31, s17, $0xb8;
	[tilespmem:$0x1F400] =	vst v63  }
0x65: {  	_ =	swait.ge [sflag:s19], $0x4000  }
.Ltmp7:
0x66: {  	[sflag:s19] =	ssyncset.done $0x0;
	(pc) =	sbr.rel @p0 .LBB2_5-.Ltmp7, $4  }
0x67: {  	[sflag:s19] =	ssyncadd.s32 $0xFFFFC000  }
0x68: {  	_ =	swait.ge [sflag:s21], $0x4000  }
0x69: {  	s28 =	sadd.s32 $0x100, s28;
	[sflag:s21] =	ssyncset.done $0x0  }
0x6a: {  	s30 =	sadd.s32 $0x80, s30;
	s29 =	sadd.s32 $0x100, s29;
	[sflag:s21] =	ssyncadd.s32 $0xFFFFC000  }
.Ltmp8:
0x6b: {  	_ = 	snop;
	(pc) =	sbr.rel .LBB2_6-.Ltmp8, $1  }
0x6c: {  	_ =	sdelay $0x3  }
.LBB2_10:
0x6d: {  	_ =	sfence.sel $0x180000  }
0x6e: {  	[bflag:$0x0] =	sbarrier.arrive $0xFFFF  }
0x6f: {  	p0 =	sne.s32 s1, $0x0;
	_ =	strace $0x90000047  }
0x70: {  	s0 =	sadd.s32 @!p0 $0x100000, s0;
	[bflag:$0x2] =	sbarrier.arrive $0xFFFF  }
0x71: {  	[sflag:s0] =	ssyncadd.tile.s32 @!p0 $0x1;
	_ =	shalt  }
.Lfunc_end2:
_tile_overlayer_lowered:
.L_overlay_start_2:
0x72: {  	(tag) =	ssettag $0x2  }
0x73: {  	s0 =	rddreg [dreg:$0x0];
	s2 =	stileid.u32  }
0x74: {  	s1 =	rddreg [dreg:$0x1];
	p0 =	sne.s32 s2, $0x0  }
0x75: {  	s3 =	rddreg [dreg:$0x2];
	[bflag:$0x3] =	sbarrier.arrive $0xFFFF;
	s2 =	simm.s32 @!p0 $0x1C04  }
0x76: {  	[timem:s3], [sflag:s2] =	dma.local @!p0 [hbm:s0], s1  }
0x77: {  	s0 =	simm.s32 @!p0 $0x4  }
0x78: {  	_ =	swait.ge @!p0 [sflag:s0], s1  }
0x79: {  	s1 =	ssub.s32 @!p0 $0x0, s1;
	[sflag:s0] =	ssyncset.done @!p0 $0x0  }
0x7a: {  	[sflag:s0] =	ssyncadd.s32 @!p0 s1  }
0x7b: {  	[bflag:$0x3] =	sbarrier.arrive $0xFFFF  }
0x7c: {  	_ =	shalt  }

// kernel: sc_segment_sum.7.cloned.1.call-start
scs
__scs_entry_jumppad:
0x0: {  	(pc) =	sbr.rel $0x88, $3  }
0x1: {  	(tag) =	ssettag $0x0;
	lr =	simm.s32 $0x1  }
0x2: {  	[smem:$0x3F96] =	sst lr;
	_ =	strace $0xD0000000  }
0x3: {  	_ = 	snop  }
0x4: {  	_ = 	snop  }
0x5: {  	_ = 	snop  }
0x6: {  	_ = 	snop  }
0x7: {  	_ = 	snop  }
__scs_overlays_trampoline_lowered:
0x8: {  	[smem:$0x3FA5] =	sst s0  }
0x9: {  	[smem:$0x3FA6] =	sst s1  }
0xa: {  	[smem:$0x3FA7] =	sst s2  }
0xb: {  	[smem:$0x3FA8] =	sst s3  }
0xc: {  	[smem:$0x3FA9] =	sst s4  }
0xd: {  	[smem:$0x3FAA] =	sst s5  }
0xe: {  	[smem:$0x3FAB] =	sst s6  }
0xf: {  	[smem:$0x3FAC] =	sst s7  }
0x10: {  	[smem:$0x3FAD] =	sst s8  }
0x11: {  	[smem:$0x3FAE] =	sst s9;
	s0 =	simm.s32 @!p0 $0x0  }
0x12: {  	s1 =	sld [smem:$0x3F94];
	s0 =	simm.s32 @p0 $0x1  }
0x13: {  	[smem:$0x3FAF] =	sst s0;
	s0 =	simm.s32 @!p1 $0x0  }
0x14: {  	s2 =	sld [smem:$0x3F93];
	s0 =	simm.s32 @p1 $0x1  }
0x15: {  	[smem:$0x3FB0] =	sst s0;
	s0 =	simm.s32 @!p2 $0x0  }
0x16: {  	s3 =	sld [smem:$0x3FDB];
	s0 =	simm.s32 @p2 $0x1  }
0x17: {  	s4 =	simm.s32 $0x1BF5;
	[smem:$0x3FB2] =	sst s0  }
0x18: {  	s0 =	sld [smem:$0x3F95];
	_ =	swait.ge [sflag:s4], $0x0  }
0x19: {  	s7 =	sld [smem:$0x3F96]  }
0x1a: {  	s8 =	sadd.s32 $0xFFFFE003, lr  }
0x1b: {  	s9 =	sadd.s32 $0xFFFFFEF7, lr;
	s5 =	simm.s32 $0xFFFFFFFF;
	p2 =	slt.u32 s8, $0xFFFFF086  }
0x1c: {  	p1 =	slt.u32 s9, $0xF7A;
	s5 =	simm.s32 @!p2 $0x0  }
0x1d: {  	s5 =	simm.s32 @p1 $0x1;
	p0 =	seq.s32 s7, s2  }
0x1e: {  	s7 =	smul.u32 @!p0 $0xF7A, s2;
	p2 =	seq.s32 @!p0 s5, $0x0  }
0x1f: {  	s9 =	smul.u32 $0xF7A, s1;
	s8 =	simm.s32 @!p0 $0x1BF5;
	p2 =	por !p2, p0  }
0x20: {  	[sflag:s8] =	ssyncset.s32 @!p0 $0xFFFFF086;
	s6 =	sadd.s32 @!p0 s3, s7;
	s7 =	simm.s32 @!p0 $0x108  }
0x21: {  	s3 =	sadd.s32 s3, s9;
	s6 =	sadd.s32 @!p0 $0x88, s6;
	s7 =	simm.s32 @p2 $0x1082  }
0x22: {  	[simem:s7], [sflag:s8] =	dma.local @!p0 [hbm:s6], $0xF7A  }
0x23: {  	s9 =	sor.u32 $0xD0000000, s2;
	s6 =	simm.s32 $0x108;
	_ =	swait.ge @!p0 [sflag:s8], $0x0  }
0x24: {  	s3 =	sadd.s32 $0x88, s3;
	s6 =	simm.s32 @!p1 $0x1082;
	[sflag:s4] =	ssyncset.s32 $0xFFFFF086  }
0x25: {  	[simem:s6], [sflag:s4] =	dma.local [hbm:s3], $0xF7A  }
0x26: {  	[smem:$0x3F96] =	sst s1;
	(tag) =	ssettag s2;
	_ =	strace s9  }
0x27: {  	s1 =	sld [smem:$0x3FA6]  }
0x28: {  	s2 =	sld [smem:$0x3FA7]  }
0x29: {  	s4 =	sld [smem:$0x3FA9]  }
0x2a: {  	p0 =	seq.s32 s5, $0x0;
	s5 =	sld [smem:$0x3FAA]  }
0x2b: {  	s6 =	sld [smem:$0x3FAB]  }
0x2c: {  	s7 =	sld [smem:$0x3FAC]  }
0x2d: {  	s3 =	simm.s32 $0x108;
	s8 =	sld [smem:$0x3FAD]  }
0x2e: {  	s3 =	simm.s32 @!p0 $0x1082;
	s9 =	sld [smem:$0x3FAE]  }
0x2f: {  	lr =	sadd.s32 s0, s3;
	s0 =	sld [smem:$0x3FA5]  }
0x30: {  	s3 =	sld [smem:$0x3FA8]  }
0x31: {  	[smem:$0x3FB1] =	sst s10  }
0x32: {  	s10 =	sld [smem:$0x3FAF];
	_ =	sdelay $0x3  }
0x33: {  	p0 =	seq.s32 s10, $0x1;
	s10 =	sld [smem:$0x3FB1];
	_ =	sdelay $0x3  }
0x34: {  	[smem:$0x3FB1] =	sst s10  }
0x35: {  	s10 =	sld [smem:$0x3FB0];
	_ =	sdelay $0x3  }
0x36: {  	p1 =	seq.s32 s10, $0x1;
	s10 =	sld [smem:$0x3FB1];
	_ =	sdelay $0x3  }
0x37: {  	[smem:$0x3FB1] =	sst s10  }
0x38: {  	s10 =	sld [smem:$0x3FB2]  }
0x39: {  	_ = 	snop;
	(pc) =	sbr.ind lr, $3  }
0x3a: {  	_ = 	snop  }
0x3b: {  	_ = 	snop  }
0x3c: {  	p2 =	seq.s32 s10, $0x1;
	s10 =	sld [smem:$0x3FB1]  }
0x3d: {  	_ =	shalt  }
0x3e: {  	_ =	shalt  }
0x3f: {  	_ =	shalt  }
0x40: {  	_ =	shalt  }
0x41: {  	_ =	shalt  }
0x42: {  	_ =	shalt  }
0x43: {  	_ =	shalt  }
0x44: {  	_ =	shalt  }
0x45: {  	_ =	shalt  }
0x46: {  	_ =	shalt  }
0x47: {  	_ =	shalt  }
0x48: {  	_ =	shalt  }
0x49: {  	_ =	shalt  }
0x4a: {  	_ =	shalt  }
0x4b: {  	_ =	shalt  }
0x4c: {  	_ =	shalt  }
0x4d: {  	_ =	shalt  }
0x4e: {  	_ =	shalt  }
0x4f: {  	_ =	shalt  }
0x50: {  	_ =	shalt  }
0x51: {  	_ =	shalt  }
0x52: {  	_ =	shalt  }
0x53: {  	_ =	shalt  }
0x54: {  	_ =	shalt  }
0x55: {  	_ =	shalt  }
0x56: {  	_ =	shalt  }
0x57: {  	_ =	shalt  }
0x58: {  	_ =	shalt  }
0x59: {  	_ =	shalt  }
0x5a: {  	_ =	shalt  }
0x5b: {  	_ =	shalt  }
0x5c: {  	_ =	shalt  }
0x5d: {  	_ =	shalt  }
0x5e: {  	_ =	shalt  }
0x5f: {  	_ =	shalt  }
0x60: {  	_ =	shalt  }
0x61: {  	_ =	shalt  }
0x62: {  	_ =	shalt  }
0x63: {  	_ =	shalt  }
0x64: {  	_ =	shalt  }
0x65: {  	_ =	shalt  }
0x66: {  	_ =	shalt  }
0x67: {  	_ =	shalt  }
0x68: {  	_ =	shalt  }
0x69: {  	_ =	shalt  }
0x6a: {  	_ =	shalt  }
0x6b: {  	_ =	shalt  }
0x6c: {  	_ =	shalt  }
0x6d: {  	_ =	shalt  }
0x6e: {  	_ =	shalt  }
0x6f: {  	_ =	shalt  }
0x70: {  	_ =	shalt  }
0x71: {  	_ =	shalt  }
0x72: {  	_ =	shalt  }
0x73: {  	_ =	shalt  }
0x74: {  	_ =	shalt  }
0x75: {  	_ =	shalt  }
0x76: {  	_ =	shalt  }
0x77: {  	_ =	shalt  }
0x78: {  	_ =	shalt  }
0x79: {  	_ =	shalt  }
0x7a: {  	_ =	shalt  }
0x7b: {  	_ =	shalt  }
0x7c: {  	_ =	shalt  }
0x7d: {  	_ =	shalt  }
0x7e: {  	_ =	shalt  }
0x7f: {  	_ =	shalt  }
0x80: {  	_ =	shalt  }
0x81: {  	_ =	shalt  }
0x82: {  	_ =	shalt  }
0x83: {  	_ =	shalt  }
0x84: {  	_ =	shalt  }
0x85: {  	_ =	shalt  }
0x86: {  	_ =	shalt  }
0x87: {  	_ =	shalt  }
.Lfunc_end0:
.L_simem_size_0:
called_computation.2_lowered:
.L_overlay_start_0:
0x88: {  	s2 =	sld [smem:$0x3FD9]  }
0x89: {  	s3 =	sld [smem:$0x3FFE];
	_ =	sdelay $0x1  }
0x8a: {  	s1 =	srdreg.scid  }
0x8b: {  	s0 =	sand.u32 $0x1, s1  }
0x8c: {  	s16 =	sshll.u32 s0, $0xA;
	s2 =	sadd.s32 s3, s2  }
0x8d: {  	s2 =	sadd.s32 s2, s16  }
0x8e: {  	[smem:$0x3FBD] =	sst s2  }
0x8f: {  	_ = 	snop  }
0x90: {  	(tm) =	ssettm $0x1  }
0x91: {  	s17 =	sld [smem:$0x3FFB];
	_ =	sdelay $0x3  }
0x92: {  	_ =	strace s17  }
0x93: {  	s2 =	sld [smem:$0x3FFC];
	_ =	sdelay $0x3  }
0x94: {  	_ =	strace s2  }
0x95: {  	s2 =	sld [smem:$0x3FFD];
	_ =	sdelay $0x3  }
0x96: {  	_ =	strace s2  }
0x97: {  	_ =	strace $0x8FFFFFFF  }
0x98: {  	s18 =	sld [smem:$0x3FDB];
	_ =	sdelay $0x1  }
0x99: {  	s19 =	simm.s32 $_scs_section_size  }
0x9a: {  	s4 =	simm.s32 $_size__tile_overlayer_lowered;
	s5 =	simm.s32 $_tile_overlayer_lowered  }
0x9b: {  	s22 =	simm.s32 $0x1BFF;
	s21 =	sshll.u32 s5, $0x1;
	s2 =	sadd.s32 s19, s18  }
0x9c: {  	s6 =	simm.s32 $0x0;
	s20 =	sshll.u32 s4, $0x1;
	s4 =	sadd.s32 s21, s2  }
0x9d: {  	[timem:s6], [sflag:s22] =	dma.local [hbm:s4], s20  }
0x9e: {  	_ =	swait.ge [sflag:s22], s20  }
0x9f: {  	s3 =	ssub.s32 $0x0, s20;
	[sflag:s22] =	ssyncset.done $0x0  }
0xa0: {  	[sflag:s22] =	ssyncadd.s32 s3;
	_ =	sdelay $0x1  }
0xa1: {  	s23 =	simm.s32 $0x1B8B  }
0xa2: {  	_ =	swait.ge [sflag:s23], $0x1  }
0xa3: {  	[sflag:s23] =	ssyncset.done $0x0  }
0xa4: {  	s25 =	simm.s32 $0x1B8E;
	s24 =	sld [smem:$0x3FFE];
	[sflag:s23] =	ssyncadd.s32 $0xFFFFFFFF  }
0xa5: {  	s26 =	simm.s32 $execute0_lowered;
	[smem:$0x3FD2] =	sst s25  }
0xa6: {  	s4 =	sshll.u32 s26, $0x1;
	_ =	strace $0x8000004C;
	[dreg:$0x1] =	wrdreg $0xFFFFFFFF  }
0xa7: {  	s28 =	simm.s32 $_size_execute0_lowered;
	s2 =	sadd.s32 s2, s4;
	[dreg:$0x0] =	wrdreg $0x0  }
0xa8: {  	s4 =	sshll.u32 s28, $0x1;
	[dreg:$0x2] =	wrdreg s2  }
0xa9: {  	[dreg:$0x3] =	wrdreg s4  }
0xaa: {  	[dreg:$0x4] =	wrdreg $0xC0  }
0xab: {  	_ =	task [dreg:s6], $0x5FFFF  }
0xac: {  	[dreg:$0x1] =	wrdreg $0xFFFFFFFF  }
0xad: {  	[dreg:$0x0] =	wrdreg $0x60  }
0xae: {  	[dreg:$0x2] =	wrdreg s24  }
0xaf: {  	[dreg:$0x3] =	wrdreg $0xB8000  }
0xb0: {  	[dreg:$0x4] =	wrdreg $0x9  }
0xb1: {  	_ =	task.clear_ibuf [dreg:s6], $0x5FFFF;
	_ =	strace $0x9000004C  }
0xb2: {  	s29 =	simm.s32 $0x9;
	_ =	strace $0x8000004E  }
0xb3: {  	_ =	swait.ge [sflag:s29], $0x1  }
0xb4: {  	[sflag:s29] =	ssyncadd.s32 $0xFFFFFFFF  }
0xb5: {  	_ =	strace $0x9000004E  }
0xb6: {  	_ =	sfence  }
0xb7: {  	s30 =	sld [smem:$0x0];
	_ =	sdelay $0x2  }
0xb8: {  	s31 =	sshll.u32 s1, $0xD;
	s1 =	sshrl.u32 s1, $0x2  }
0xb9: {  	s3 =	sand.u32 $0x4000, s31;
	s1 =	sadd.s32 s1, s30  }
0xba: {  	s0 =	sor.u32 s3, s0;
	s1 =	sshll.u32 s1, $0x11  }
0xbb: {  	s0 =	sor.u32 s1, s0  }
0xbc: {  	s0 =	sadd.s32 $0x8F2B, s0  }
0xbd: {  	[sflag:s0] =	ssyncadd.remote.s32 $0x1  }
0xbe: {  	_ =	sfence.sel $0xFFFF  }
0xbf: {  	[dreg:$0x0] =	wrdreg $0xFFFFFFFF;
	(pc) =	sbr.abs _section_cstart, $3  }
0xc0: {  	[dreg:$0x1] =	wrdreg $0xFFFFFFFF  }
0xc1: {  	_ =	task.clear_ibuf [dreg:s6], $0x2FFFF;
	_ =	strace $0x9FFFFFFF  }
0xc2: {  	(tm) =	ssettm $0x7FFFFFFF  }
0xc3: {  	_ =	shalt  }
tec
execute0_lowered:
.L_overlay_start_1:
0x0: {  	(tag) =	ssettag $0x1  }
0x1: {  	s8 =	rddreg [dreg:$0x0]  }
0x2: {  	s2 =	rddreg [dreg:$0x1]  }
0x3: {  	s0 =	rddreg [dreg:$0x2];
	s1 =	stileid.u32  }
0x4: {  	s4 =	srdreg.scid;
	s3 =	simm.s32 $0x0;
	s17 =	simm.s32 $0x80  }
0x5: {  	s18 =	simm.s32 $0x3800;
	s19 =	simm.s32 $0x1;
	s20 =	simm.s32 $0x7800  }
0x6: {  	s21 =	simm.s32 $0x2;
	s22 =	simm.s32 $0x1C80;
	s23 =	simm.s32 $0x3  }
0x7: {  	s24 =	simm.s32 $0x0;
	s6 =	smul.u32 $0x13C00, s1;
	s9 =	sand.u32 $0x1, s4  }
0x8: {  	[smem:$0x7FF] =	sst s3;
	s4 =	sadd.s32 $0x52600, s8;
	s26 =	smul.u32 $0x4F000, s1  }
0x9: {  	s5 =	sadd.s32 $0xE00, s8;
	s31 =	sshll.u32 s1, $0x6;
	s7 =	smul.u32 $0x13C000, s9  }
0xa: {  	_ =	strace $0x8000004D;
	s12 =	ssub.s32 $0x2, s9;
	p0 =	seq.s32 s9, $0x0  }
0xb: {  	s9 =	sshll.u32 s9, $0x4;
	s10 =	sshrl.u32 s6, $0x3;
	s25 =	sshrl.u32 s12, $0x1  }
0xc: {  	s28 =	sor.u32 s1, s9;
	s30 =	sshrl.u32 s26, $0x2;
	s7 =	sadd.s32 s6, s7  }
0xd: {  	s9 =	sor.u32 $0x1C04, s31;
	s11 =	sshrl.u32 s7, $0x3;
	s7 =	simm.s32 $0x76  }
0xe: {  	s6 =	sadd.s32 $0x15E00, s8;
	s10 =	sadd.s32 s10, s8;
	s7 =	simm.s32 @!p0 $0x28  }
.Ltmp0:
0xf: {  	s15 =	ssub.s32 s12, s25;
	s14 =	sadd.s32 $0x36, s7;
	(pc) =	sbr.rel .LBB2_1-.Ltmp0, $4  }
0x10: {  	s13 =	sadd.s32 s11, s8;
	s11 =	smul.u32 $0x5400, s28;
	s29 =	sshrl.u32 s14, $0x3  }
0x11: {  	s16 =	sadd.s32 s30, s2;
	s8 =	sadd.s32 $0x2AE00, s10;
	s14 =	smul.u32 $0x25, s29  }
0x12: {  	s12 =	sadd.s32 $0xFA600, s13;
	s13 =	smax.u32 s15, $0x1;
	s15 =	simm.s32 $0x4  }
0x13: {  	s10 =	sshrl.u32 s14, $0x8;
	s14 =	sshrl.u32 s16, $0x3;
	s16 =	simm.s32 $0x1C00  }
.LBB2_9:
0x14: {  	s24 =	sadd.s32 $0x1, s24  }
0x15: {  	p0 =	sne.s32 s24, s13  }
.Ltmp1:
0x16: {  	[bflag:$0x0] =	sbarrier.arrive $0xFFFF;
	(pc) =	sbr.rel @!p0 .LBB2_10-.Ltmp1, $4  }
0x17: {  	[hbm:s12], [sflag:s9] =	dma.local [spmem:s14], $0x2780  }
0x18: {  	_ =	swait.ge [sflag:s15], $0x2780  }
0x19: {  	[sflag:s15] =	ssyncset.done $0x0  }
0x1a: {  	[sflag:s15] =	ssyncadd.s32 $0xFFFFD880  }
.LBB2_1:
0x1b: {  	[spmem:s14], [sflag:s9] =	dma.local [hbm:s8], $0x2780  }
.Ltmp2:
0x1c: {  	_ =	swait.ge [sflag:s15], $0x2780;
	(pc) =	sbr.rel .LBB2_2-.Ltmp2, $4  }
0x1d: {  	[sflag:s15] =	ssyncset.done $0x0  }
0x1e: {  	[sflag:s15] =	ssyncadd.s32 $0xFFFFD880  }
0x1f: {  	[bflag:$0x0] =	sbarrier.arrive $0xFFFF  }
0x20: {  	s25 =	simm.s32 $0x0  }
.LBB2_6:
0x21: {  	[spmem:s2] =	stream.indirect.scatter.add.f32 [tilespmem:s20], [sflag:$0x3], $0x80, s30, s17, $0xb8;
	[tilespmem:$0x1F400] =	vst v63  }
.LBB2_7:
0x22: {  	_ =	swait.ge [sflag:s23], $0x4000  }
0x23: {  	[sflag:s23] =	ssyncset.done $0x0  }
0x24: {  	[sflag:s23] =	ssyncadd.s32 $0xFFFFC000  }
.LBB2_8:
0x25: {  	s25 =	sadd.s32 $0x1, s25  }
0x26: {  	p0 =	sne.s32 s25, s10  }
.Ltmp3:
0x27: {  	_ = 	snop;
	(pc) =	sbr.rel @!p0 .LBB2_9-.Ltmp3, $1  }
0x28: {  	_ =	sdelay $0x3  }
.LBB2_2:
0x29: {  	s26 =	smul.u32 $0x1C00, s25;
	_ =	sdelay $0x1  }
0x2a: {  	s26 =	sadd.s32 s11, s26  }
0x2b: {  	s26 =	sshrl.u32 s26, $0x3  }
0x2c: {  	s28 =	sadd.s32 s5, s26  }
0x2d: {  	[tilespmem:s3], [sflag:$0x4] =	stream.linear.gather [hbm4b:s28+s3], $0x1C00, $0x38;
	[tilespmem:$0x1F400] =	vst v63  }
0x2e: {  	s28 =	smul.u32 $0xFFFFFFC8, s25;
	_ =	swait.ge [sflag:s15], $0x1C00  }
0x2f: {  	[sflag:s15] =	ssyncset.done $0x0  }
0x30: {  	s26 =	sadd.s32 s6, s26;
	s28 =	sadd.s32 s7, s28;
	[sflag:s15] =	ssyncadd.s32 $0xFFFFE400  }
0x31: {  	[tilespmem:s16], [sflag:$0x4] =	stream.linear.gather [hbm4b:s26+s3], $0x1C00, $0x38;
	[tilespmem:$0x1F400] =	vst v63  }
0x32: {  	s26 =	sshra.s32 s28, $0x1  }
0x33: {  	p0 =	slt.s32 s26, $0x1  }
.Ltmp4:
0x34: {  	_ = 	snop;
	(pc) =	sbr.rel @p0 .LBB2_8-.Ltmp4, $4  }
0x35: {  	_ = 	snop  }
0x36: {  	_ =	swait.ge [sflag:s15], $0x1C00  }
0x37: {  	[sflag:s15] =	ssyncset.done $0x0  }
0x38: {  	[sflag:s15] =	ssyncadd.s32 $0xFFFFE400  }
0x39: {  	[tilespmem:s18], [sflag:$0x1] =	stream.indirect.gather [hbm4b:s4+s17], $0x80, s3, s17, $0xb8;
	[tilespmem:$0x1F400] =	vst v63  }
0x3a: {  	_ =	swait.ge [sflag:s19], $0x4000  }
0x3b: {  	[sflag:s19] =	ssyncset.done $0x0  }
0x3c: {  	[sflag:s19] =	ssyncadd.s32 $0xFFFFC000  }
0x3d: {  	[spmem:s2] =	stream.indirect.scatter.add.f32 [tilespmem:s18], [sflag:$0x2], $0x80, s16, s17, $0xb8;
	[tilespmem:$0x1F400] =	vst v63  }
0x3e: {  	_ = 	snop  }
0x3f: {  	[tilespmem:s20], [sflag:$0x1] =	stream.indirect.gather [hbm4b:s4+s17], $0x80, s17, s17, $0xb8;
	[tilespmem:$0x1F400] =	vst v63  }
0x40: {  	_ =	swait.ge [sflag:s19], $0x4000  }
0x41: {  	p0 =	seq.s32 s28, $0x2;
	[sflag:s19] =	ssyncset.done $0x0  }
.Ltmp5:
0x42: {  	[sflag:s19] =	ssyncadd.s32 $0xFFFFC000;
	(pc) =	sbr.rel @p0 .LBB2_7-.Ltmp5, $4  }
0x43: {  	_ =	swait.ge [sflag:s21], $0x4000  }
0x44: {  	[sflag:s21] =	ssyncset.done $0x0  }
0x45: {  	[sflag:s21] =	ssyncadd.s32 $0xFFFFC000  }
0x46: {  	[spmem:s2] =	stream.indirect.scatter.add.f32 [tilespmem:s20], [sflag:$0x3], $0x80, s22, s17, $0xb8;
	[tilespmem:$0x1F400] =	vst v63  }
0x47: {  	s28 =	simm.s32 $0x100  }
0x48: {  	[tilespmem:s18], [sflag:$0x1] =	stream.indirect.gather [hbm4b:s4+s17], $0x80, s28, s17, $0xb8;
	[tilespmem:$0x1F400] =	vst v63  }
0x49: {  	_ =	swait.ge [sflag:s19], $0x4000  }
0x4a: {  	[sflag:s19] =	ssyncset.done $0x0  }
0x4b: {  	[sflag:s19] =	ssyncadd.s32 $0xFFFFC000  }
0x4c: {  	p0 =	sgt.s32 s26, $0x0;
	_ =	swait.ge [sflag:s23], $0x4000  }
0x4d: {  	s26 =	simm.s32 @!p0 $0x0;
	[sflag:s23] =	ssyncset.done $0x0  }
0x4e: {  	s28 =	simm.s32 $0x1D00;
	s26 =	smin.u32 s26, $0x1C;
	[sflag:s23] =	ssyncadd.s32 $0xFFFFC000  }
0x4f: {  	[spmem:s2] =	stream.indirect.scatter.add.f32 [tilespmem:s18], [sflag:$0x2], $0x80, s28, s17, $0xb8;
	[tilespmem:$0x1F400] =	vst v63  }
0x50: {  	s26 =	sadd.s32 $0xFFFFFFFF, s26;
	s28 =	simm.s32 $0x180  }
0x51: {  	[tilespmem:s20], [sflag:$0x1] =	stream.indirect.gather [hbm4b:s4+s17], $0x80, s28, s17, $0xb8;
	[tilespmem:$0x1F400] =	vst v63  }
0x52: {  	p0 =	sne.s32 s26, $0x1;
	_ =	swait.ge [sflag:s19], $0x4000  }
.Ltmp6:
0x53: {  	[sflag:s19] =	ssyncset.done $0x0;
	(pc) =	sbr.rel @!p0 .LBB2_6-.Ltmp6, $4  }
0x54: {  	[sflag:s19] =	ssyncadd.s32 $0xFFFFC000  }
0x55: {  	_ =	swait.ge [sflag:s21], $0x4000  }
0x56: {  	s30 =	simm.s32 $0x1D80;
	s29 =	simm.s32 $0x200;
	[sflag:s21] =	ssyncset.done $0x0  }
0x57: {  	s26 =	sadd.s32 $0xFFFFFFFF, s26;
	s28 =	simm.s32 $0x1E00;
	[sflag:s21] =	ssyncadd.s32 $0xFFFFC000  }
.LBB2_5:
0x58: {  	[spmem:s2] =	stream.indirect.scatter.add.f32 [tilespmem:s20], [sflag:$0x3], $0x80, s30, s17, $0xb8;
	[tilespmem:$0x1F400] =	vst v63  }
0x59: {  	p0 =	sne.s32 s26, $0x1;
	s26 =	sadd.s32 $0xFFFFFFFF, s26;
	s30 =	smov.u32 s28  }
0x5a: {  	[tilespmem:s18], [sflag:$0x1] =	stream.indirect.gather [hbm4b:s4+s17], $0x80, s29, s17, $0xb8;
	[tilespmem:$0x1F400] =	vst v63  }
0x5b: {  	_ =	swait.ge [sflag:s19], $0x4000  }
0x5c: {  	[sflag:s19] =	ssyncset.done $0x0  }
0x5d: {  	[sflag:s19] =	ssyncadd.s32 $0xFFFFC000  }
0x5e: {  	_ =	swait.ge [sflag:s23], $0x4000  }
0x5f: {  	[sflag:s23] =	ssyncset.done $0x0  }
0x60: {  	[sflag:s23] =	ssyncadd.s32 $0xFFFFC000  }
0x61: {  	[spmem:s2] =	stream.indirect.scatter.add.f32 [tilespmem:s18], [sflag:$0x2], $0x80, s28, s17, $0xb8;
	[tilespmem:$0x1F400] =	vst v63  }
0x62: {  	s31 =	sadd.s32 $0x80, s29  }
0x63: {  	[tilespmem:s20], [sflag:$0x1] =	stream.indirect.gather [hbm4b:s4+s17], $0x80, s31, s17, $0xb8;
	[tilespmem:$0x1F400] =	vst v63  }
0x64: {  	_ =	swait.ge [sflag:s19], $0x4000  }
.Ltmp7:
0x65: {  	[sflag:s19] =	ssyncset.done $0x0;
	(pc) =	sbr.rel @p0 .LBB2_5-.Ltmp7, $4  }
0x66: {  	[sflag:s19] =	ssyncadd.s32 $0xFFFFC000  }
0x67: {  	_ =	swait.ge [sflag:s21], $0x4000  }
0x68: {  	s28 =	sadd.s32 $0x100, s28;
	[sflag:s21] =	ssyncset.done $0x0  }
0x69: {  	s30 =	sadd.s32 $0x80, s30;
	s29 =	sadd.s32 $0x100, s29;
	[sflag:s21] =	ssyncadd.s32 $0xFFFFC000  }
.Ltmp8:
0x6a: {  	_ = 	snop;
	(pc) =	sbr.rel .LBB2_6-.Ltmp8, $1  }
0x6b: {  	_ =	sdelay $0x3  }
.LBB2_10:
0x6c: {  	_ =	sfence.sel $0x180000  }
0x6d: {  	[bflag:$0x0] =	sbarrier.arrive $0xFFFF  }
0x6e: {  	p0 =	sne.s32 s1, $0x0;
	_ =	strace $0x9000004D  }
0x6f: {  	s0 =	sadd.s32 @!p0 $0x100000, s0;
	[bflag:$0x2] =	sbarrier.arrive $0xFFFF  }
0x70: {  	[sflag:s0] =	ssyncadd.tile.s32 @!p0 $0x1;
	_ =	shalt  }
.Lfunc_end2:
_tile_overlayer_lowered:
.L_overlay_start_2:
0x71: {  	(tag) =	ssettag $0x2  }
0x72: {  	s0 =	rddreg [dreg:$0x0];
	s2 =	stileid.u32  }
0x73: {  	s1 =	rddreg [dreg:$0x1];
	p0 =	sne.s32 s2, $0x0  }
0x74: {  	s3 =	rddreg [dreg:$0x2];
	[bflag:$0x3] =	sbarrier.arrive $0xFFFF;
	s2 =	simm.s32 @!p0 $0x1C04  }
0x75: {  	[timem:s3], [sflag:s2] =	dma.local @!p0 [hbm:s0], s1  }
0x76: {  	s0 =	simm.s32 @!p0 $0x4  }
0x77: {  	_ =	swait.ge @!p0 [sflag:s0], s1  }
0x78: {  	s1 =	ssub.s32 @!p0 $0x0, s1;
	[sflag:s0] =	ssyncset.done @!p0 $0x0  }
0x79: {  	[sflag:s0] =	ssyncadd.s32 @!p0 s1  }
0x7a: {  	[bflag:$0x3] =	sbarrier.arrive $0xFFFF  }
0x7b: {  	_ =	shalt  }

</sc_bundles>
